<compile_context>
chip_gen: v7x
topology: tpu7x:2x2x1
jax: 0.10.2.dev20260603
libtpu: 0.0.44.dev20260713+nightly
codegen_flags: <defaults>
</compile_context>

<pallas_src>
import functools

import jax
import jax.numpy as jnp
from jax import lax
from jax.experimental import pallas as pl
from jax.experimental.pallas import tpu as pltpu
from jax.experimental.pallas import tpu_sc as plsc

N = 10000
D = 128
E_PAD = 331776
NB_T1 = 4096
N_ACC = 10016
KC = 128
NW = 32
RPS = N_ACC // 16


def _s1_body(src_h, dstc_h, w_h, px_h, py_h, pz_h, p_hbm, q_hbm,
             pqL_h, pqR_h, pdx_h, pdy_h, pdz_h, mom_h,
             px_v, py_v, pz_v, src_v, dst_v, w_v, prow, qrow,
             pqL_v, pqR_v, pdx_v, pdy_v, pdz_v, mom_v, sem):
    c = lax.axis_index("c")
    s = lax.axis_index("s")
    wid = s * 2 + c
    chunk_e = E_PAD // NW
    base0 = wid * chunk_e
    pltpu.sync_copy(px_h, px_v)
    pltpu.sync_copy(py_h, py_v)
    pltpu.sync_copy(pz_h, pz_v)

    def chunk(j, moms):
        base = base0 + j * KC
        c1 = pltpu.async_copy(src_h.at[pl.ds(base, KC)], src_v, sem)
        c2 = pltpu.async_copy(dstc_h.at[pl.ds(base, KC)], dst_v, sem)
        c3 = pltpu.async_copy(w_h.at[pl.ds(base, KC)], w_v, sem)
        c1.wait()
        c2.wait()
        c3.wait()
        g1 = pltpu.async_copy(p_hbm.at[dst_v], prow, sem)
        g2 = pltpu.async_copy(q_hbm.at[src_v], qrow, sem)
        g1.wait()
        g2.wait()

        def prow_loop(i, carry):
            for cb in range(8):
                r = prow[i, pl.ds(cb * 16, 16)] - qrow[i, pl.ds(cb * 16, 16)]
                if cb < 4:
                    pqL_v[i, pl.ds(cb * 16, 16)] = r
                else:
                    pqR_v[i, pl.ds((cb - 4) * 16, 16)] = r
            return carry

        lax.fori_loop(0, KC, prow_loop, 0)
        w1 = pltpu.async_copy(pqL_v, pqL_h.at[pl.ds(base, KC)], sem)
        w2 = pltpu.async_copy(pqR_v, pqR_h.at[pl.ds(base, KC)], sem)

        def pos_loop(g, m):
            sl = pl.ds(g * 16, 16)
            si = src_v[sl]
            di = dst_v[sl]
            wv = w_v[sl]
            dx = plsc.load_gather(px_v, [di]) - plsc.load_gather(px_v, [si])
            dy = plsc.load_gather(py_v, [di]) - plsc.load_gather(py_v, [si])
            dz = plsc.load_gather(pz_v, [di]) - plsc.load_gather(pz_v, [si])
            pdx_v[sl] = dx
            pdy_v[sl] = dy
            pdz_v[sl] = dz
            wdx = wv * dx
            wdy = wv * dy
            wdz = wv * dz
            return (m[0] + wdx, m[1] + wdy, m[2] + wdz,
                    m[3] + wdx * dx, m[4] + wdy * dy, m[5] + wdz * dz,
                    m[6] + wdx * dy, m[7] + wdx * dz, m[8] + wdy * dz,
                    m[9] + wv)

        moms = lax.fori_loop(0, KC // 16, pos_loop, moms)
        w3 = pltpu.async_copy(pdx_v, pdx_h.at[pl.ds(base, KC)], sem)
        w4 = pltpu.async_copy(pdy_v, pdy_h.at[pl.ds(base, KC)], sem)
        w5 = pltpu.async_copy(pdz_v, pdz_h.at[pl.ds(base, KC)], sem)
        w1.wait()
        w2.wait()
        w3.wait()
        w4.wait()
        w5.wait()
        return moms

    zero = jnp.zeros((16,), jnp.float32)
    moms = lax.fori_loop(0, chunk_e // KC, chunk, tuple(zero for _ in range(10)))
    for r in range(10):
        mom_v[r, :] = moms[r]
    for r in range(10, 16):
        mom_v[r, :] = zero
    pltpu.sync_copy(mom_v, mom_h.at[wid])


def _s1(src, dstc, w, posx, posy, posz, P, Q):
    mesh = plsc.VectorSubcoreMesh(core_axis_name="c", subcore_axis_name="s")
    f32 = jnp.float32
    k = functools.partial(
        pl.kernel, mesh=mesh,
        out_type=[jax.ShapeDtypeStruct((E_PAD, 64), f32),
                  jax.ShapeDtypeStruct((E_PAD, 64), f32),
                  jax.ShapeDtypeStruct((E_PAD,), f32),
                  jax.ShapeDtypeStruct((E_PAD,), f32),
                  jax.ShapeDtypeStruct((E_PAD,), f32),
                  jax.ShapeDtypeStruct((NW, 16, 16), f32)],
        scratch_types=[pltpu.VMEM((N,), f32), pltpu.VMEM((N,), f32),
                       pltpu.VMEM((N,), f32),
                       pltpu.VMEM((KC,), jnp.int32), pltpu.VMEM((KC,), jnp.int32),
                       pltpu.VMEM((KC,), f32),
                       pltpu.VMEM((KC, D), f32), pltpu.VMEM((KC, D), f32),
                       pltpu.VMEM((KC, 64), f32), pltpu.VMEM((KC, 64), f32),
                       pltpu.VMEM((KC,), f32), pltpu.VMEM((KC,), f32),
                       pltpu.VMEM((KC,), f32), pltpu.VMEM((16, 16), f32),
                       pltpu.SemaphoreType.DMA],
        compiler_params=pltpu.CompilerParams(needs_layout_passes=False,
                                             use_tc_tiling_on_sc=False),
    )(_s1_body)
    return k(src, dstc, w, posx, posy, posz, P, Q)


def _s2_body(alL, alR, dlL, dlR, hxL, hxR, src_h, dst_h, coef_h,
             acc_out,
             a_v, d_v, hx_a, hx_b, mm_v, src_a, src_b, dst_a, dst_b, coef_v,
             acc, sem_l, sem_ga, sem_gb, sem_s):
    c = lax.axis_index("c")
    s = lax.axis_index("s")

    def zb(i, carry):
        for cb in range(8):
            mm_v[i, pl.ds(cb * 16, 16)] = jnp.zeros((16,), jnp.float32)
        return carry

    lax.fori_loop(0, KC, zb, 0)
    row0 = s * RPS

    def zc(j, carry):
        pltpu.sync_copy(mm_v, acc.at[pl.ds(row0 + j * KC, KC)])
        return carry

    lax.fori_loop(0, 4, zc, 0)
    pltpu.sync_copy(mm_v.at[pl.ds(0, RPS - 4 * KC)],
                    acc.at[pl.ds(row0 + 4 * KC, RPS - 4 * KC)])
    pltpu.sync_copy(coef_h.at[c], coef_v)
    plsc.subcore_barrier()

    svec = [coef_v[0, pl.ds(cb * 16, 16)] for cb in range(4)]
    tvec = [coef_v[1, pl.ds(cb * 16, 16)] for cb in range(4)]
    gvec = [coef_v[2, pl.ds(cb * 16, 16)] for cb in range(4)]

    chunk_e = E_PAD // 16
    NCH = chunk_e // KC
    base0 = s * chunk_e

    def issue_gather(src_buf, hx_buf, sem_g):
        @pl.when(c == 0)
        def _():
            pltpu.async_copy(hxL.at[src_buf], hx_buf, sem_g)

        @pl.when(c == 1)
        def _():
            pltpu.async_copy(hxR.at[src_buf], hx_buf, sem_g)

    def issue_linear(base, dst_buf):
        pltpu.async_copy(dst_h.at[pl.ds(base, KC)], dst_buf, sem_l)

        @pl.when(c == 0)
        def _():
            pltpu.async_copy(alL.at[pl.ds(base, KC)], a_v, sem_l)
            pltpu.async_copy(dlL.at[pl.ds(base, KC)], d_v, sem_l)

        @pl.when(c == 1)
        def _():
            pltpu.async_copy(alR.at[pl.ds(base, KC)], a_v, sem_l)
            pltpu.async_copy(dlR.at[pl.ds(base, KC)], d_v, sem_l)

    def wait_linear(dst_buf):
        pltpu.make_async_copy(dst_h.at[pl.ds(0, KC)], dst_buf, sem_l).wait()
        pltpu.make_async_copy(alL.at[pl.ds(0, KC)], a_v, sem_l).wait()
        pltpu.make_async_copy(dlL.at[pl.ds(0, KC)], d_v, sem_l).wait()

    def wait_gather(hx_buf, sem_g):
        pltpu.make_async_copy(alL.at[pl.ds(0, KC)], hx_buf, sem_g).wait()

    def wait_scatter():
        pltpu.make_async_copy(acc_out.at[0, pl.ds(0, KC)], mm_v, sem_s).wait()

    def edge_loop(hx_buf):
        def edge(i, carry2):
            for cb in range(4):
                sl = pl.ds(cb * 16, 16)
                z = jnp.maximum(a_v[i, sl] * svec[cb] + tvec[cb], 0.0)
                ae = jnp.exp(z - gvec[cb])
                mm_v[i, pl.ds(64 + cb * 16, 16)] = ae
                mm_v[i, sl] = ae * (hx_buf[i, sl] + d_v[i, sl])
            return carry2

        lax.fori_loop(0, KC, edge, 0, unroll=2)

    pltpu.sync_copy(src_h.at[pl.ds(base0, KC)], src_a)
    issue_gather(src_a, hx_a, sem_ga)

    def iot(g, carry):
        dst_a[pl.ds(g * 16, 16)] = lax.iota(jnp.int32, 16) + g * 16
        return carry

    lax.fori_loop(0, KC // 16, iot, 0)
    pltpu.async_copy(mm_v, acc.at[dst_a], sem_s, add=True)

    def pair(t, carry):
        j = 2 * t
        issue_linear(base0 + j * KC, dst_a)
        pltpu.sync_copy(src_h.at[pl.ds(base0 + (j + 1) * KC, KC)], src_b)
        issue_gather(src_b, hx_b, sem_gb)
        wait_linear(dst_a)
        wait_scatter()
        wait_gather(hx_a, sem_ga)
        edge_loop(hx_a)
        pltpu.async_copy(mm_v, acc.at[dst_a], sem_s, add=True)
        j1 = j + 1
        issue_linear(base0 + j1 * KC, dst_b)
        basen = jnp.minimum(base0 + (j1 + 1) * KC, base0 + (NCH - 1) * KC)
        pltpu.sync_copy(src_h.at[pl.ds(basen, KC)], src_a)
        issue_gather(src_a, hx_a, sem_ga)
        wait_linear(dst_b)
        wait_scatter()
        wait_gather(hx_b, sem_gb)
        edge_loop(hx_b)
        pltpu.async_copy(mm_v, acc.at[dst_b], sem_s, add=True)
        return carry

    lax.fori_loop(0, NCH // 2, pair, 0)
    wait_scatter()
    wait_gather(hx_a, sem_ga)
    plsc.subcore_barrier()
    pltpu.sync_copy(acc.at[pl.ds(row0, RPS)], acc_out.at[c, pl.ds(row0, RPS)])


def _s2(alL, alR, dlL, dlR, hxL, hxR, src, dst, coef):
    mesh = plsc.VectorSubcoreMesh(core_axis_name="c", subcore_axis_name="s")
    f32 = jnp.float32
    k = functools.partial(
        pl.kernel, mesh=mesh,
        out_type=[jax.ShapeDtypeStruct((2, N_ACC, D), f32)],
        scratch_types=[pltpu.VMEM((KC, 64), f32), pltpu.VMEM((KC, 64), f32),
                       pltpu.VMEM((KC, 64), f32), pltpu.VMEM((KC, 64), f32),
                       pltpu.VMEM((KC, D), f32),
                       pltpu.VMEM((KC,), jnp.int32), pltpu.VMEM((KC,), jnp.int32),
                       pltpu.VMEM((KC,), jnp.int32), pltpu.VMEM((KC,), jnp.int32),
                       pltpu.VMEM((3, 64), f32),
                       pltpu.VMEM_SHARED((N_ACC, D), f32),
                       pltpu.SemaphoreType.DMA, pltpu.SemaphoreType.DMA,
                       pltpu.SemaphoreType.DMA, pltpu.SemaphoreType.DMA],
        compiler_params=pltpu.CompilerParams(needs_layout_passes=False,
                                             use_tc_tiling_on_sc=False),
    )(_s2_body)
    return k(alL, alR, dlL, dlR, hxL, hxR, src, dst, coef)


def _t0_body(x_ref, winT, b_in, wlinT, wdstT, wsrcT, wattnT, b_attn,
             hx_o, p_o, q_o):
    h = jax.nn.relu(jnp.dot(x_ref[...], winT[...],
                            preferred_element_type=jnp.float32) + b_in[...])
    hx = jnp.dot(h, wlinT[...], preferred_element_type=jnp.float32)
    p = jnp.dot(jnp.dot(h, wdstT[...], preferred_element_type=jnp.float32),
                wattnT[...], preferred_element_type=jnp.float32) + b_attn[...]
    q = jnp.dot(jnp.dot(h, wsrcT[...], preferred_element_type=jnp.float32),
                wattnT[...], preferred_element_type=jnp.float32)
    hx_o[...] = hx
    p_o[...] = p
    q_o[...] = q


def _t0(x, winT, b_in, wlinT, wdstT, wsrcT, wattnT, b_attn):
    B = 2000
    grid = N // B
    full = lambda s: pl.BlockSpec(s, lambda i: (0, 0))
    return pl.pallas_call(
        _t0_body,
        grid=(grid,),
        in_specs=[pl.BlockSpec((B, D), lambda i: (i, 0)),
                  full((D, D)), full((1, D)), full((D, D)), full((D, D)),
                  full((D, D)), full((D, D)), full((1, D))],
        out_specs=[pl.BlockSpec((B, D), lambda i: (i, 0)),
                   pl.BlockSpec((B, D), lambda i: (i, 0)),
                   pl.BlockSpec((B, D), lambda i: (i, 0))],
        out_shape=[jax.ShapeDtypeStruct((N, D), jnp.float32),
                   jax.ShapeDtypeStruct((N, D), jnp.float32),
                   jax.ShapeDtypeStruct((N, D), jnp.float32)],
    )(x, winT, b_in, wlinT, wdstT, wsrcT, wattnT, b_attn)


def _t1_body(pqL, pqR, pw, a_ref, c0_ref, wattnT, alL_o, alR_o, dlL_o, dlR_o, st_o):
    i = pl.program_id(0)
    a = a_ref[...]
    delta = jax.nn.relu(pw[:, 0:1] * a[0:1, :] + pw[:, 1:2] * a[1:2, :]
                        + pw[:, 2:3] * a[2:3, :] + c0_ref[...])
    pq = jnp.concatenate([pqL[...], pqR[...]], axis=1)
    alpha = pq + jnp.dot(delta, wattnT[...], preferred_element_type=jnp.float32)
    alL_o[...] = alpha[:, :64]
    alR_o[...] = alpha[:, 64:]
    dlL_o[...] = delta[:, :64]
    dlR_o[...] = delta[:, 64:]
    w = pw[:, 3:4]
    s0 = jnp.sum(w * alpha, axis=0)[None, :]
    s1 = jnp.sum(w * alpha * alpha, axis=0)[None, :]
    mask = w > 0.0
    mx = jnp.max(jnp.where(mask, alpha, -3e38), axis=0)[None, :]
    mn = jnp.min(jnp.where(mask, alpha, 3e38), axis=0)[None, :]

    @pl.when(i == 0)
    def _init():
        st_o[...] = jnp.concatenate(
            [jnp.zeros((2, D), jnp.float32),
             jnp.full((1, D), -3e38, jnp.float32),
             jnp.full((1, D), 3e38, jnp.float32),
             jnp.zeros((4, D), jnp.float32)], axis=0)

    acc = st_o[...]
    st_o[...] = jnp.concatenate(
        [acc[0:1] + s0, acc[1:2] + s1,
         jnp.maximum(acc[2:3], mx), jnp.minimum(acc[3:4], mn), acc[4:8]], axis=0)


def _t1(pqL, pqR, pw, A3, c0, wattnT):
    B = NB_T1
    grid = E_PAD // B
    full = lambda s: pl.BlockSpec(s, lambda i: (0, 0))
    eb64 = pl.BlockSpec((B, 64), lambda i: (i, 0))
    return pl.pallas_call(
        _t1_body,
        grid=(grid,),
        in_specs=[eb64, eb64, pl.BlockSpec((B, 4), lambda i: (i, 0)),
                  full((3, D)), full((1, D)), full((D, D))],
        out_specs=[eb64, eb64, eb64, eb64, full((8, D))],
        out_shape=[jax.ShapeDtypeStruct((E_PAD, 64), jnp.float32),
                   jax.ShapeDtypeStruct((E_PAD, 64), jnp.float32),
                   jax.ShapeDtypeStruct((E_PAD, 64), jnp.float32),
                   jax.ShapeDtypeStruct((E_PAD, 64), jnp.float32),
                   jax.ShapeDtypeStruct((8, D), jnp.float32)],
    )(pqL, pqR, pw, A3, c0, wattnT)


def _t2_body(nF, aF, woutT, b_out, o_ref):
    outp = nF[...] / (aF[...] + 1e-16)
    o_ref[...] = jax.nn.relu(
        jnp.dot(outp, woutT[...], preferred_element_type=jnp.float32) + b_out[...])


def _t2(numerF, asumF, woutT, b_out):
    B = 2000
    grid = N // B
    full = lambda s: pl.BlockSpec(s, lambda i: (0, 0))
    return pl.pallas_call(
        _t2_body,
        grid=(grid,),
        in_specs=[pl.BlockSpec((B, D), lambda i: (i, 0)),
                  pl.BlockSpec((B, D), lambda i: (i, 0)),
                  full((D, D)), full((1, D))],
        out_specs=pl.BlockSpec((B, D), lambda i: (i, 0)),
        out_shape=jax.ShapeDtypeStruct((N, D), jnp.float32),
    )(numerF, asumF, woutT, b_out)


def kernel(x, pos, edge_index, W_in, b_in, W_out, b_out, W_pos, b_pos, g_pos,
           bt_pos, W_attn, b_attn, g_attn, bt_attn, W_lin, W_src, W_dst):
    E_orig = edge_index.shape[1]
    E_tot = E_orig + N
    pad = E_PAD - E_tot

    src_o, dst_o = edge_index[0], edge_index[1]
    keep_o = src_o != dst_o
    loop = jnp.arange(N, dtype=jnp.int32)
    src = jnp.concatenate([src_o, loop, jnp.zeros((pad,), jnp.int32)])
    dst = jnp.concatenate([jnp.where(keep_o, dst_o, N), loop,
                           jnp.full((pad,), N, jnp.int32)])
    w = jnp.concatenate([keep_o.astype(jnp.float32), jnp.ones((N,), jnp.float32),
                         jnp.zeros((pad,), jnp.float32)])
    dstc = jnp.minimum(dst, N - 1)

    hx, P, Q = _t0(x, W_in.T, b_in[None, :], W_lin.T, W_dst.T, W_src.T,
                   W_attn.T, b_attn[None, :])

    posx, posy, posz = pos[:, 0], pos[:, 1], pos[:, 2]
    pqL, pqR, pdx, pdy, pdz, mom = _s1(src, dstc, w, posx, posy, posz, P, Q)
    msum = jnp.sum(mom, axis=(0, 2))
    cnt = msum[9]
    S1v = msum[0:3]
    S2m = jnp.stack([jnp.stack([msum[3], msum[6], msum[7]]),
                     jnp.stack([msum[6], msum[4], msum[8]]),
                     jnp.stack([msum[7], msum[8], msum[5]])])

    pbar = S1v / cnt
    M = S2m / cnt - jnp.outer(pbar, pbar)
    var_pos = jnp.einsum("ca,ab,cb->c", W_pos, M, W_pos)
    s_pos = g_pos / jnp.sqrt(var_pos + 1e-5)
    A3 = W_pos.T * s_pos[None, :]
    c0 = bt_pos - (W_pos @ pbar) * s_pos

    pw = jnp.stack([pdx, pdy, pdz, w], axis=1)

    alL, alR, dlL, dlR, st = _t1(pqL, pqR, pw, A3, c0[None, :], W_attn.T)

    mu = st[0] / cnt
    var_a = st[1] / cnt - mu * mu
    s_att = g_attn / jnp.sqrt(var_a + 1e-5)
    t0 = bt_attn - mu * s_att
    gmax = jax.nn.relu(jnp.maximum(s_att * st[2], s_att * st[3]) + t0)

    coef = jnp.stack([jnp.stack([s_att[:64], t0[:64], gmax[:64]]),
                      jnp.stack([s_att[64:], t0[64:], gmax[64:]])])
    hxL = hx[:, :64] + 0.0
    hxR = hx[:, 64:] + 0.0
    (acc,) = _s2(alL, alR, dlL, dlR, hxL, hxR, src, dst, coef)
    numerF = jnp.concatenate([acc[0, :N, :64], acc[1, :N, :64]], axis=1)
    asumF = jnp.concatenate([acc[0, :N, 64:], acc[1, :N, 64:]], axis=1)

    return _t2(numerF, asumF, W_out.T, b_out[None, :])

# --- scband reference (transcript-rebuilt; emitter-appended) ---
"""Pipeline reference for scband-point-transformer-layer-2731599200752 (READ-ONLY COPY).

The authoritative reference and input builder live on the scoring server;
editing this copy changes nothing except your own understanding.
"""

import jax, jax.numpy as jnp
import numpy as np

N = 10000
E = 320000
D = 128
POS_DIM = 3


def _bn_relu(h, gamma, beta, w, eps=1e-5):
    # BatchNorm1d in training mode (batch stats, biased variance) + ReLU
    cnt = jnp.sum(w)
    mean = jnp.sum(h * w, axis=0, keepdims=True) / cnt
    var = jnp.sum(w * (h - mean) ** 2, axis=0, keepdims=True) / cnt
    h = (h - mean) / jnp.sqrt(var + eps) * gamma + beta
    return jax.nn.relu(h)


def _linear(x, W, b=None):
    y = x @ W.T
    if b is not None:
        y = y + b
    return y


def _prep_edges(edge_index, n):
    # PyG PointTransformerConv default: remove_self_loops then add_self_loops
    src = edge_index[0]
    dst = edge_index[1]
    keep = src != dst
    loop = jnp.arange(n, dtype=src.dtype)
    src = jnp.concatenate([src, loop])
    dst = jnp.concatenate([dst, loop])
    keep = jnp.concatenate([keep, jnp.ones((n,), dtype=bool)])
    dst = jnp.where(keep, dst, n)
    return src, dst, keep


def _forward(x, pos, src, dst, keep, params):
    (W_in, b_in, W_out, b_out, W_pos, b_pos, g_pos, bt_pos,
     W_attn, b_attn, g_attn, bt_attn, W_lin, W_src, W_dst) = params
    w = keep[:, None].astype(jnp.float32)
    # lin_in + relu
    h = jax.nn.relu(_linear(x, W_in, b_in))
    # PointTransformerConv
    a_src = _linear(h, W_src)
    a_dst = _linear(h, W_dst)
    hx = _linear(h, W_lin)
    delta = _bn_relu(_linear(pos[dst] - pos[src], W_pos, b_pos), g_pos, bt_pos, w)
    alpha = a_dst[dst] - a_src[src] + delta
    alpha = _bn_relu(_linear(alpha, W_attn, b_attn), g_attn, bt_attn, w)
    # per-dst-node, per-channel softmax over incoming edges
    amax = jax.ops.segment_max(alpha, dst, num_segments=N + 1)
    amax = jnp.where(jnp.isfinite(amax), amax, 0.0)
    ae = jnp.exp(alpha - amax[dst])
    asum = jax.ops.segment_sum(ae, dst, num_segments=N + 1)
    alpha = ae / (asum[dst] + 1e-16)
    msg = alpha * (hx[src] + delta)
    out = jax.ops.segment_sum(msg, dst, num_segments=N + 1)[:N]
    # lin_out + relu
    out = jax.nn.relu(_linear(out, W_out, b_out))
    return out


def setup_inputs(seed: int = 0):
    key = jax.random.key(seed)
    ks = jax.random.split(key, 20)

    def lin_w(k, fan_out, fan_in):
        s = 1.0 / np.sqrt(fan_in)
        return jax.random.uniform(k, (fan_out, fan_in), minval=-s, maxval=s, dtype=jnp.float32)

    def lin_b(k, fan_out, fan_in):
        s = 1.0 / np.sqrt(fan_in)
        return jax.random.uniform(k, (fan_out,), minval=-s, maxval=s, dtype=jnp.float32)

    inp = {
        "x": jax.random.normal(ks[0], (N, D), dtype=jnp.float32),
        "pos": jax.random.normal(ks[1], (N, POS_DIM), dtype=jnp.float32),
        "edge_index": jax.random.randint(ks[2], (2, E), 0, N, dtype=jnp.int32),
        "W_in": lin_w(ks[3], D, D), "b_in": lin_b(ks[4], D, D),
        "W_out": lin_w(ks[5], D, D), "b_out": lin_b(ks[6], D, D),
        "W_pos": lin_w(ks[7], D, POS_DIM), "b_pos": lin_b(ks[8], D, POS_DIM),
        "g_pos": jnp.ones((D,), jnp.float32), "bt_pos": jnp.zeros((D,), jnp.float32),
        "W_attn": lin_w(ks[9], D, D), "b_attn": lin_b(ks[10], D, D),
        "g_attn": jnp.ones((D,), jnp.float32), "bt_attn": jnp.zeros((D,), jnp.float32),
        "W_lin": lin_w(ks[11], D, D),
        "W_src": lin_w(ks[12], D, D),
        "W_dst": lin_w(ks[13], D, D),
    }
    return inp


def reference(x, pos, edge_index, W_in, b_in, W_out, b_out, W_pos, b_pos, g_pos, bt_pos, W_attn, b_attn, g_attn, bt_attn, W_lin, W_src, W_dst):
    src, dst, keep = _prep_edges(edge_index, N)
    params = (W_in, b_in, W_out, b_out, W_pos, b_pos, g_pos, bt_pos,
              W_attn, b_attn, g_attn, bt_attn, W_lin, W_src, W_dst)
    return _forward(x, pos, src, dst, keep, params)

if __name__ == "__main__":
    import jax
    _d = setup_inputs()
    print(jax.jit(kernel)(*tuple(_d.values())))

</pallas_src>

<mosaic_0001>
#map = affine_map<(d0, d1) -> (0, 0)>
#map1 = affine_map<(d0, d1) -> (0)>
#map2 = affine_map<(d0, d1) -> (0, 0, 0)>
module attributes {stable_mosaic.version = 14 : i64} {
  func.func @_s2_body(%arg0: i32, %arg1: i32, %arg2: memref<331776x64xf32, #tpu.memory_space<hbm>>, %arg3: memref<331776x64xf32, #tpu.memory_space<hbm>>, %arg4: memref<331776x64xf32, #tpu.memory_space<hbm>>, %arg5: memref<331776x64xf32, #tpu.memory_space<hbm>>, %arg6: memref<10000x64xf32, #tpu.memory_space<hbm>>, %arg7: memref<10000x64xf32, #tpu.memory_space<hbm>>, %arg8: memref<331776xi32, #tpu.memory_space<hbm>>, %arg9: memref<331776xi32, #tpu.memory_space<hbm>>, %arg10: memref<2x3x64xf32, #tpu.memory_space<hbm>>, %arg11: memref<2x10016x128xf32, #tpu.memory_space<hbm>>, %arg12: memref<128x64xf32, #tpu.memory_space<vmem>>, %arg13: memref<128x64xf32, #tpu.memory_space<vmem>>, %arg14: memref<128x64xf32, #tpu.memory_space<vmem>>, %arg15: memref<128x64xf32, #tpu.memory_space<vmem>>, %arg16: memref<128x128xf32, #tpu.memory_space<vmem>>, %arg17: memref<128xi32, #tpu.memory_space<vmem>>, %arg18: memref<128xi32, #tpu.memory_space<vmem>>, %arg19: memref<128xi32, #tpu.memory_space<vmem>>, %arg20: memref<128xi32, #tpu.memory_space<vmem>>, %arg21: memref<3x64xf32, #tpu.memory_space<vmem>>, %arg22: memref<10016x128xf32, #tpu.memory_space<vmem_shared>>, %arg23: memref<!tpu.dma_semaphore, #tpu.memory_space<semaphore_mem>>, %arg24: memref<!tpu.dma_semaphore, #tpu.memory_space<semaphore_mem>>, %arg25: memref<!tpu.dma_semaphore, #tpu.memory_space<semaphore_mem>>, %arg26: memref<!tpu.dma_semaphore, #tpu.memory_space<semaphore_mem>>) attributes {dimension_semantics = [#tpu.dimension_semantics<core_parallel>, #tpu.dimension_semantics<subcore_parallel>], iteration_bounds = array<i64: 2, 16>, scalar_prefetch = 0 : i64, scratch_operands = 15 : i64, tpu.core_type = #tpu.core_type<sc_vector_subcore>, window_params = [{transform_indices = #map}, {transform_indices = #map}, {transform_indices = #map}, {transform_indices = #map}, {transform_indices = #map}, {transform_indices = #map}, {transform_indices = #map1}, {transform_indices = #map1}, {transform_indices = #map2}, {transform_indices = #map2}]} {
    %scan3A = arith.constant 0 : i32
    %scan3A_0 = arith.constant 0 : i32
    %scan3A_1 = arith.constant 128 : i32
    %scan3A_2 = arith.addi %scan3A_0, %scan3A_1 : i32
    %scan3A_3 = arith.constant 1 : i32
    scf.for %scan3A_98 = %scan3A_0 to %scan3A_2 step %scan3A_3  : i32 {
      %broadcast_in_dim3A = arith.constant 0.000000e+00 : f32
      %broadcast_in_dim3A_99 = vector.broadcast %broadcast_in_dim3A : f32 to vector<16xf32>
      %swap3A = arith.index_cast %scan3A_98 : i32 to index
      %swap3A_100 = arith.constant 0 : index
      %swap3A_101 = tpu.vector_load %arg16[%swap3A, %swap3A_100] {strides = array<i32>} : memref<128x128xf32, #tpu.memory_space<vmem>>, vector<16xf32>,
      tpu.vector_store %arg16[%swap3A, %swap3A_100], %broadcast_in_dim3A_99 {strides = array<i32>} : memref<128x128xf32, #tpu.memory_space<vmem>>, vector<16xf32>,
      %broadcast_in_dim3A_102 = arith.constant 0.000000e+00 : f32
      %broadcast_in_dim3A_103 = vector.broadcast %broadcast_in_dim3A_102 : f32 to vector<16xf32>
      %swap3A_104 = arith.index_cast %scan3A_98 : i32 to index
      %swap3A_105 = arith.constant 16 : index
      %swap3A_106 = tpu.vector_load %arg16[%swap3A_104, %swap3A_105] {strides = array<i32>} : memref<128x128xf32, #tpu.memory_space<vmem>>, vector<16xf32>,
      tpu.vector_store %arg16[%swap3A_104, %swap3A_105], %broadcast_in_dim3A_103 {strides = array<i32>} : memref<128x128xf32, #tpu.memory_space<vmem>>, vector<16xf32>,
      %broadcast_in_dim3A_107 = arith.constant 0.000000e+00 : f32
      %broadcast_in_dim3A_108 = vector.broadcast %broadcast_in_dim3A_107 : f32 to vector<16xf32>
      %swap3A_109 = arith.index_cast %scan3A_98 : i32 to index
      %swap3A_110 = arith.constant 32 : index
      %swap3A_111 = tpu.vector_load %arg16[%swap3A_109, %swap3A_110] {strides = array<i32>} : memref<128x128xf32, #tpu.memory_space<vmem>>, vector<16xf32>,
      tpu.vector_store %arg16[%swap3A_109, %swap3A_110], %broadcast_in_dim3A_108 {strides = array<i32>} : memref<128x128xf32, #tpu.memory_space<vmem>>, vector<16xf32>,
      %broadcast_in_dim3A_112 = arith.constant 0.000000e+00 : f32
      %broadcast_in_dim3A_113 = vector.broadcast %broadcast_in_dim3A_112 : f32 to vector<16xf32>
      %swap3A_114 = arith.index_cast %scan3A_98 : i32 to index
      %swap3A_115 = arith.constant 48 : index
      %swap3A_116 = tpu.vector_load %arg16[%swap3A_114, %swap3A_115] {strides = array<i32>} : memref<128x128xf32, #tpu.memory_space<vmem>>, vector<16xf32>,
      tpu.vector_store %arg16[%swap3A_114, %swap3A_115], %broadcast_in_dim3A_113 {strides = array<i32>} : memref<128x128xf32, #tpu.memory_space<vmem>>, vector<16xf32>,
      %broadcast_in_dim3A_117 = arith.constant 0.000000e+00 : f32
      %broadcast_in_dim3A_118 = vector.broadcast %broadcast_in_dim3A_117 : f32 to vector<16xf32>
      %swap3A_119 = arith.index_cast %scan3A_98 : i32 to index
      %swap3A_120 = arith.constant 64 : index
      %swap3A_121 = tpu.vector_load %arg16[%swap3A_119, %swap3A_120] {strides = array<i32>} : memref<128x128xf32, #tpu.memory_space<vmem>>, vector<16xf32>,
      tpu.vector_store %arg16[%swap3A_119, %swap3A_120], %broadcast_in_dim3A_118 {strides = array<i32>} : memref<128x128xf32, #tpu.memory_space<vmem>>, vector<16xf32>,
      %broadcast_in_dim3A_122 = arith.constant 0.000000e+00 : f32
      %broadcast_in_dim3A_123 = vector.broadcast %broadcast_in_dim3A_122 : f32 to vector<16xf32>
      %swap3A_124 = arith.index_cast %scan3A_98 : i32 to index
      %swap3A_125 = arith.constant 80 : index
      %swap3A_126 = tpu.vector_load %arg16[%swap3A_124, %swap3A_125] {strides = array<i32>} : memref<128x128xf32, #tpu.memory_space<vmem>>, vector<16xf32>,
      tpu.vector_store %arg16[%swap3A_124, %swap3A_125], %broadcast_in_dim3A_123 {strides = array<i32>} : memref<128x128xf32, #tpu.memory_space<vmem>>, vector<16xf32>,
      %broadcast_in_dim3A_127 = arith.constant 0.000000e+00 : f32
      %broadcast_in_dim3A_128 = vector.broadcast %broadcast_in_dim3A_127 : f32 to vector<16xf32>
      %swap3A_129 = arith.index_cast %scan3A_98 : i32 to index
      %swap3A_130 = arith.constant 96 : index
      %swap3A_131 = tpu.vector_load %arg16[%swap3A_129, %swap3A_130] {strides = array<i32>} : memref<128x128xf32, #tpu.memory_space<vmem>>, vector<16xf32>,
      tpu.vector_store %arg16[%swap3A_129, %swap3A_130], %broadcast_in_dim3A_128 {strides = array<i32>} : memref<128x128xf32, #tpu.memory_space<vmem>>, vector<16xf32>,
      %broadcast_in_dim3A_132 = arith.constant 0.000000e+00 : f32
      %broadcast_in_dim3A_133 = vector.broadcast %broadcast_in_dim3A_132 : f32 to vector<16xf32>
      %swap3A_134 = arith.index_cast %scan3A_98 : i32 to index
      %swap3A_135 = arith.constant 112 : index
      %swap3A_136 = tpu.vector_load %arg16[%swap3A_134, %swap3A_135] {strides = array<i32>} : memref<128x128xf32, #tpu.memory_space<vmem>>, vector<16xf32>,
      tpu.vector_store %arg16[%swap3A_134, %swap3A_135], %broadcast_in_dim3A_133 {strides = array<i32>} : memref<128x128xf32, #tpu.memory_space<vmem>>, vector<16xf32>,
    }
    %scan3A_4 = arith.constant 128 : i32
    %mul3A = arith.constant 626 : i32
    %mul3A_5 = arith.muli %arg1, %mul3A : i32
    %scan3A_6 = arith.constant 0 : i32
    %scan3A_7 = arith.constant 0 : i32
    %scan3A_8 = arith.constant 4 : i32
    %scan3A_9 = arith.addi %scan3A_7, %scan3A_8 : i32
    %scan3A_10 = arith.constant 1 : i32
    scf.for %scan3A_98 = %scan3A_7 to %scan3A_9 step %scan3A_10  : i32 {
      %mul3A_99 = arith.constant 128 : i32
      %mul3A_100 = arith.muli %scan3A_98, %mul3A_99 : i32
      %add3A_101 = arith.addi %mul3A_5, %mul3A_100 : i32
      "tpu.region"() ({
        %run_scoped3A = tpu.sem_alloc : memref<!tpu.dma_semaphore, #tpu.memory_space<semaphore_mem>>
        %dma_start3A_102 = arith.constant 0 : i32
        %dma_start3A_103 = tpu.memref_slice %arg22[%add3A_101, %dma_start3A_102] : memref<10016x128xf32, #tpu.memory_space<vmem_shared>> -> memref<128x128xf32, #tpu.memory_space<vmem_shared>>
        %dma_start3A_104 = arith.constant 0 : i32
        %dma_start3A_105 = tpu.memref_slice %arg22[%add3A_101, %dma_start3A_104] : memref<10016x128xf32, #tpu.memory_space<vmem_shared>> -> memref<128x128xf32, #tpu.memory_space<vmem_shared>>
        tpu.enqueue_dma source(%arg16 : memref<128x128xf32, #tpu.memory_space<vmem>>) target(%dma_start3A_105 : memref<128x128xf32, #tpu.memory_space<vmem_shared>>) target_semaphore(%run_scoped3A : memref<!tpu.dma_semaphore, #tpu.memory_space<semaphore_mem>>)
        %dma_wait3A_106 = arith.constant 0 : i32
        %dma_wait3A_107 = tpu.memref_slice %arg22[%add3A_101, %dma_wait3A_106] : memref<10016x128xf32, #tpu.memory_space<vmem_shared>> -> memref<128x128xf32, #tpu.memory_space<vmem_shared>>
        %dma_wait3A_108 = arith.constant 0 : i32
        %dma_wait3A_109 = tpu.memref_slice %arg22[%add3A_101, %dma_wait3A_108] : memref<10016x128xf32, #tpu.memory_space<vmem_shared>> -> memref<128x128xf32, #tpu.memory_space<vmem_shared>>
        tpu.wait_dma2 semaphore(%run_scoped3A : memref<!tpu.dma_semaphore, #tpu.memory_space<semaphore_mem>>) src(%arg16 : memref<128x128xf32, #tpu.memory_space<vmem>>) dst(%dma_wait3A_109 : memref<128x128xf32, #tpu.memory_space<vmem_shared>>)
        tpu.yield
      }) : () -> ()
    }
    %scan3A_11 = arith.constant 4 : i32
    %add3A = arith.constant 512 : i32
    %add3A_12 = arith.addi %mul3A_5, %add3A : i32
    "tpu.region"() ({
      %run_scoped3A = tpu.sem_alloc : memref<!tpu.dma_semaphore, #tpu.memory_space<semaphore_mem>>
      %dma_start3A_98 = arith.constant 0 : i32
      %dma_start3A_99 = arith.constant 0 : i32
      %dma_start3A_100 = tpu.memref_slice %arg16[%dma_start3A_98, %dma_start3A_99] : memref<128x128xf32, #tpu.memory_space<vmem>> -> memref<114x128xf32, #tpu.memory_space<vmem>>
      %dma_start3A_101 = arith.constant 0 : i32
      %dma_start3A_102 = tpu.memref_slice %arg22[%add3A_12, %dma_start3A_101] : memref<10016x128xf32, #tpu.memory_space<vmem_shared>> -> memref<114x128xf32, #tpu.memory_space<vmem_shared>>
      %dma_start3A_103 = arith.constant 0 : i32
      %dma_start3A_104 = tpu.memref_slice %arg22[%add3A_12, %dma_start3A_103] : memref<10016x128xf32, #tpu.memory_space<vmem_shared>> -> memref<114x128xf32, #tpu.memory_space<vmem_shared>>
      %dma_start3A_105 = arith.constant 0 : i32
      %dma_start3A_106 = arith.constant 0 : i32
      %dma_start3A_107 = tpu.memref_slice %arg16[%dma_start3A_105, %dma_start3A_106] : memref<128x128xf32, #tpu.memory_space<vmem>> -> memref<114x128xf32, #tpu.memory_space<vmem>>
      tpu.enqueue_dma source(%dma_start3A_107 : memref<114x128xf32, #tpu.memory_space<vmem>>) target(%dma_start3A_104 : memref<114x128xf32, #tpu.memory_space<vmem_shared>>) target_semaphore(%run_scoped3A : memref<!tpu.dma_semaphore, #tpu.memory_space<semaphore_mem>>)
      %dma_wait3A_108 = arith.constant 0 : i32
      %dma_wait3A_109 = arith.constant 0 : i32
      %dma_wait3A_110 = tpu.memref_slice %arg16[%dma_wait3A_108, %dma_wait3A_109] : memref<128x128xf32, #tpu.memory_space<vmem>> -> memref<114x128xf32, #tpu.memory_space<vmem>>
      %dma_wait3A_111 = arith.constant 0 : i32
      %dma_wait3A_112 = tpu.memref_slice %arg22[%add3A_12, %dma_wait3A_111] : memref<10016x128xf32, #tpu.memory_space<vmem_shared>> -> memref<114x128xf32, #tpu.memory_space<vmem_shared>>
      %dma_wait3A_113 = arith.constant 0 : i32
      %dma_wait3A_114 = tpu.memref_slice %arg22[%add3A_12, %dma_wait3A_113] : memref<10016x128xf32, #tpu.memory_space<vmem_shared>> -> memref<114x128xf32, #tpu.memory_space<vmem_shared>>
      %dma_wait3A_115 = arith.constant 0 : i32
      %dma_wait3A_116 = arith.constant 0 : i32
      %dma_wait3A_117 = tpu.memref_slice %arg16[%dma_wait3A_115, %dma_wait3A_116] : memref<128x128xf32, #tpu.memory_space<vmem>> -> memref<114x128xf32, #tpu.memory_space<vmem>>
      tpu.wait_dma2 semaphore(%run_scoped3A : memref<!tpu.dma_semaphore, #tpu.memory_space<semaphore_mem>>) src(%dma_wait3A_117 : memref<114x128xf32, #tpu.memory_space<vmem>>) dst(%dma_wait3A_114 : memref<114x128xf32, #tpu.memory_space<vmem_shared>>)
      tpu.yield
    }) : () -> ()
    "tpu.region"() ({
      %run_scoped3A = tpu.sem_alloc : memref<!tpu.dma_semaphore, #tpu.memory_space<semaphore_mem>>
      %dma_start3A_98 = arith.constant 0 : i32
      %dma_start3A_99 = arith.constant 0 : i32
      %dma_start3A_100 = tpu.memref_slice %arg10[%arg0, %dma_start3A_98, %dma_start3A_99] : memref<2x3x64xf32, #tpu.memory_space<hbm>> -> memref<1x3x64xf32, #tpu.memory_space<hbm>>
      %dma_start3A_101 = tpu.memref_squeeze %dma_start3A_100 : memref<1x3x64xf32, #tpu.memory_space<hbm>> -> memref<3x64xf32, #tpu.memory_space<hbm>>
      %dma_start3A_102 = arith.constant 0 : i32
      %dma_start3A_103 = arith.constant 0 : i32
      %dma_start3A_104 = tpu.memref_slice %arg10[%arg0, %dma_start3A_102, %dma_start3A_103] : memref<2x3x64xf32, #tpu.memory_space<hbm>> -> memref<1x3x64xf32, #tpu.memory_space<hbm>>
      %dma_start3A_105 = tpu.memref_squeeze %dma_start3A_104 : memref<1x3x64xf32, #tpu.memory_space<hbm>> -> memref<3x64xf32, #tpu.memory_space<hbm>>
      tpu.enqueue_dma source(%dma_start3A_105 : memref<3x64xf32, #tpu.memory_space<hbm>>) target(%arg21 : memref<3x64xf32, #tpu.memory_space<vmem>>) target_semaphore(%run_scoped3A : memref<!tpu.dma_semaphore, #tpu.memory_space<semaphore_mem>>)
      %dma_wait3A_106 = arith.constant 0 : i32
      %dma_wait3A_107 = arith.constant 0 : i32
      %dma_wait3A_108 = tpu.memref_slice %arg10[%arg0, %dma_wait3A_106, %dma_wait3A_107] : memref<2x3x64xf32, #tpu.memory_space<hbm>> -> memref<1x3x64xf32, #tpu.memory_space<hbm>>
      %dma_wait3A_109 = tpu.memref_squeeze %dma_wait3A_108 : memref<1x3x64xf32, #tpu.memory_space<hbm>> -> memref<3x64xf32, #tpu.memory_space<hbm>>
      %dma_wait3A_110 = arith.constant 0 : i32
      %dma_wait3A_111 = arith.constant 0 : i32
      %dma_wait3A_112 = tpu.memref_slice %arg10[%arg0, %dma_wait3A_110, %dma_wait3A_111] : memref<2x3x64xf32, #tpu.memory_space<hbm>> -> memref<1x3x64xf32, #tpu.memory_space<hbm>>
      %dma_wait3A_113 = tpu.memref_squeeze %dma_wait3A_112 : memref<1x3x64xf32, #tpu.memory_space<hbm>> -> memref<3x64xf32, #tpu.memory_space<hbm>>
      tpu.wait_dma2 semaphore(%run_scoped3A : memref<!tpu.dma_semaphore, #tpu.memory_space<semaphore_mem>>) src(%dma_wait3A_113 : memref<3x64xf32, #tpu.memory_space<hbm>>) dst(%arg21 : memref<3x64xf32, #tpu.memory_space<vmem>>)
      tpu.yield
    }) : () -> ()
    %barrier3A = arith.constant 0 : index
    tpu.barrier barrier_id(%barrier3A)
    %get3A = arith.constant 0 : i32
    %get3A_13 = arith.index_cast %get3A : i32 to index
    %get3A_14 = arith.constant 0 : index
    %get3A_15 = tpu.vector_load %arg21[%get3A_13, %get3A_14] {strides = array<i32>} : memref<3x64xf32, #tpu.memory_space<vmem>>, vector<16xf32>,
    %get3A_16 = arith.constant 0 : i32
    %get3A_17 = arith.index_cast %get3A_16 : i32 to index
    %get3A_18 = arith.constant 16 : index
    %get3A_19 = tpu.vector_load %arg21[%get3A_17, %get3A_18] {strides = array<i32>} : memref<3x64xf32, #tpu.memory_space<vmem>>, vector<16xf32>,
    %get3A_20 = arith.constant 0 : i32
    %get3A_21 = arith.index_cast %get3A_20 : i32 to index
    %get3A_22 = arith.constant 32 : index
    %get3A_23 = tpu.vector_load %arg21[%get3A_21, %get3A_22] {strides = array<i32>} : memref<3x64xf32, #tpu.memory_space<vmem>>, vector<16xf32>,
    %get3A_24 = arith.constant 0 : i32
    %get3A_25 = arith.index_cast %get3A_24 : i32 to index
    %get3A_26 = arith.constant 48 : index
    %get3A_27 = tpu.vector_load %arg21[%get3A_25, %get3A_26] {strides = array<i32>} : memref<3x64xf32, #tpu.memory_space<vmem>>, vector<16xf32>,
    %get3A_28 = arith.constant 1 : i32
    %get3A_29 = arith.index_cast %get3A_28 : i32 to index
    %get3A_30 = arith.constant 0 : index
    %get3A_31 = tpu.vector_load %arg21[%get3A_29, %get3A_30] {strides = array<i32>} : memref<3x64xf32, #tpu.memory_space<vmem>>, vector<16xf32>,
    %get3A_32 = arith.constant 1 : i32
    %get3A_33 = arith.index_cast %get3A_32 : i32 to index
    %get3A_34 = arith.constant 16 : index
    %get3A_35 = tpu.vector_load %arg21[%get3A_33, %get3A_34] {strides = array<i32>} : memref<3x64xf32, #tpu.memory_space<vmem>>, vector<16xf32>,
    %get3A_36 = arith.constant 1 : i32
    %get3A_37 = arith.index_cast %get3A_36 : i32 to index
    %get3A_38 = arith.constant 32 : index
    %get3A_39 = tpu.vector_load %arg21[%get3A_37, %get3A_38] {strides = array<i32>} : memref<3x64xf32, #tpu.memory_space<vmem>>, vector<16xf32>,
    %get3A_40 = arith.constant 1 : i32
    %get3A_41 = arith.index_cast %get3A_40 : i32 to index
    %get3A_42 = arith.constant 48 : index
    %get3A_43 = tpu.vector_load %arg21[%get3A_41, %get3A_42] {strides = array<i32>} : memref<3x64xf32, #tpu.memory_space<vmem>>, vector<16xf32>,
    %get3A_44 = arith.constant 2 : i32
    %get3A_45 = arith.index_cast %get3A_44 : i32 to index
    %get3A_46 = arith.constant 0 : index
    %get3A_47 = tpu.vector_load %arg21[%get3A_45, %get3A_46] {strides = array<i32>} : memref<3x64xf32, #tpu.memory_space<vmem>>, vector<16xf32>,
    %get3A_48 = arith.constant 2 : i32
    %get3A_49 = arith.index_cast %get3A_48 : i32 to index
    %get3A_50 = arith.constant 16 : index
    %get3A_51 = tpu.vector_load %arg21[%get3A_49, %get3A_50] {strides = array<i32>} : memref<3x64xf32, #tpu.memory_space<vmem>>, vector<16xf32>,
    %get3A_52 = arith.constant 2 : i32
    %get3A_53 = arith.index_cast %get3A_52 : i32 to index
    %get3A_54 = arith.constant 32 : index
    %get3A_55 = tpu.vector_load %arg21[%get3A_53, %get3A_54] {strides = array<i32>} : memref<3x64xf32, #tpu.memory_space<vmem>>, vector<16xf32>,
    %get3A_56 = arith.constant 2 : i32
    %get3A_57 = arith.index_cast %get3A_56 : i32 to index
    %get3A_58 = arith.constant 48 : index
    %get3A_59 = tpu.vector_load %arg21[%get3A_57, %get3A_58] {strides = array<i32>} : memref<3x64xf32, #tpu.memory_space<vmem>>, vector<16xf32>,
    %mul3A_60 = arith.constant 20736 : i32
    %mul3A_61 = arith.muli %arg1, %mul3A_60 : i32
    "tpu.region"() ({
      %run_scoped3A = tpu.sem_alloc : memref<!tpu.dma_semaphore, #tpu.memory_space<semaphore_mem>>
      %dma_start3A_98 = tpu.memref_slice %arg8[%mul3A_61] : memref<331776xi32, #tpu.memory_space<hbm>> -> memref<128xi32, #tpu.memory_space<hbm>>
      %dma_start3A_99 = tpu.memref_slice %arg8[%mul3A_61] : memref<331776xi32, #tpu.memory_space<hbm>> -> memref<128xi32, #tpu.memory_space<hbm>>
      tpu.enqueue_dma source(%dma_start3A_99 : memref<128xi32, #tpu.memory_space<hbm>>) target(%arg17 : memref<128xi32, #tpu.memory_space<vmem>>) target_semaphore(%run_scoped3A : memref<!tpu.dma_semaphore, #tpu.memory_space<semaphore_mem>>)
      %dma_wait3A_100 = tpu.memref_slice %arg8[%mul3A_61] : memref<331776xi32, #tpu.memory_space<hbm>> -> memref<128xi32, #tpu.memory_space<hbm>>
      %dma_wait3A_101 = tpu.memref_slice %arg8[%mul3A_61] : memref<331776xi32, #tpu.memory_space<hbm>> -> memref<128xi32, #tpu.memory_space<hbm>>
      tpu.wait_dma2 semaphore(%run_scoped3A : memref<!tpu.dma_semaphore, #tpu.memory_space<semaphore_mem>>) src(%dma_wait3A_101 : memref<128xi32, #tpu.memory_space<hbm>>) dst(%arg17 : memref<128xi32, #tpu.memory_space<vmem>>)
      tpu.yield
    }) : () -> ()
    %eq3A = arith.constant 0 : i32
    %eq3A_62 = arith.cmpi eq, %arg0, %eq3A : i32
    %convert_element_type3A = arith.extui %eq3A_62 : i1 to i32
    %cond3A = arith.constant 0 : i32
    %cond3A_63 = arith.cmpi ne, %convert_element_type3A, %cond3A : i32
    scf.if %cond3A_63 {
      %dma_start3A_98 = arith.constant 0 : i32
      %dma_start3A_99 = arith.constant 0 : i32
      %dma_start3A_100 = tpu.memref_slice %arg6[%dma_start3A_98, %dma_start3A_99] : memref<10000x64xf32, #tpu.memory_space<hbm>> -> memref<10000x64xf32, #tpu.memory_space<hbm>>
      tpu.enqueue_indirect_dma source(%dma_start3A_100 : memref<10000x64xf32, #tpu.memory_space<hbm>>) target(%arg14 : memref<128x64xf32, #tpu.memory_space<vmem>>) offsets(%arg17 : memref<128xi32, #tpu.memory_space<vmem>>) semaphore(%arg24 : memref<!tpu.dma_semaphore, #tpu.memory_space<semaphore_mem>>)
    } else {
    }
    %eq3A_64 = arith.constant 1 : i32
    %eq3A_65 = arith.cmpi eq, %arg0, %eq3A_64 : i32
    %convert_element_type3A_66 = arith.extui %eq3A_65 : i1 to i32
    %cond3A_67 = arith.constant 0 : i32
    %cond3A_68 = arith.cmpi ne, %convert_element_type3A_66, %cond3A_67 : i32
    scf.if %cond3A_68 {
      %dma_start3A_98 = arith.constant 0 : i32
      %dma_start3A_99 = arith.constant 0 : i32
      %dma_start3A_100 = tpu.memref_slice %arg7[%dma_start3A_98, %dma_start3A_99] : memref<10000x64xf32, #tpu.memory_space<hbm>> -> memref<10000x64xf32, #tpu.memory_space<hbm>>
      tpu.enqueue_indirect_dma source(%dma_start3A_100 : memref<10000x64xf32, #tpu.memory_space<hbm>>) target(%arg14 : memref<128x64xf32, #tpu.memory_space<vmem>>) offsets(%arg17 : memref<128xi32, #tpu.memory_space<vmem>>) semaphore(%arg24 : memref<!tpu.dma_semaphore, #tpu.memory_space<semaphore_mem>>)
    } else {
    }
    %scan3A_69 = arith.constant 0 : i32
    %scan3A_70 = arith.constant 0 : i32
    %scan3A_71 = arith.constant 8 : i32
    %scan3A_72 = arith.addi %scan3A_70, %scan3A_71 : i32
    %scan3A_73 = arith.constant 1 : i32
    scf.for %scan3A_98 = %scan3A_70 to %scan3A_72 step %scan3A_73  : i32 {
      %iota3A = tpu.iota {dimensions = array<i32: 0>} : vector<16xi32>
      %mul3A_99 = arith.constant 16 : i32
      %mul3A_100 = arith.muli %scan3A_98, %mul3A_99 : i32
      %add3A_101 = vector.broadcast %mul3A_100 : i32 to vector<16xi32>
      %add3A_102 = arith.addi %iota3A, %add3A_101 : vector<16xi32>
      %mul3A_103 = arith.constant 16 : i32
      %mul3A_104 = arith.muli %scan3A_98, %mul3A_103 : i32
      %swap3A = arith.index_cast %mul3A_104 : i32 to index
      %swap3A_105 = tpu.vector_load %arg19[%swap3A] {strides = array<i32>} : memref<128xi32, #tpu.memory_space<vmem>>, vector<16xi32>,
      tpu.vector_store %arg19[%swap3A], %add3A_102 {strides = array<i32>} : memref<128xi32, #tpu.memory_space<vmem>>, vector<16xi32>,
    }
    %scan3A_74 = arith.constant 8 : i32
    %dma_start3A = arith.constant 0 : i32
    %dma_start3A_75 = arith.constant 0 : i32
    %dma_start3A_76 = tpu.memref_slice %arg22[%dma_start3A, %dma_start3A_75] : memref<10016x128xf32, #tpu.memory_space<vmem_shared>> -> memref<10016x128xf32, #tpu.memory_space<vmem_shared>>
    tpu.enqueue_indirect_dma source(%arg16 : memref<128x128xf32, #tpu.memory_space<vmem>>) target(%dma_start3A_76 : memref<10016x128xf32, #tpu.memory_space<vmem_shared>>) offsets(%arg19 : memref<128xi32, #tpu.memory_space<vmem>>) semaphore(%arg26 : memref<!tpu.dma_semaphore, #tpu.memory_space<semaphore_mem>>) {add = true}
    %scan3A_77 = arith.constant 0 : i32
    %scan3A_78 = arith.constant 0 : i32
    %scan3A_79 = arith.constant 81 : i32
    %scan3A_80 = arith.addi %scan3A_78, %scan3A_79 : i32
    %scan3A_81 = arith.constant 1 : i32
    scf.for %scan3A_98 = %scan3A_78 to %scan3A_80 step %scan3A_81  : i32 {
      %mul3A_99 = arith.constant 2 : i32
      %mul3A_100 = arith.muli %mul3A_99, %scan3A_98 : i32
      %mul3A_101 = arith.constant 128 : i32
      %mul3A_102 = arith.muli %mul3A_100, %mul3A_101 : i32
      %add3A_103 = arith.addi %mul3A_61, %mul3A_102 : i32
      %dma_start3A_104 = tpu.memref_slice %arg9[%add3A_103] : memref<331776xi32, #tpu.memory_space<hbm>> -> memref<128xi32, #tpu.memory_space<hbm>>
      %dma_start3A_105 = tpu.memref_slice %arg9[%add3A_103] : memref<331776xi32, #tpu.memory_space<hbm>> -> memref<128xi32, #tpu.memory_space<hbm>>
      tpu.enqueue_dma source(%dma_start3A_105 : memref<128xi32, #tpu.memory_space<hbm>>) target(%arg19 : memref<128xi32, #tpu.memory_space<vmem>>) target_semaphore(%arg23 : memref<!tpu.dma_semaphore, #tpu.memory_space<semaphore_mem>>)
      %eq3A_106 = arith.constant 0 : i32
      %eq3A_107 = arith.cmpi eq, %arg0, %eq3A_106 : i32
      %convert_element_type3A_108 = arith.extui %eq3A_107 : i1 to i32
      %cond3A_109 = arith.constant 0 : i32
      %cond3A_110 = arith.cmpi ne, %convert_element_type3A_108, %cond3A_109 : i32
      scf.if %cond3A_110 {
        %dma_start3A_245 = arith.constant 0 : i32
        %dma_start3A_246 = tpu.memref_slice %arg2[%add3A_103, %dma_start3A_245] : memref<331776x64xf32, #tpu.memory_space<hbm>> -> memref<128x64xf32, #tpu.memory_space<hbm>>
        %dma_start3A_247 = arith.constant 0 : i32
        %dma_start3A_248 = tpu.memref_slice %arg2[%add3A_103, %dma_start3A_247] : memref<331776x64xf32, #tpu.memory_space<hbm>> -> memref<128x64xf32, #tpu.memory_space<hbm>>
        tpu.enqueue_dma source(%dma_start3A_248 : memref<128x64xf32, #tpu.memory_space<hbm>>) target(%arg12 : memref<128x64xf32, #tpu.memory_space<vmem>>) target_semaphore(%arg23 : memref<!tpu.dma_semaphore, #tpu.memory_space<semaphore_mem>>)
        %dma_start3A_249 = arith.constant 0 : i32
        %dma_start3A_250 = tpu.memref_slice %arg4[%add3A_103, %dma_start3A_249] : memref<331776x64xf32, #tpu.memory_space<hbm>> -> memref<128x64xf32, #tpu.memory_space<hbm>>
        %dma_start3A_251 = arith.constant 0 : i32
        %dma_start3A_252 = tpu.memref_slice %arg4[%add3A_103, %dma_start3A_251] : memref<331776x64xf32, #tpu.memory_space<hbm>> -> memref<128x64xf32, #tpu.memory_space<hbm>>
        tpu.enqueue_dma source(%dma_start3A_252 : memref<128x64xf32, #tpu.memory_space<hbm>>) target(%arg13 : memref<128x64xf32, #tpu.memory_space<vmem>>) target_semaphore(%arg23 : memref<!tpu.dma_semaphore, #tpu.memory_space<semaphore_mem>>)
      } else {
      }
      %eq3A_111 = arith.constant 1 : i32
      %eq3A_112 = arith.cmpi eq, %arg0, %eq3A_111 : i32
      %convert_element_type3A_113 = arith.extui %eq3A_112 : i1 to i32
      %cond3A_114 = arith.constant 0 : i32
      %cond3A_115 = arith.cmpi ne, %convert_element_type3A_113, %cond3A_114 : i32
      scf.if %cond3A_115 {
        %dma_start3A_245 = arith.constant 0 : i32
        %dma_start3A_246 = tpu.memref_slice %arg3[%add3A_103, %dma_start3A_245] : memref<331776x64xf32, #tpu.memory_space<hbm>> -> memref<128x64xf32, #tpu.memory_space<hbm>>
        %dma_start3A_247 = arith.constant 0 : i32
        %dma_start3A_248 = tpu.memref_slice %arg3[%add3A_103, %dma_start3A_247] : memref<331776x64xf32, #tpu.memory_space<hbm>> -> memref<128x64xf32, #tpu.memory_space<hbm>>
        tpu.enqueue_dma source(%dma_start3A_248 : memref<128x64xf32, #tpu.memory_space<hbm>>) target(%arg12 : memref<128x64xf32, #tpu.memory_space<vmem>>) target_semaphore(%arg23 : memref<!tpu.dma_semaphore, #tpu.memory_space<semaphore_mem>>)
        %dma_start3A_249 = arith.constant 0 : i32
        %dma_start3A_250 = tpu.memref_slice %arg5[%add3A_103, %dma_start3A_249] : memref<331776x64xf32, #tpu.memory_space<hbm>> -> memref<128x64xf32, #tpu.memory_space<hbm>>
        %dma_start3A_251 = arith.constant 0 : i32
        %dma_start3A_252 = tpu.memref_slice %arg5[%add3A_103, %dma_start3A_251] : memref<331776x64xf32, #tpu.memory_space<hbm>> -> memref<128x64xf32, #tpu.memory_space<hbm>>
        tpu.enqueue_dma source(%dma_start3A_252 : memref<128x64xf32, #tpu.memory_space<hbm>>) target(%arg13 : memref<128x64xf32, #tpu.memory_space<vmem>>) target_semaphore(%arg23 : memref<!tpu.dma_semaphore, #tpu.memory_space<semaphore_mem>>)
      } else {
      }
      %add3A_116 = arith.constant 1 : i32
      %add3A_117 = arith.addi %mul3A_100, %add3A_116 : i32
      %mul3A_118 = arith.constant 128 : i32
      %mul3A_119 = arith.muli %add3A_117, %mul3A_118 : i32
      %add3A_120 = arith.addi %mul3A_61, %mul3A_119 : i32
      "tpu.region"() ({
        %run_scoped3A = tpu.sem_alloc : memref<!tpu.dma_semaphore, #tpu.memory_space<semaphore_mem>>
        %dma_start3A_245 = tpu.memref_slice %arg8[%add3A_120] : memref<331776xi32, #tpu.memory_space<hbm>> -> memref<128xi32, #tpu.memory_space<hbm>>
        %dma_start3A_246 = tpu.memref_slice %arg8[%add3A_120] : memref<331776xi32, #tpu.memory_space<hbm>> -> memref<128xi32, #tpu.memory_space<hbm>>
        tpu.enqueue_dma source(%dma_start3A_246 : memref<128xi32, #tpu.memory_space<hbm>>) target(%arg18 : memref<128xi32, #tpu.memory_space<vmem>>) target_semaphore(%run_scoped3A : memref<!tpu.dma_semaphore, #tpu.memory_space<semaphore_mem>>)
        %dma_wait3A_247 = tpu.memref_slice %arg8[%add3A_120] : memref<331776xi32, #tpu.memory_space<hbm>> -> memref<128xi32, #tpu.memory_space<hbm>>
        %dma_wait3A_248 = tpu.memref_slice %arg8[%add3A_120] : memref<331776xi32, #tpu.memory_space<hbm>> -> memref<128xi32, #tpu.memory_space<hbm>>
        tpu.wait_dma2 semaphore(%run_scoped3A : memref<!tpu.dma_semaphore, #tpu.memory_space<semaphore_mem>>) src(%dma_wait3A_248 : memref<128xi32, #tpu.memory_space<hbm>>) dst(%arg18 : memref<128xi32, #tpu.memory_space<vmem>>)
        tpu.yield
      }) : () -> ()
      %eq3A_121 = arith.constant 0 : i32
      %eq3A_122 = arith.cmpi eq, %arg0, %eq3A_121 : i32
      %convert_element_type3A_123 = arith.extui %eq3A_122 : i1 to i32
      %cond3A_124 = arith.constant 0 : i32
      %cond3A_125 = arith.cmpi ne, %convert_element_type3A_123, %cond3A_124 : i32
      scf.if %cond3A_125 {
        %dma_start3A_245 = arith.constant 0 : i32
        %dma_start3A_246 = arith.constant 0 : i32
        %dma_start3A_247 = tpu.memref_slice %arg6[%dma_start3A_245, %dma_start3A_246] : memref<10000x64xf32, #tpu.memory_space<hbm>> -> memref<10000x64xf32, #tpu.memory_space<hbm>>
        tpu.enqueue_indirect_dma source(%dma_start3A_247 : memref<10000x64xf32, #tpu.memory_space<hbm>>) target(%arg15 : memref<128x64xf32, #tpu.memory_space<vmem>>) offsets(%arg18 : memref<128xi32, #tpu.memory_space<vmem>>) semaphore(%arg25 : memref<!tpu.dma_semaphore, #tpu.memory_space<semaphore_mem>>)
      } else {
      }
      %eq3A_126 = arith.constant 1 : i32
      %eq3A_127 = arith.cmpi eq, %arg0, %eq3A_126 : i32
      %convert_element_type3A_128 = arith.extui %eq3A_127 : i1 to i32
      %cond3A_129 = arith.constant 0 : i32
      %cond3A_130 = arith.cmpi ne, %convert_element_type3A_128, %cond3A_129 : i32
      scf.if %cond3A_130 {
        %dma_start3A_245 = arith.constant 0 : i32
        %dma_start3A_246 = arith.constant 0 : i32
        %dma_start3A_247 = tpu.memref_slice %arg7[%dma_start3A_245, %dma_start3A_246] : memref<10000x64xf32, #tpu.memory_space<hbm>> -> memref<10000x64xf32, #tpu.memory_space<hbm>>
        tpu.enqueue_indirect_dma source(%dma_start3A_247 : memref<10000x64xf32, #tpu.memory_space<hbm>>) target(%arg15 : memref<128x64xf32, #tpu.memory_space<vmem>>) offsets(%arg18 : memref<128xi32, #tpu.memory_space<vmem>>) semaphore(%arg25 : memref<!tpu.dma_semaphore, #tpu.memory_space<semaphore_mem>>)
      } else {
      }
      %dma_wait3A_131 = arith.constant 0 : i32
      %dma_wait3A_132 = tpu.memref_slice %arg9[%dma_wait3A_131] : memref<331776xi32, #tpu.memory_space<hbm>> -> memref<128xi32, #tpu.memory_space<hbm>>
      %dma_wait3A_133 = arith.constant 0 : i32
      %dma_wait3A_134 = tpu.memref_slice %arg9[%dma_wait3A_133] : memref<331776xi32, #tpu.memory_space<hbm>> -> memref<128xi32, #tpu.memory_space<hbm>>
      tpu.wait_dma2 semaphore(%arg23 : memref<!tpu.dma_semaphore, #tpu.memory_space<semaphore_mem>>) src(%dma_wait3A_134 : memref<128xi32, #tpu.memory_space<hbm>>) dst(%arg19 : memref<128xi32, #tpu.memory_space<vmem>>)
      %dma_wait3A_135 = arith.constant 0 : i32
      %dma_wait3A_136 = arith.constant 0 : i32
      %dma_wait3A_137 = tpu.memref_slice %arg2[%dma_wait3A_135, %dma_wait3A_136] : memref<331776x64xf32, #tpu.memory_space<hbm>> -> memref<128x64xf32, #tpu.memory_space<hbm>>
      %dma_wait3A_138 = arith.constant 0 : i32
      %dma_wait3A_139 = arith.constant 0 : i32
      %dma_wait3A_140 = tpu.memref_slice %arg2[%dma_wait3A_138, %dma_wait3A_139] : memref<331776x64xf32, #tpu.memory_space<hbm>> -> memref<128x64xf32, #tpu.memory_space<hbm>>
      tpu.wait_dma2 semaphore(%arg23 : memref<!tpu.dma_semaphore, #tpu.memory_space<semaphore_mem>>) src(%dma_wait3A_140 : memref<128x64xf32, #tpu.memory_space<hbm>>) dst(%arg12 : memref<128x64xf32, #tpu.memory_space<vmem>>)
      %dma_wait3A_141 = arith.constant 0 : i32
      %dma_wait3A_142 = arith.constant 0 : i32
      %dma_wait3A_143 = tpu.memref_slice %arg4[%dma_wait3A_141, %dma_wait3A_142] : memref<331776x64xf32, #tpu.memory_space<hbm>> -> memref<128x64xf32, #tpu.memory_space<hbm>>
      %dma_wait3A_144 = arith.constant 0 : i32
      %dma_wait3A_145 = arith.constant 0 : i32
      %dma_wait3A_146 = tpu.memref_slice %arg4[%dma_wait3A_144, %dma_wait3A_145] : memref<331776x64xf32, #tpu.memory_space<hbm>> -> memref<128x64xf32, #tpu.memory_space<hbm>>
      tpu.wait_dma2 semaphore(%arg23 : memref<!tpu.dma_semaphore, #tpu.memory_space<semaphore_mem>>) src(%dma_wait3A_146 : memref<128x64xf32, #tpu.memory_space<hbm>>) dst(%arg13 : memref<128x64xf32, #tpu.memory_space<vmem>>)
      %dma_wait3A_147 = arith.constant 0 : i32
      %dma_wait3A_148 = arith.constant 0 : i32
      %dma_wait3A_149 = arith.constant 0 : i32
      %dma_wait3A_150 = tpu.memref_slice %arg11[%dma_wait3A_147, %dma_wait3A_148, %dma_wait3A_149] : memref<2x10016x128xf32, #tpu.memory_space<hbm>> -> memref<1x128x128xf32, #tpu.memory_space<hbm>>
      %dma_wait3A_151 = tpu.memref_squeeze %dma_wait3A_150 : memref<1x128x128xf32, #tpu.memory_space<hbm>> -> memref<128x128xf32, #tpu.memory_space<hbm>>
      %dma_wait3A_152 = arith.constant 0 : i32
      %dma_wait3A_153 = arith.constant 0 : i32
      %dma_wait3A_154 = tpu.memref_slice %arg11[%dma_wait3A_147, %dma_wait3A_152, %dma_wait3A_153] : memref<2x10016x128xf32, #tpu.memory_space<hbm>> -> memref<1x128x128xf32, #tpu.memory_space<hbm>>
      %dma_wait3A_155 = tpu.memref_squeeze %dma_wait3A_154 : memref<1x128x128xf32, #tpu.memory_space<hbm>> -> memref<128x128xf32, #tpu.memory_space<hbm>>
      tpu.wait_dma2 semaphore(%arg26 : memref<!tpu.dma_semaphore, #tpu.memory_space<semaphore_mem>>) src(%dma_wait3A_155 : memref<128x128xf32, #tpu.memory_space<hbm>>) dst(%arg16 : memref<128x128xf32, #tpu.memory_space<vmem>>)
      %dma_wait3A_156 = arith.constant 0 : i32
      %dma_wait3A_157 = arith.constant 0 : i32
      %dma_wait3A_158 = tpu.memref_slice %arg2[%dma_wait3A_156, %dma_wait3A_157] : memref<331776x64xf32, #tpu.memory_space<hbm>> -> memref<128x64xf32, #tpu.memory_space<hbm>>
      %dma_wait3A_159 = arith.constant 0 : i32
      %dma_wait3A_160 = arith.constant 0 : i32
      %dma_wait3A_161 = tpu.memref_slice %arg2[%dma_wait3A_159, %dma_wait3A_160] : memref<331776x64xf32, #tpu.memory_space<hbm>> -> memref<128x64xf32, #tpu.memory_space<hbm>>
      tpu.wait_dma2 semaphore(%arg24 : memref<!tpu.dma_semaphore, #tpu.memory_space<semaphore_mem>>) src(%dma_wait3A_161 : memref<128x64xf32, #tpu.memory_space<hbm>>) dst(%arg14 : memref<128x64xf32, #tpu.memory_space<vmem>>)
      %scan3A_162 = arith.constant 0 : i32
      %scan3A_163 = arith.constant 0 : i32
      %scan3A_164 = arith.constant 128 : i32
      %scan3A_165 = arith.addi %scan3A_163, %scan3A_164 : i32
      %scan3A_166 = arith.constant 2 : i32
      scf.for %scan3A_245 = %scan3A_163 to %scan3A_165 step %scan3A_166  : i32 {
        %get3A_246 = arith.index_cast %scan3A_245 : i32 to index
        %get3A_247 = arith.constant 0 : index
        %get3A_248 = tpu.vector_load %arg12[%get3A_246, %get3A_247] {strides = array<i32>} : memref<128x64xf32, #tpu.memory_space<vmem>>, vector<16xf32>,
        %mul3A_249 = arith.mulf %get3A_248, %get3A_15 : vector<16xf32>
        %add3A_250 = arith.addf %mul3A_249, %get3A_31 : vector<16xf32>
        %max3A = arith.constant 0.000000e+00 : f32
        %max3A_251 = vector.broadcast %max3A : f32 to vector<16xf32>
        %max3A_252 = arith.maximumf %add3A_250, %max3A_251 : vector<16xf32>
        %sub3A = arith.subf %max3A_252, %get3A_47 : vector<16xf32>
        %exp3A = math.exp %sub3A : vector<16xf32>
        %swap3A = arith.index_cast %scan3A_245 : i32 to index
        %swap3A_253 = arith.constant 64 : index
        %swap3A_254 = tpu.vector_load %arg16[%swap3A, %swap3A_253] {strides = array<i32>} : memref<128x128xf32, #tpu.memory_space<vmem>>, vector<16xf32>,
        tpu.vector_store %arg16[%swap3A, %swap3A_253], %exp3A {strides = array<i32>} : memref<128x128xf32, #tpu.memory_space<vmem>>, vector<16xf32>,
        %get3A_255 = arith.index_cast %scan3A_245 : i32 to index
        %get3A_256 = arith.constant 0 : index
        %get3A_257 = tpu.vector_load %arg14[%get3A_255, %get3A_256] {strides = array<i32>} : memref<128x64xf32, #tpu.memory_space<vmem>>, vector<16xf32>,
        %get3A_258 = arith.index_cast %scan3A_245 : i32 to index
        %get3A_259 = arith.constant 0 : index
        %get3A_260 = tpu.vector_load %arg13[%get3A_258, %get3A_259] {strides = array<i32>} : memref<128x64xf32, #tpu.memory_space<vmem>>, vector<16xf32>,
        %add3A_261 = arith.addf %get3A_257, %get3A_260 : vector<16xf32>
        %mul3A_262 = arith.mulf %exp3A, %add3A_261 : vector<16xf32>
        %swap3A_263 = arith.index_cast %scan3A_245 : i32 to index
        %swap3A_264 = arith.constant 0 : index
        %swap3A_265 = tpu.vector_load %arg16[%swap3A_263, %swap3A_264] {strides = array<i32>} : memref<128x128xf32, #tpu.memory_space<vmem>>, vector<16xf32>,
        tpu.vector_store %arg16[%swap3A_263, %swap3A_264], %mul3A_262 {strides = array<i32>} : memref<128x128xf32, #tpu.memory_space<vmem>>, vector<16xf32>,
        %get3A_266 = arith.index_cast %scan3A_245 : i32 to index
        %get3A_267 = arith.constant 16 : index
        %get3A_268 = tpu.vector_load %arg12[%get3A_266, %get3A_267] {strides = array<i32>} : memref<128x64xf32, #tpu.memory_space<vmem>>, vector<16xf32>,
        %mul3A_269 = arith.mulf %get3A_268, %get3A_19 : vector<16xf32>
        %add3A_270 = arith.addf %mul3A_269, %get3A_35 : vector<16xf32>
        %max3A_271 = arith.constant 0.000000e+00 : f32
        %max3A_272 = vector.broadcast %max3A_271 : f32 to vector<16xf32>
        %max3A_273 = arith.maximumf %add3A_270, %max3A_272 : vector<16xf32>
        %sub3A_274 = arith.subf %max3A_273, %get3A_51 : vector<16xf32>
        %exp3A_275 = math.exp %sub3A_274 : vector<16xf32>
        %swap3A_276 = arith.index_cast %scan3A_245 : i32 to index
        %swap3A_277 = arith.constant 80 : index
        %swap3A_278 = tpu.vector_load %arg16[%swap3A_276, %swap3A_277] {strides = array<i32>} : memref<128x128xf32, #tpu.memory_space<vmem>>, vector<16xf32>,
        tpu.vector_store %arg16[%swap3A_276, %swap3A_277], %exp3A_275 {strides = array<i32>} : memref<128x128xf32, #tpu.memory_space<vmem>>, vector<16xf32>,
        %get3A_279 = arith.index_cast %scan3A_245 : i32 to index
        %get3A_280 = arith.constant 16 : index
        %get3A_281 = tpu.vector_load %arg14[%get3A_279, %get3A_280] {strides = array<i32>} : memref<128x64xf32, #tpu.memory_space<vmem>>, vector<16xf32>,
        %get3A_282 = arith.index_cast %scan3A_245 : i32 to index
        %get3A_283 = arith.constant 16 : index
        %get3A_284 = tpu.vector_load %arg13[%get3A_282, %get3A_283] {strides = array<i32>} : memref<128x64xf32, #tpu.memory_space<vmem>>, vector<16xf32>,
        %add3A_285 = arith.addf %get3A_281, %get3A_284 : vector<16xf32>
        %mul3A_286 = arith.mulf %exp3A_275, %add3A_285 : vector<16xf32>
        %swap3A_287 = arith.index_cast %scan3A_245 : i32 to index
        %swap3A_288 = arith.constant 16 : index
        %swap3A_289 = tpu.vector_load %arg16[%swap3A_287, %swap3A_288] {strides = array<i32>} : memref<128x128xf32, #tpu.memory_space<vmem>>, vector<16xf32>,
        tpu.vector_store %arg16[%swap3A_287, %swap3A_288], %mul3A_286 {strides = array<i32>} : memref<128x128xf32, #tpu.memory_space<vmem>>, vector<16xf32>,
        %get3A_290 = arith.index_cast %scan3A_245 : i32 to index
        %get3A_291 = arith.constant 32 : index
        %get3A_292 = tpu.vector_load %arg12[%get3A_290, %get3A_291] {strides = array<i32>} : memref<128x64xf32, #tpu.memory_space<vmem>>, vector<16xf32>,
        %mul3A_293 = arith.mulf %get3A_292, %get3A_23 : vector<16xf32>
        %add3A_294 = arith.addf %mul3A_293, %get3A_39 : vector<16xf32>
        %max3A_295 = arith.constant 0.000000e+00 : f32
        %max3A_296 = vector.broadcast %max3A_295 : f32 to vector<16xf32>
        %max3A_297 = arith.maximumf %add3A_294, %max3A_296 : vector<16xf32>
        %sub3A_298 = arith.subf %max3A_297, %get3A_55 : vector<16xf32>
        %exp3A_299 = math.exp %sub3A_298 : vector<16xf32>
        %swap3A_300 = arith.index_cast %scan3A_245 : i32 to index
        %swap3A_301 = arith.constant 96 : index
        %swap3A_302 = tpu.vector_load %arg16[%swap3A_300, %swap3A_301] {strides = array<i32>} : memref<128x128xf32, #tpu.memory_space<vmem>>, vector<16xf32>,
        tpu.vector_store %arg16[%swap3A_300, %swap3A_301], %exp3A_299 {strides = array<i32>} : memref<128x128xf32, #tpu.memory_space<vmem>>, vector<16xf32>,
        %get3A_303 = arith.index_cast %scan3A_245 : i32 to index
        %get3A_304 = arith.constant 32 : index
        %get3A_305 = tpu.vector_load %arg14[%get3A_303, %get3A_304] {strides = array<i32>} : memref<128x64xf32, #tpu.memory_space<vmem>>, vector<16xf32>,
        %get3A_306 = arith.index_cast %scan3A_245 : i32 to index
        %get3A_307 = arith.constant 32 : index
        %get3A_308 = tpu.vector_load %arg13[%get3A_306, %get3A_307] {strides = array<i32>} : memref<128x64xf32, #tpu.memory_space<vmem>>, vector<16xf32>,
        %add3A_309 = arith.addf %get3A_305, %get3A_308 : vector<16xf32>
        %mul3A_310 = arith.mulf %exp3A_299, %add3A_309 : vector<16xf32>
        %swap3A_311 = arith.index_cast %scan3A_245 : i32 to index
        %swap3A_312 = arith.constant 32 : index
        %swap3A_313 = tpu.vector_load %arg16[%swap3A_311, %swap3A_312] {strides = array<i32>} : memref<128x128xf32, #tpu.memory_space<vmem>>, vector<16xf32>,
        tpu.vector_store %arg16[%swap3A_311, %swap3A_312], %mul3A_310 {strides = array<i32>} : memref<128x128xf32, #tpu.memory_space<vmem>>, vector<16xf32>,
        %get3A_314 = arith.index_cast %scan3A_245 : i32 to index
        %get3A_315 = arith.constant 48 : index
        %get3A_316 = tpu.vector_load %arg12[%get3A_314, %get3A_315] {strides = array<i32>} : memref<128x64xf32, #tpu.memory_space<vmem>>, vector<16xf32>,
        %mul3A_317 = arith.mulf %get3A_316, %get3A_27 : vector<16xf32>
        %add3A_318 = arith.addf %mul3A_317, %get3A_43 : vector<16xf32>
        %max3A_319 = arith.constant 0.000000e+00 : f32
        %max3A_320 = vector.broadcast %max3A_319 : f32 to vector<16xf32>
        %max3A_321 = arith.maximumf %add3A_318, %max3A_320 : vector<16xf32>
        %sub3A_322 = arith.subf %max3A_321, %get3A_59 : vector<16xf32>
        %exp3A_323 = math.exp %sub3A_322 : vector<16xf32>
        %swap3A_324 = arith.index_cast %scan3A_245 : i32 to index
        %swap3A_325 = arith.constant 112 : index
        %swap3A_326 = tpu.vector_load %arg16[%swap3A_324, %swap3A_325] {strides = array<i32>} : memref<128x128xf32, #tpu.memory_space<vmem>>, vector<16xf32>,
        tpu.vector_store %arg16[%swap3A_324, %swap3A_325], %exp3A_323 {strides = array<i32>} : memref<128x128xf32, #tpu.memory_space<vmem>>, vector<16xf32>,
        %get3A_327 = arith.index_cast %scan3A_245 : i32 to index
        %get3A_328 = arith.constant 48 : index
        %get3A_329 = tpu.vector_load %arg14[%get3A_327, %get3A_328] {strides = array<i32>} : memref<128x64xf32, #tpu.memory_space<vmem>>, vector<16xf32>,
        %get3A_330 = arith.index_cast %scan3A_245 : i32 to index
        %get3A_331 = arith.constant 48 : index
        %get3A_332 = tpu.vector_load %arg13[%get3A_330, %get3A_331] {strides = array<i32>} : memref<128x64xf32, #tpu.memory_space<vmem>>, vector<16xf32>,
        %add3A_333 = arith.addf %get3A_329, %get3A_332 : vector<16xf32>
        %mul3A_334 = arith.mulf %exp3A_323, %add3A_333 : vector<16xf32>
        %swap3A_335 = arith.index_cast %scan3A_245 : i32 to index
        %swap3A_336 = arith.constant 48 : index
        %swap3A_337 = tpu.vector_load %arg16[%swap3A_335, %swap3A_336] {strides = array<i32>} : memref<128x128xf32, #tpu.memory_space<vmem>>, vector<16xf32>,
        tpu.vector_store %arg16[%swap3A_335, %swap3A_336], %mul3A_334 {strides = array<i32>} : memref<128x128xf32, #tpu.memory_space<vmem>>, vector<16xf32>,
        %scan3A_338 = arith.constant 1 : i32
        %scan3A_339 = arith.addi %scan3A_245, %scan3A_338 : i32
        %get3A_340 = arith.index_cast %scan3A_339 : i32 to index
        %get3A_341 = arith.constant 0 : index
        %get3A_342 = tpu.vector_load %arg12[%get3A_340, %get3A_341] {strides = array<i32>} : memref<128x64xf32, #tpu.memory_space<vmem>>, vector<16xf32>,
        %mul3A_343 = arith.mulf %get3A_342, %get3A_15 : vector<16xf32>
        %add3A_344 = arith.addf %mul3A_343, %get3A_31 : vector<16xf32>
        %max3A_345 = arith.constant 0.000000e+00 : f32
        %max3A_346 = vector.broadcast %max3A_345 : f32 to vector<16xf32>
        %max3A_347 = arith.maximumf %add3A_344, %max3A_346 : vector<16xf32>
        %sub3A_348 = arith.subf %max3A_347, %get3A_47 : vector<16xf32>
        %exp3A_349 = math.exp %sub3A_348 : vector<16xf32>
        %swap3A_350 = arith.index_cast %scan3A_339 : i32 to index
        %swap3A_351 = arith.constant 64 : index
        %swap3A_352 = tpu.vector_load %arg16[%swap3A_350, %swap3A_351] {strides = array<i32>} : memref<128x128xf32, #tpu.memory_space<vmem>>, vector<16xf32>,
        tpu.vector_store %arg16[%swap3A_350, %swap3A_351], %exp3A_349 {strides = array<i32>} : memref<128x128xf32, #tpu.memory_space<vmem>>, vector<16xf32>,
        %get3A_353 = arith.index_cast %scan3A_339 : i32 to index
        %get3A_354 = arith.constant 0 : index
        %get3A_355 = tpu.vector_load %arg14[%get3A_353, %get3A_354] {strides = array<i32>} : memref<128x64xf32, #tpu.memory_space<vmem>>, vector<16xf32>,
        %get3A_356 = arith.index_cast %scan3A_339 : i32 to index
        %get3A_357 = arith.constant 0 : index
        %get3A_358 = tpu.vector_load %arg13[%get3A_356, %get3A_357] {strides = array<i32>} : memref<128x64xf32, #tpu.memory_space<vmem>>, vector<16xf32>,
        %add3A_359 = arith.addf %get3A_355, %get3A_358 : vector<16xf32>
        %mul3A_360 = arith.mulf %exp3A_349, %add3A_359 : vector<16xf32>
        %swap3A_361 = arith.index_cast %scan3A_339 : i32 to index
        %swap3A_362 = arith.constant 0 : index
        %swap3A_363 = tpu.vector_load %arg16[%swap3A_361, %swap3A_362] {strides = array<i32>} : memref<128x128xf32, #tpu.memory_space<vmem>>, vector<16xf32>,
        tpu.vector_store %arg16[%swap3A_361, %swap3A_362], %mul3A_360 {strides = array<i32>} : memref<128x128xf32, #tpu.memory_space<vmem>>, vector<16xf32>,
        %get3A_364 = arith.index_cast %scan3A_339 : i32 to index
        %get3A_365 = arith.constant 16 : index
        %get3A_366 = tpu.vector_load %arg12[%get3A_364, %get3A_365] {strides = array<i32>} : memref<128x64xf32, #tpu.memory_space<vmem>>, vector<16xf32>,
        %mul3A_367 = arith.mulf %get3A_366, %get3A_19 : vector<16xf32>
        %add3A_368 = arith.addf %mul3A_367, %get3A_35 : vector<16xf32>
        %max3A_369 = arith.constant 0.000000e+00 : f32
        %max3A_370 = vector.broadcast %max3A_369 : f32 to vector<16xf32>
        %max3A_371 = arith.maximumf %add3A_368, %max3A_370 : vector<16xf32>
        %sub3A_372 = arith.subf %max3A_371, %get3A_51 : vector<16xf32>
        %exp3A_373 = math.exp %sub3A_372 : vector<16xf32>
        %swap3A_374 = arith.index_cast %scan3A_339 : i32 to index
        %swap3A_375 = arith.constant 80 : index
        %swap3A_376 = tpu.vector_load %arg16[%swap3A_374, %swap3A_375] {strides = array<i32>} : memref<128x128xf32, #tpu.memory_space<vmem>>, vector<16xf32>,
        tpu.vector_store %arg16[%swap3A_374, %swap3A_375], %exp3A_373 {strides = array<i32>} : memref<128x128xf32, #tpu.memory_space<vmem>>, vector<16xf32>,
        %get3A_377 = arith.index_cast %scan3A_339 : i32 to index
        %get3A_378 = arith.constant 16 : index
        %get3A_379 = tpu.vector_load %arg14[%get3A_377, %get3A_378] {strides = array<i32>} : memref<128x64xf32, #tpu.memory_space<vmem>>, vector<16xf32>,
        %get3A_380 = arith.index_cast %scan3A_339 : i32 to index
        %get3A_381 = arith.constant 16 : index
        %get3A_382 = tpu.vector_load %arg13[%get3A_380, %get3A_381] {strides = array<i32>} : memref<128x64xf32, #tpu.memory_space<vmem>>, vector<16xf32>,
        %add3A_383 = arith.addf %get3A_379, %get3A_382 : vector<16xf32>
        %mul3A_384 = arith.mulf %exp3A_373, %add3A_383 : vector<16xf32>
        %swap3A_385 = arith.index_cast %scan3A_339 : i32 to index
        %swap3A_386 = arith.constant 16 : index
        %swap3A_387 = tpu.vector_load %arg16[%swap3A_385, %swap3A_386] {strides = array<i32>} : memref<128x128xf32, #tpu.memory_space<vmem>>, vector<16xf32>,
        tpu.vector_store %arg16[%swap3A_385, %swap3A_386], %mul3A_384 {strides = array<i32>} : memref<128x128xf32, #tpu.memory_space<vmem>>, vector<16xf32>,
        %get3A_388 = arith.index_cast %scan3A_339 : i32 to index
        %get3A_389 = arith.constant 32 : index
        %get3A_390 = tpu.vector_load %arg12[%get3A_388, %get3A_389] {strides = array<i32>} : memref<128x64xf32, #tpu.memory_space<vmem>>, vector<16xf32>,
        %mul3A_391 = arith.mulf %get3A_390, %get3A_23 : vector<16xf32>
        %add3A_392 = arith.addf %mul3A_391, %get3A_39 : vector<16xf32>
        %max3A_393 = arith.constant 0.000000e+00 : f32
        %max3A_394 = vector.broadcast %max3A_393 : f32 to vector<16xf32>
        %max3A_395 = arith.maximumf %add3A_392, %max3A_394 : vector<16xf32>
        %sub3A_396 = arith.subf %max3A_395, %get3A_55 : vector<16xf32>
        %exp3A_397 = math.exp %sub3A_396 : vector<16xf32>
        %swap3A_398 = arith.index_cast %scan3A_339 : i32 to index
        %swap3A_399 = arith.constant 96 : index
        %swap3A_400 = tpu.vector_load %arg16[%swap3A_398, %swap3A_399] {strides = array<i32>} : memref<128x128xf32, #tpu.memory_space<vmem>>, vector<16xf32>,
        tpu.vector_store %arg16[%swap3A_398, %swap3A_399], %exp3A_397 {strides = array<i32>} : memref<128x128xf32, #tpu.memory_space<vmem>>, vector<16xf32>,
        %get3A_401 = arith.index_cast %scan3A_339 : i32 to index
        %get3A_402 = arith.constant 32 : index
        %get3A_403 = tpu.vector_load %arg14[%get3A_401, %get3A_402] {strides = array<i32>} : memref<128x64xf32, #tpu.memory_space<vmem>>, vector<16xf32>,
        %get3A_404 = arith.index_cast %scan3A_339 : i32 to index
        %get3A_405 = arith.constant 32 : index
        %get3A_406 = tpu.vector_load %arg13[%get3A_404, %get3A_405] {strides = array<i32>} : memref<128x64xf32, #tpu.memory_space<vmem>>, vector<16xf32>,
        %add3A_407 = arith.addf %get3A_403, %get3A_406 : vector<16xf32>
        %mul3A_408 = arith.mulf %exp3A_397, %add3A_407 : vector<16xf32>
        %swap3A_409 = arith.index_cast %scan3A_339 : i32 to index
        %swap3A_410 = arith.constant 32 : index
        %swap3A_411 = tpu.vector_load %arg16[%swap3A_409, %swap3A_410] {strides = array<i32>} : memref<128x128xf32, #tpu.memory_space<vmem>>, vector<16xf32>,
        tpu.vector_store %arg16[%swap3A_409, %swap3A_410], %mul3A_408 {strides = array<i32>} : memref<128x128xf32, #tpu.memory_space<vmem>>, vector<16xf32>,
        %get3A_412 = arith.index_cast %scan3A_339 : i32 to index
        %get3A_413 = arith.constant 48 : index
        %get3A_414 = tpu.vector_load %arg12[%get3A_412, %get3A_413] {strides = array<i32>} : memref<128x64xf32, #tpu.memory_space<vmem>>, vector<16xf32>,
        %mul3A_415 = arith.mulf %get3A_414, %get3A_27 : vector<16xf32>
        %add3A_416 = arith.addf %mul3A_415, %get3A_43 : vector<16xf32>
        %max3A_417 = arith.constant 0.000000e+00 : f32
        %max3A_418 = vector.broadcast %max3A_417 : f32 to vector<16xf32>
        %max3A_419 = arith.maximumf %add3A_416, %max3A_418 : vector<16xf32>
        %sub3A_420 = arith.subf %max3A_419, %get3A_59 : vector<16xf32>
        %exp3A_421 = math.exp %sub3A_420 : vector<16xf32>
        %swap3A_422 = arith.index_cast %scan3A_339 : i32 to index
        %swap3A_423 = arith.constant 112 : index
        %swap3A_424 = tpu.vector_load %arg16[%swap3A_422, %swap3A_423] {strides = array<i32>} : memref<128x128xf32, #tpu.memory_space<vmem>>, vector<16xf32>,
        tpu.vector_store %arg16[%swap3A_422, %swap3A_423], %exp3A_421 {strides = array<i32>} : memref<128x128xf32, #tpu.memory_space<vmem>>, vector<16xf32>,
        %get3A_425 = arith.index_cast %scan3A_339 : i32 to index
        %get3A_426 = arith.constant 48 : index
        %get3A_427 = tpu.vector_load %arg14[%get3A_425, %get3A_426] {strides = array<i32>} : memref<128x64xf32, #tpu.memory_space<vmem>>, vector<16xf32>,
        %get3A_428 = arith.index_cast %scan3A_339 : i32 to index
        %get3A_429 = arith.constant 48 : index
        %get3A_430 = tpu.vector_load %arg13[%get3A_428, %get3A_429] {strides = array<i32>} : memref<128x64xf32, #tpu.memory_space<vmem>>, vector<16xf32>,
        %add3A_431 = arith.addf %get3A_427, %get3A_430 : vector<16xf32>
        %mul3A_432 = arith.mulf %exp3A_421, %add3A_431 : vector<16xf32>
        %swap3A_433 = arith.index_cast %scan3A_339 : i32 to index
        %swap3A_434 = arith.constant 48 : index
        %swap3A_435 = tpu.vector_load %arg16[%swap3A_433, %swap3A_434] {strides = array<i32>} : memref<128x128xf32, #tpu.memory_space<vmem>>, vector<16xf32>,
        tpu.vector_store %arg16[%swap3A_433, %swap3A_434], %mul3A_432 {strides = array<i32>} : memref<128x128xf32, #tpu.memory_space<vmem>>, vector<16xf32>,
      }
      %scan3A_167 = arith.constant 128 : i32
      %dma_start3A_168 = arith.constant 0 : i32
      %dma_start3A_169 = arith.constant 0 : i32
      %dma_start3A_170 = tpu.memref_slice %arg22[%dma_start3A_168, %dma_start3A_169] : memref<10016x128xf32, #tpu.memory_space<vmem_shared>> -> memref<10016x128xf32, #tpu.memory_space<vmem_shared>>
      tpu.enqueue_indirect_dma source(%arg16 : memref<128x128xf32, #tpu.memory_space<vmem>>) target(%dma_start3A_170 : memref<10016x128xf32, #tpu.memory_space<vmem_shared>>) offsets(%arg19 : memref<128xi32, #tpu.memory_space<vmem>>) semaphore(%arg26 : memref<!tpu.dma_semaphore, #tpu.memory_space<semaphore_mem>>) {add = true}
      %add3A_171 = arith.constant 1 : i32
      %add3A_172 = arith.addi %mul3A_100, %add3A_171 : i32
      %mul3A_173 = arith.constant 128 : i32
      %mul3A_174 = arith.muli %add3A_172, %mul3A_173 : i32
      %add3A_175 = arith.addi %mul3A_61, %mul3A_174 : i32
      %dma_start3A_176 = tpu.memref_slice %arg9[%add3A_175] : memref<331776xi32, #tpu.memory_space<hbm>> -> memref<128xi32, #tpu.memory_space<hbm>>
      %dma_start3A_177 = tpu.memref_slice %arg9[%add3A_175] : memref<331776xi32, #tpu.memory_space<hbm>> -> memref<128xi32, #tpu.memory_space<hbm>>
      tpu.enqueue_dma source(%dma_start3A_177 : memref<128xi32, #tpu.memory_space<hbm>>) target(%arg20 : memref<128xi32, #tpu.memory_space<vmem>>) target_semaphore(%arg23 : memref<!tpu.dma_semaphore, #tpu.memory_space<semaphore_mem>>)
      %eq3A_178 = arith.constant 0 : i32
      %eq3A_179 = arith.cmpi eq, %arg0, %eq3A_178 : i32
      %convert_element_type3A_180 = arith.extui %eq3A_179 : i1 to i32
      %cond3A_181 = arith.constant 0 : i32
      %cond3A_182 = arith.cmpi ne, %convert_element_type3A_180, %cond3A_181 : i32
      scf.if %cond3A_182 {
        %dma_start3A_245 = arith.constant 0 : i32
        %dma_start3A_246 = tpu.memref_slice %arg2[%add3A_175, %dma_start3A_245] : memref<331776x64xf32, #tpu.memory_space<hbm>> -> memref<128x64xf32, #tpu.memory_space<hbm>>
        %dma_start3A_247 = arith.constant 0 : i32
        %dma_start3A_248 = tpu.memref_slice %arg2[%add3A_175, %dma_start3A_247] : memref<331776x64xf32, #tpu.memory_space<hbm>> -> memref<128x64xf32, #tpu.memory_space<hbm>>
        tpu.enqueue_dma source(%dma_start3A_248 : memref<128x64xf32, #tpu.memory_space<hbm>>) target(%arg12 : memref<128x64xf32, #tpu.memory_space<vmem>>) target_semaphore(%arg23 : memref<!tpu.dma_semaphore, #tpu.memory_space<semaphore_mem>>)
        %dma_start3A_249 = arith.constant 0 : i32
        %dma_start3A_250 = tpu.memref_slice %arg4[%add3A_175, %dma_start3A_249] : memref<331776x64xf32, #tpu.memory_space<hbm>> -> memref<128x64xf32, #tpu.memory_space<hbm>>
        %dma_start3A_251 = arith.constant 0 : i32
        %dma_start3A_252 = tpu.memref_slice %arg4[%add3A_175, %dma_start3A_251] : memref<331776x64xf32, #tpu.memory_space<hbm>> -> memref<128x64xf32, #tpu.memory_space<hbm>>
        tpu.enqueue_dma source(%dma_start3A_252 : memref<128x64xf32, #tpu.memory_space<hbm>>) target(%arg13 : memref<128x64xf32, #tpu.memory_space<vmem>>) target_semaphore(%arg23 : memref<!tpu.dma_semaphore, #tpu.memory_space<semaphore_mem>>)
      } else {
      }
      %eq3A_183 = arith.constant 1 : i32
      %eq3A_184 = arith.cmpi eq, %arg0, %eq3A_183 : i32
      %convert_element_type3A_185 = arith.extui %eq3A_184 : i1 to i32
      %cond3A_186 = arith.constant 0 : i32
      %cond3A_187 = arith.cmpi ne, %convert_element_type3A_185, %cond3A_186 : i32
      scf.if %cond3A_187 {
        %dma_start3A_245 = arith.constant 0 : i32
        %dma_start3A_246 = tpu.memref_slice %arg3[%add3A_175, %dma_start3A_245] : memref<331776x64xf32, #tpu.memory_space<hbm>> -> memref<128x64xf32, #tpu.memory_space<hbm>>
        %dma_start3A_247 = arith.constant 0 : i32
        %dma_start3A_248 = tpu.memref_slice %arg3[%add3A_175, %dma_start3A_247] : memref<331776x64xf32, #tpu.memory_space<hbm>> -> memref<128x64xf32, #tpu.memory_space<hbm>>
        tpu.enqueue_dma source(%dma_start3A_248 : memref<128x64xf32, #tpu.memory_space<hbm>>) target(%arg12 : memref<128x64xf32, #tpu.memory_space<vmem>>) target_semaphore(%arg23 : memref<!tpu.dma_semaphore, #tpu.memory_space<semaphore_mem>>)
        %dma_start3A_249 = arith.constant 0 : i32
        %dma_start3A_250 = tpu.memref_slice %arg5[%add3A_175, %dma_start3A_249] : memref<331776x64xf32, #tpu.memory_space<hbm>> -> memref<128x64xf32, #tpu.memory_space<hbm>>
        %dma_start3A_251 = arith.constant 0 : i32
        %dma_start3A_252 = tpu.memref_slice %arg5[%add3A_175, %dma_start3A_251] : memref<331776x64xf32, #tpu.memory_space<hbm>> -> memref<128x64xf32, #tpu.memory_space<hbm>>
        tpu.enqueue_dma source(%dma_start3A_252 : memref<128x64xf32, #tpu.memory_space<hbm>>) target(%arg13 : memref<128x64xf32, #tpu.memory_space<vmem>>) target_semaphore(%arg23 : memref<!tpu.dma_semaphore, #tpu.memory_space<semaphore_mem>>)
      } else {
      }
      %add3A_188 = arith.constant 1 : i32
      %add3A_189 = arith.addi %add3A_172, %add3A_188 : i32
      %mul3A_190 = arith.constant 128 : i32
      %mul3A_191 = arith.muli %add3A_189, %mul3A_190 : i32
      %add3A_192 = arith.addi %mul3A_61, %mul3A_191 : i32
      %add3A_193 = arith.constant 20608 : i32
      %add3A_194 = arith.addi %mul3A_61, %add3A_193 : i32
      %min3A = arith.minsi %add3A_192, %add3A_194 : i32
      "tpu.region"() ({
        %run_scoped3A = tpu.sem_alloc : memref<!tpu.dma_semaphore, #tpu.memory_space<semaphore_mem>>
        %dma_start3A_245 = tpu.memref_slice %arg8[%min3A] : memref<331776xi32, #tpu.memory_space<hbm>> -> memref<128xi32, #tpu.memory_space<hbm>>
        %dma_start3A_246 = tpu.memref_slice %arg8[%min3A] : memref<331776xi32, #tpu.memory_space<hbm>> -> memref<128xi32, #tpu.memory_space<hbm>>
        tpu.enqueue_dma source(%dma_start3A_246 : memref<128xi32, #tpu.memory_space<hbm>>) target(%arg17 : memref<128xi32, #tpu.memory_space<vmem>>) target_semaphore(%run_scoped3A : memref<!tpu.dma_semaphore, #tpu.memory_space<semaphore_mem>>)
        %dma_wait3A_247 = tpu.memref_slice %arg8[%min3A] : memref<331776xi32, #tpu.memory_space<hbm>> -> memref<128xi32, #tpu.memory_space<hbm>>
        %dma_wait3A_248 = tpu.memref_slice %arg8[%min3A] : memref<331776xi32, #tpu.memory_space<hbm>> -> memref<128xi32, #tpu.memory_space<hbm>>
        tpu.wait_dma2 semaphore(%run_scoped3A : memref<!tpu.dma_semaphore, #tpu.memory_space<semaphore_mem>>) src(%dma_wait3A_248 : memref<128xi32, #tpu.memory_space<hbm>>) dst(%arg17 : memref<128xi32, #tpu.memory_space<vmem>>)
        tpu.yield
      }) : () -> ()
      %eq3A_195 = arith.constant 0 : i32
      %eq3A_196 = arith.cmpi eq, %arg0, %eq3A_195 : i32
      %convert_element_type3A_197 = arith.extui %eq3A_196 : i1 to i32
      %cond3A_198 = arith.constant 0 : i32
      %cond3A_199 = arith.cmpi ne, %convert_element_type3A_197, %cond3A_198 : i32
      scf.if %cond3A_199 {
        %dma_start3A_245 = arith.constant 0 : i32
        %dma_start3A_246 = arith.constant 0 : i32
        %dma_start3A_247 = tpu.memref_slice %arg6[%dma_start3A_245, %dma_start3A_246] : memref<10000x64xf32, #tpu.memory_space<hbm>> -> memref<10000x64xf32, #tpu.memory_space<hbm>>
        tpu.enqueue_indirect_dma source(%dma_start3A_247 : memref<10000x64xf32, #tpu.memory_space<hbm>>) target(%arg14 : memref<128x64xf32, #tpu.memory_space<vmem>>) offsets(%arg17 : memref<128xi32, #tpu.memory_space<vmem>>) semaphore(%arg24 : memref<!tpu.dma_semaphore, #tpu.memory_space<semaphore_mem>>)
      } else {
      }
      %eq3A_200 = arith.constant 1 : i32
      %eq3A_201 = arith.cmpi eq, %arg0, %eq3A_200 : i32
      %convert_element_type3A_202 = arith.extui %eq3A_201 : i1 to i32
      %cond3A_203 = arith.constant 0 : i32
      %cond3A_204 = arith.cmpi ne, %convert_element_type3A_202, %cond3A_203 : i32
      scf.if %cond3A_204 {
        %dma_start3A_245 = arith.constant 0 : i32
        %dma_start3A_246 = arith.constant 0 : i32
        %dma_start3A_247 = tpu.memref_slice %arg7[%dma_start3A_245, %dma_start3A_246] : memref<10000x64xf32, #tpu.memory_space<hbm>> -> memref<10000x64xf32, #tpu.memory_space<hbm>>
        tpu.enqueue_indirect_dma source(%dma_start3A_247 : memref<10000x64xf32, #tpu.memory_space<hbm>>) target(%arg14 : memref<128x64xf32, #tpu.memory_space<vmem>>) offsets(%arg17 : memref<128xi32, #tpu.memory_space<vmem>>) semaphore(%arg24 : memref<!tpu.dma_semaphore, #tpu.memory_space<semaphore_mem>>)
      } else {
      }
      %dma_wait3A_205 = arith.constant 0 : i32
      %dma_wait3A_206 = tpu.memref_slice %arg9[%dma_wait3A_205] : memref<331776xi32, #tpu.memory_space<hbm>> -> memref<128xi32, #tpu.memory_space<hbm>>
      %dma_wait3A_207 = arith.constant 0 : i32
      %dma_wait3A_208 = tpu.memref_slice %arg9[%dma_wait3A_207] : memref<331776xi32, #tpu.memory_space<hbm>> -> memref<128xi32, #tpu.memory_space<hbm>>
      tpu.wait_dma2 semaphore(%arg23 : memref<!tpu.dma_semaphore, #tpu.memory_space<semaphore_mem>>) src(%dma_wait3A_208 : memref<128xi32, #tpu.memory_space<hbm>>) dst(%arg20 : memref<128xi32, #tpu.memory_space<vmem>>)
      %dma_wait3A_209 = arith.constant 0 : i32
      %dma_wait3A_210 = arith.constant 0 : i32
      %dma_wait3A_211 = tpu.memref_slice %arg2[%dma_wait3A_209, %dma_wait3A_210] : memref<331776x64xf32, #tpu.memory_space<hbm>> -> memref<128x64xf32, #tpu.memory_space<hbm>>
      %dma_wait3A_212 = arith.constant 0 : i32
      %dma_wait3A_213 = arith.constant 0 : i32
      %dma_wait3A_214 = tpu.memref_slice %arg2[%dma_wait3A_212, %dma_wait3A_213] : memref<331776x64xf32, #tpu.memory_space<hbm>> -> memref<128x64xf32, #tpu.memory_space<hbm>>
      tpu.wait_dma2 semaphore(%arg23 : memref<!tpu.dma_semaphore, #tpu.memory_space<semaphore_mem>>) src(%dma_wait3A_214 : memref<128x64xf32, #tpu.memory_space<hbm>>) dst(%arg12 : memref<128x64xf32, #tpu.memory_space<vmem>>)
      %dma_wait3A_215 = arith.constant 0 : i32
      %dma_wait3A_216 = arith.constant 0 : i32
      %dma_wait3A_217 = tpu.memref_slice %arg4[%dma_wait3A_215, %dma_wait3A_216] : memref<331776x64xf32, #tpu.memory_space<hbm>> -> memref<128x64xf32, #tpu.memory_space<hbm>>
      %dma_wait3A_218 = arith.constant 0 : i32
      %dma_wait3A_219 = arith.constant 0 : i32
      %dma_wait3A_220 = tpu.memref_slice %arg4[%dma_wait3A_218, %dma_wait3A_219] : memref<331776x64xf32, #tpu.memory_space<hbm>> -> memref<128x64xf32, #tpu.memory_space<hbm>>
      tpu.wait_dma2 semaphore(%arg23 : memref<!tpu.dma_semaphore, #tpu.memory_space<semaphore_mem>>) src(%dma_wait3A_220 : memref<128x64xf32, #tpu.memory_space<hbm>>) dst(%arg13 : memref<128x64xf32, #tpu.memory_space<vmem>>)
      %dma_wait3A_221 = arith.constant 0 : i32
      %dma_wait3A_222 = arith.constant 0 : i32
      %dma_wait3A_223 = arith.constant 0 : i32
      %dma_wait3A_224 = tpu.memref_slice %arg11[%dma_wait3A_221, %dma_wait3A_222, %dma_wait3A_223] : memref<2x10016x128xf32, #tpu.memory_space<hbm>> -> memref<1x128x128xf32, #tpu.memory_space<hbm>>
      %dma_wait3A_225 = tpu.memref_squeeze %dma_wait3A_224 : memref<1x128x128xf32, #tpu.memory_space<hbm>> -> memref<128x128xf32, #tpu.memory_space<hbm>>
      %dma_wait3A_226 = arith.constant 0 : i32
      %dma_wait3A_227 = arith.constant 0 : i32
      %dma_wait3A_228 = tpu.memref_slice %arg11[%dma_wait3A_221, %dma_wait3A_226, %dma_wait3A_227] : memref<2x10016x128xf32, #tpu.memory_space<hbm>> -> memref<1x128x128xf32, #tpu.memory_space<hbm>>
      %dma_wait3A_229 = tpu.memref_squeeze %dma_wait3A_228 : memref<1x128x128xf32, #tpu.memory_space<hbm>> -> memref<128x128xf32, #tpu.memory_space<hbm>>
      tpu.wait_dma2 semaphore(%arg26 : memref<!tpu.dma_semaphore, #tpu.memory_space<semaphore_mem>>) src(%dma_wait3A_229 : memref<128x128xf32, #tpu.memory_space<hbm>>) dst(%arg16 : memref<128x128xf32, #tpu.memory_space<vmem>>)
      %dma_wait3A_230 = arith.constant 0 : i32
      %dma_wait3A_231 = arith.constant 0 : i32
      %dma_wait3A_232 = tpu.memref_slice %arg2[%dma_wait3A_230, %dma_wait3A_231] : memref<331776x64xf32, #tpu.memory_space<hbm>> -> memref<128x64xf32, #tpu.memory_space<hbm>>
      %dma_wait3A_233 = arith.constant 0 : i32
      %dma_wait3A_234 = arith.constant 0 : i32
      %dma_wait3A_235 = tpu.memref_slice %arg2[%dma_wait3A_233, %dma_wait3A_234] : memref<331776x64xf32, #tpu.memory_space<hbm>> -> memref<128x64xf32, #tpu.memory_space<hbm>>
      tpu.wait_dma2 semaphore(%arg25 : memref<!tpu.dma_semaphore, #tpu.memory_space<semaphore_mem>>) src(%dma_wait3A_235 : memref<128x64xf32, #tpu.memory_space<hbm>>) dst(%arg15 : memref<128x64xf32, #tpu.memory_space<vmem>>)
      %scan3A_236 = arith.constant 0 : i32
      %scan3A_237 = arith.constant 0 : i32
      %scan3A_238 = arith.constant 128 : i32
      %scan3A_239 = arith.addi %scan3A_237, %scan3A_238 : i32
      %scan3A_240 = arith.constant 2 : i32
      scf.for %scan3A_245 = %scan3A_237 to %scan3A_239 step %scan3A_240  : i32 {
        %get3A_246 = arith.index_cast %scan3A_245 : i32 to index
        %get3A_247 = arith.constant 0 : index
        %get3A_248 = tpu.vector_load %arg12[%get3A_246, %get3A_247] {strides = array<i32>} : memref<128x64xf32, #tpu.memory_space<vmem>>, vector<16xf32>,
        %mul3A_249 = arith.mulf %get3A_248, %get3A_15 : vector<16xf32>
        %add3A_250 = arith.addf %mul3A_249, %get3A_31 : vector<16xf32>
        %max3A = arith.constant 0.000000e+00 : f32
        %max3A_251 = vector.broadcast %max3A : f32 to vector<16xf32>
        %max3A_252 = arith.maximumf %add3A_250, %max3A_251 : vector<16xf32>
        %sub3A = arith.subf %max3A_252, %get3A_47 : vector<16xf32>
        %exp3A = math.exp %sub3A : vector<16xf32>
        %swap3A = arith.index_cast %scan3A_245 : i32 to index
        %swap3A_253 = arith.constant 64 : index
        %swap3A_254 = tpu.vector_load %arg16[%swap3A, %swap3A_253] {strides = array<i32>} : memref<128x128xf32, #tpu.memory_space<vmem>>, vector<16xf32>,
        tpu.vector_store %arg16[%swap3A, %swap3A_253], %exp3A {strides = array<i32>} : memref<128x128xf32, #tpu.memory_space<vmem>>, vector<16xf32>,
        %get3A_255 = arith.index_cast %scan3A_245 : i32 to index
        %get3A_256 = arith.constant 0 : index
        %get3A_257 = tpu.vector_load %arg15[%get3A_255, %get3A_256] {strides = array<i32>} : memref<128x64xf32, #tpu.memory_space<vmem>>, vector<16xf32>,
        %get3A_258 = arith.index_cast %scan3A_245 : i32 to index
        %get3A_259 = arith.constant 0 : index
        %get3A_260 = tpu.vector_load %arg13[%get3A_258, %get3A_259] {strides = array<i32>} : memref<128x64xf32, #tpu.memory_space<vmem>>, vector<16xf32>,
        %add3A_261 = arith.addf %get3A_257, %get3A_260 : vector<16xf32>
        %mul3A_262 = arith.mulf %exp3A, %add3A_261 : vector<16xf32>
        %swap3A_263 = arith.index_cast %scan3A_245 : i32 to index
        %swap3A_264 = arith.constant 0 : index
        %swap3A_265 = tpu.vector_load %arg16[%swap3A_263, %swap3A_264] {strides = array<i32>} : memref<128x128xf32, #tpu.memory_space<vmem>>, vector<16xf32>,
        tpu.vector_store %arg16[%swap3A_263, %swap3A_264], %mul3A_262 {strides = array<i32>} : memref<128x128xf32, #tpu.memory_space<vmem>>, vector<16xf32>,
        %get3A_266 = arith.index_cast %scan3A_245 : i32 to index
        %get3A_267 = arith.constant 16 : index
        %get3A_268 = tpu.vector_load %arg12[%get3A_266, %get3A_267] {strides = array<i32>} : memref<128x64xf32, #tpu.memory_space<vmem>>, vector<16xf32>,
        %mul3A_269 = arith.mulf %get3A_268, %get3A_19 : vector<16xf32>
        %add3A_270 = arith.addf %mul3A_269, %get3A_35 : vector<16xf32>
        %max3A_271 = arith.constant 0.000000e+00 : f32
        %max3A_272 = vector.broadcast %max3A_271 : f32 to vector<16xf32>
        %max3A_273 = arith.maximumf %add3A_270, %max3A_272 : vector<16xf32>
        %sub3A_274 = arith.subf %max3A_273, %get3A_51 : vector<16xf32>
        %exp3A_275 = math.exp %sub3A_274 : vector<16xf32>
        %swap3A_276 = arith.index_cast %scan3A_245 : i32 to index
        %swap3A_277 = arith.constant 80 : index
        %swap3A_278 = tpu.vector_load %arg16[%swap3A_276, %swap3A_277] {strides = array<i32>} : memref<128x128xf32, #tpu.memory_space<vmem>>, vector<16xf32>,
        tpu.vector_store %arg16[%swap3A_276, %swap3A_277], %exp3A_275 {strides = array<i32>} : memref<128x128xf32, #tpu.memory_space<vmem>>, vector<16xf32>,
        %get3A_279 = arith.index_cast %scan3A_245 : i32 to index
        %get3A_280 = arith.constant 16 : index
        %get3A_281 = tpu.vector_load %arg15[%get3A_279, %get3A_280] {strides = array<i32>} : memref<128x64xf32, #tpu.memory_space<vmem>>, vector<16xf32>,
        %get3A_282 = arith.index_cast %scan3A_245 : i32 to index
        %get3A_283 = arith.constant 16 : index
        %get3A_284 = tpu.vector_load %arg13[%get3A_282, %get3A_283] {strides = array<i32>} : memref<128x64xf32, #tpu.memory_space<vmem>>, vector<16xf32>,
        %add3A_285 = arith.addf %get3A_281, %get3A_284 : vector<16xf32>
        %mul3A_286 = arith.mulf %exp3A_275, %add3A_285 : vector<16xf32>
        %swap3A_287 = arith.index_cast %scan3A_245 : i32 to index
        %swap3A_288 = arith.constant 16 : index
        %swap3A_289 = tpu.vector_load %arg16[%swap3A_287, %swap3A_288] {strides = array<i32>} : memref<128x128xf32, #tpu.memory_space<vmem>>, vector<16xf32>,
        tpu.vector_store %arg16[%swap3A_287, %swap3A_288], %mul3A_286 {strides = array<i32>} : memref<128x128xf32, #tpu.memory_space<vmem>>, vector<16xf32>,
        %get3A_290 = arith.index_cast %scan3A_245 : i32 to index
        %get3A_291 = arith.constant 32 : index
        %get3A_292 = tpu.vector_load %arg12[%get3A_290, %get3A_291] {strides = array<i32>} : memref<128x64xf32, #tpu.memory_space<vmem>>, vector<16xf32>,
        %mul3A_293 = arith.mulf %get3A_292, %get3A_23 : vector<16xf32>
        %add3A_294 = arith.addf %mul3A_293, %get3A_39 : vector<16xf32>
        %max3A_295 = arith.constant 0.000000e+00 : f32
        %max3A_296 = vector.broadcast %max3A_295 : f32 to vector<16xf32>
        %max3A_297 = arith.maximumf %add3A_294, %max3A_296 : vector<16xf32>
        %sub3A_298 = arith.subf %max3A_297, %get3A_55 : vector<16xf32>
        %exp3A_299 = math.exp %sub3A_298 : vector<16xf32>
        %swap3A_300 = arith.index_cast %scan3A_245 : i32 to index
        %swap3A_301 = arith.constant 96 : index
        %swap3A_302 = tpu.vector_load %arg16[%swap3A_300, %swap3A_301] {strides = array<i32>} : memref<128x128xf32, #tpu.memory_space<vmem>>, vector<16xf32>,
        tpu.vector_store %arg16[%swap3A_300, %swap3A_301], %exp3A_299 {strides = array<i32>} : memref<128x128xf32, #tpu.memory_space<vmem>>, vector<16xf32>,
        %get3A_303 = arith.index_cast %scan3A_245 : i32 to index
        %get3A_304 = arith.constant 32 : index
        %get3A_305 = tpu.vector_load %arg15[%get3A_303, %get3A_304] {strides = array<i32>} : memref<128x64xf32, #tpu.memory_space<vmem>>, vector<16xf32>,
        %get3A_306 = arith.index_cast %scan3A_245 : i32 to index
        %get3A_307 = arith.constant 32 : index
        %get3A_308 = tpu.vector_load %arg13[%get3A_306, %get3A_307] {strides = array<i32>} : memref<128x64xf32, #tpu.memory_space<vmem>>, vector<16xf32>,
        %add3A_309 = arith.addf %get3A_305, %get3A_308 : vector<16xf32>
        %mul3A_310 = arith.mulf %exp3A_299, %add3A_309 : vector<16xf32>
        %swap3A_311 = arith.index_cast %scan3A_245 : i32 to index
        %swap3A_312 = arith.constant 32 : index
        %swap3A_313 = tpu.vector_load %arg16[%swap3A_311, %swap3A_312] {strides = array<i32>} : memref<128x128xf32, #tpu.memory_space<vmem>>, vector<16xf32>,
        tpu.vector_store %arg16[%swap3A_311, %swap3A_312], %mul3A_310 {strides = array<i32>} : memref<128x128xf32, #tpu.memory_space<vmem>>, vector<16xf32>,
        %get3A_314 = arith.index_cast %scan3A_245 : i32 to index
        %get3A_315 = arith.constant 48 : index
        %get3A_316 = tpu.vector_load %arg12[%get3A_314, %get3A_315] {strides = array<i32>} : memref<128x64xf32, #tpu.memory_space<vmem>>, vector<16xf32>,
        %mul3A_317 = arith.mulf %get3A_316, %get3A_27 : vector<16xf32>
        %add3A_318 = arith.addf %mul3A_317, %get3A_43 : vector<16xf32>
        %max3A_319 = arith.constant 0.000000e+00 : f32
        %max3A_320 = vector.broadcast %max3A_319 : f32 to vector<16xf32>
        %max3A_321 = arith.maximumf %add3A_318, %max3A_320 : vector<16xf32>
        %sub3A_322 = arith.subf %max3A_321, %get3A_59 : vector<16xf32>
        %exp3A_323 = math.exp %sub3A_322 : vector<16xf32>
        %swap3A_324 = arith.index_cast %scan3A_245 : i32 to index
        %swap3A_325 = arith.constant 112 : index
        %swap3A_326 = tpu.vector_load %arg16[%swap3A_324, %swap3A_325] {strides = array<i32>} : memref<128x128xf32, #tpu.memory_space<vmem>>, vector<16xf32>,
        tpu.vector_store %arg16[%swap3A_324, %swap3A_325], %exp3A_323 {strides = array<i32>} : memref<128x128xf32, #tpu.memory_space<vmem>>, vector<16xf32>,
        %get3A_327 = arith.index_cast %scan3A_245 : i32 to index
        %get3A_328 = arith.constant 48 : index
        %get3A_329 = tpu.vector_load %arg15[%get3A_327, %get3A_328] {strides = array<i32>} : memref<128x64xf32, #tpu.memory_space<vmem>>, vector<16xf32>,
        %get3A_330 = arith.index_cast %scan3A_245 : i32 to index
        %get3A_331 = arith.constant 48 : index
        %get3A_332 = tpu.vector_load %arg13[%get3A_330, %get3A_331] {strides = array<i32>} : memref<128x64xf32, #tpu.memory_space<vmem>>, vector<16xf32>,
        %add3A_333 = arith.addf %get3A_329, %get3A_332 : vector<16xf32>
        %mul3A_334 = arith.mulf %exp3A_323, %add3A_333 : vector<16xf32>
        %swap3A_335 = arith.index_cast %scan3A_245 : i32 to index
        %swap3A_336 = arith.constant 48 : index
        %swap3A_337 = tpu.vector_load %arg16[%swap3A_335, %swap3A_336] {strides = array<i32>} : memref<128x128xf32, #tpu.memory_space<vmem>>, vector<16xf32>,
        tpu.vector_store %arg16[%swap3A_335, %swap3A_336], %mul3A_334 {strides = array<i32>} : memref<128x128xf32, #tpu.memory_space<vmem>>, vector<16xf32>,
        %scan3A_338 = arith.constant 1 : i32
        %scan3A_339 = arith.addi %scan3A_245, %scan3A_338 : i32
        %get3A_340 = arith.index_cast %scan3A_339 : i32 to index
        %get3A_341 = arith.constant 0 : index
        %get3A_342 = tpu.vector_load %arg12[%get3A_340, %get3A_341] {strides = array<i32>} : memref<128x64xf32, #tpu.memory_space<vmem>>, vector<16xf32>,
        %mul3A_343 = arith.mulf %get3A_342, %get3A_15 : vector<16xf32>
        %add3A_344 = arith.addf %mul3A_343, %get3A_31 : vector<16xf32>
        %max3A_345 = arith.constant 0.000000e+00 : f32
        %max3A_346 = vector.broadcast %max3A_345 : f32 to vector<16xf32>
        %max3A_347 = arith.maximumf %add3A_344, %max3A_346 : vector<16xf32>
        %sub3A_348 = arith.subf %max3A_347, %get3A_47 : vector<16xf32>
        %exp3A_349 = math.exp %sub3A_348 : vector<16xf32>
        %swap3A_350 = arith.index_cast %scan3A_339 : i32 to index
        %swap3A_351 = arith.constant 64 : index
        %swap3A_352 = tpu.vector_load %arg16[%swap3A_350, %swap3A_351] {strides = array<i32>} : memref<128x128xf32, #tpu.memory_space<vmem>>, vector<16xf32>,
        tpu.vector_store %arg16[%swap3A_350, %swap3A_351], %exp3A_349 {strides = array<i32>} : memref<128x128xf32, #tpu.memory_space<vmem>>, vector<16xf32>,
        %get3A_353 = arith.index_cast %scan3A_339 : i32 to index
        %get3A_354 = arith.constant 0 : index
        %get3A_355 = tpu.vector_load %arg15[%get3A_353, %get3A_354] {strides = array<i32>} : memref<128x64xf32, #tpu.memory_space<vmem>>, vector<16xf32>,
        %get3A_356 = arith.index_cast %scan3A_339 : i32 to index
        %get3A_357 = arith.constant 0 : index
        %get3A_358 = tpu.vector_load %arg13[%get3A_356, %get3A_357] {strides = array<i32>} : memref<128x64xf32, #tpu.memory_space<vmem>>, vector<16xf32>,
        %add3A_359 = arith.addf %get3A_355, %get3A_358 : vector<16xf32>
        %mul3A_360 = arith.mulf %exp3A_349, %add3A_359 : vector<16xf32>
        %swap3A_361 = arith.index_cast %scan3A_339 : i32 to index
        %swap3A_362 = arith.constant 0 : index
        %swap3A_363 = tpu.vector_load %arg16[%swap3A_361, %swap3A_362] {strides = array<i32>} : memref<128x128xf32, #tpu.memory_space<vmem>>, vector<16xf32>,
        tpu.vector_store %arg16[%swap3A_361, %swap3A_362], %mul3A_360 {strides = array<i32>} : memref<128x128xf32, #tpu.memory_space<vmem>>, vector<16xf32>,
        %get3A_364 = arith.index_cast %scan3A_339 : i32 to index
        %get3A_365 = arith.constant 16 : index
        %get3A_366 = tpu.vector_load %arg12[%get3A_364, %get3A_365] {strides = array<i32>} : memref<128x64xf32, #tpu.memory_space<vmem>>, vector<16xf32>,
        %mul3A_367 = arith.mulf %get3A_366, %get3A_19 : vector<16xf32>
        %add3A_368 = arith.addf %mul3A_367, %get3A_35 : vector<16xf32>
        %max3A_369 = arith.constant 0.000000e+00 : f32
        %max3A_370 = vector.broadcast %max3A_369 : f32 to vector<16xf32>
        %max3A_371 = arith.maximumf %add3A_368, %max3A_370 : vector<16xf32>
        %sub3A_372 = arith.subf %max3A_371, %get3A_51 : vector<16xf32>
        %exp3A_373 = math.exp %sub3A_372 : vector<16xf32>
        %swap3A_374 = arith.index_cast %scan3A_339 : i32 to index
        %swap3A_375 = arith.constant 80 : index
        %swap3A_376 = tpu.vector_load %arg16[%swap3A_374, %swap3A_375] {strides = array<i32>} : memref<128x128xf32, #tpu.memory_space<vmem>>, vector<16xf32>,
        tpu.vector_store %arg16[%swap3A_374, %swap3A_375], %exp3A_373 {strides = array<i32>} : memref<128x128xf32, #tpu.memory_space<vmem>>, vector<16xf32>,
        %get3A_377 = arith.index_cast %scan3A_339 : i32 to index
        %get3A_378 = arith.constant 16 : index
        %get3A_379 = tpu.vector_load %arg15[%get3A_377, %get3A_378] {strides = array<i32>} : memref<128x64xf32, #tpu.memory_space<vmem>>, vector<16xf32>,
        %get3A_380 = arith.index_cast %scan3A_339 : i32 to index
        %get3A_381 = arith.constant 16 : index
        %get3A_382 = tpu.vector_load %arg13[%get3A_380, %get3A_381] {strides = array<i32>} : memref<128x64xf32, #tpu.memory_space<vmem>>, vector<16xf32>,
        %add3A_383 = arith.addf %get3A_379, %get3A_382 : vector<16xf32>
        %mul3A_384 = arith.mulf %exp3A_373, %add3A_383 : vector<16xf32>
        %swap3A_385 = arith.index_cast %scan3A_339 : i32 to index
        %swap3A_386 = arith.constant 16 : index
        %swap3A_387 = tpu.vector_load %arg16[%swap3A_385, %swap3A_386] {strides = array<i32>} : memref<128x128xf32, #tpu.memory_space<vmem>>, vector<16xf32>,
        tpu.vector_store %arg16[%swap3A_385, %swap3A_386], %mul3A_384 {strides = array<i32>} : memref<128x128xf32, #tpu.memory_space<vmem>>, vector<16xf32>,
        %get3A_388 = arith.index_cast %scan3A_339 : i32 to index
        %get3A_389 = arith.constant 32 : index
        %get3A_390 = tpu.vector_load %arg12[%get3A_388, %get3A_389] {strides = array<i32>} : memref<128x64xf32, #tpu.memory_space<vmem>>, vector<16xf32>,
        %mul3A_391 = arith.mulf %get3A_390, %get3A_23 : vector<16xf32>
        %add3A_392 = arith.addf %mul3A_391, %get3A_39 : vector<16xf32>
        %max3A_393 = arith.constant 0.000000e+00 : f32
        %max3A_394 = vector.broadcast %max3A_393 : f32 to vector<16xf32>
        %max3A_395 = arith.maximumf %add3A_392, %max3A_394 : vector<16xf32>
        %sub3A_396 = arith.subf %max3A_395, %get3A_55 : vector<16xf32>
        %exp3A_397 = math.exp %sub3A_396 : vector<16xf32>
        %swap3A_398 = arith.index_cast %scan3A_339 : i32 to index
        %swap3A_399 = arith.constant 96 : index
        %swap3A_400 = tpu.vector_load %arg16[%swap3A_398, %swap3A_399] {strides = array<i32>} : memref<128x128xf32, #tpu.memory_space<vmem>>, vector<16xf32>,
        tpu.vector_store %arg16[%swap3A_398, %swap3A_399], %exp3A_397 {strides = array<i32>} : memref<128x128xf32, #tpu.memory_space<vmem>>, vector<16xf32>,
        %get3A_401 = arith.index_cast %scan3A_339 : i32 to index
        %get3A_402 = arith.constant 32 : index
        %get3A_403 = tpu.vector_load %arg15[%get3A_401, %get3A_402] {strides = array<i32>} : memref<128x64xf32, #tpu.memory_space<vmem>>, vector<16xf32>,
        %get3A_404 = arith.index_cast %scan3A_339 : i32 to index
        %get3A_405 = arith.constant 32 : index
        %get3A_406 = tpu.vector_load %arg13[%get3A_404, %get3A_405] {strides = array<i32>} : memref<128x64xf32, #tpu.memory_space<vmem>>, vector<16xf32>,
        %add3A_407 = arith.addf %get3A_403, %get3A_406 : vector<16xf32>
        %mul3A_408 = arith.mulf %exp3A_397, %add3A_407 : vector<16xf32>
        %swap3A_409 = arith.index_cast %scan3A_339 : i32 to index
        %swap3A_410 = arith.constant 32 : index
        %swap3A_411 = tpu.vector_load %arg16[%swap3A_409, %swap3A_410] {strides = array<i32>} : memref<128x128xf32, #tpu.memory_space<vmem>>, vector<16xf32>,
        tpu.vector_store %arg16[%swap3A_409, %swap3A_410], %mul3A_408 {strides = array<i32>} : memref<128x128xf32, #tpu.memory_space<vmem>>, vector<16xf32>,
        %get3A_412 = arith.index_cast %scan3A_339 : i32 to index
        %get3A_413 = arith.constant 48 : index
        %get3A_414 = tpu.vector_load %arg12[%get3A_412, %get3A_413] {strides = array<i32>} : memref<128x64xf32, #tpu.memory_space<vmem>>, vector<16xf32>,
        %mul3A_415 = arith.mulf %get3A_414, %get3A_27 : vector<16xf32>
        %add3A_416 = arith.addf %mul3A_415, %get3A_43 : vector<16xf32>
        %max3A_417 = arith.constant 0.000000e+00 : f32
        %max3A_418 = vector.broadcast %max3A_417 : f32 to vector<16xf32>
        %max3A_419 = arith.maximumf %add3A_416, %max3A_418 : vector<16xf32>
        %sub3A_420 = arith.subf %max3A_419, %get3A_59 : vector<16xf32>
        %exp3A_421 = math.exp %sub3A_420 : vector<16xf32>
        %swap3A_422 = arith.index_cast %scan3A_339 : i32 to index
        %swap3A_423 = arith.constant 112 : index
        %swap3A_424 = tpu.vector_load %arg16[%swap3A_422, %swap3A_423] {strides = array<i32>} : memref<128x128xf32, #tpu.memory_space<vmem>>, vector<16xf32>,
        tpu.vector_store %arg16[%swap3A_422, %swap3A_423], %exp3A_421 {strides = array<i32>} : memref<128x128xf32, #tpu.memory_space<vmem>>, vector<16xf32>,
        %get3A_425 = arith.index_cast %scan3A_339 : i32 to index
        %get3A_426 = arith.constant 48 : index
        %get3A_427 = tpu.vector_load %arg15[%get3A_425, %get3A_426] {strides = array<i32>} : memref<128x64xf32, #tpu.memory_space<vmem>>, vector<16xf32>,
        %get3A_428 = arith.index_cast %scan3A_339 : i32 to index
        %get3A_429 = arith.constant 48 : index
        %get3A_430 = tpu.vector_load %arg13[%get3A_428, %get3A_429] {strides = array<i32>} : memref<128x64xf32, #tpu.memory_space<vmem>>, vector<16xf32>,
        %add3A_431 = arith.addf %get3A_427, %get3A_430 : vector<16xf32>
        %mul3A_432 = arith.mulf %exp3A_421, %add3A_431 : vector<16xf32>
        %swap3A_433 = arith.index_cast %scan3A_339 : i32 to index
        %swap3A_434 = arith.constant 48 : index
        %swap3A_435 = tpu.vector_load %arg16[%swap3A_433, %swap3A_434] {strides = array<i32>} : memref<128x128xf32, #tpu.memory_space<vmem>>, vector<16xf32>,
        tpu.vector_store %arg16[%swap3A_433, %swap3A_434], %mul3A_432 {strides = array<i32>} : memref<128x128xf32, #tpu.memory_space<vmem>>, vector<16xf32>,
      }
      %scan3A_241 = arith.constant 128 : i32
      %dma_start3A_242 = arith.constant 0 : i32
      %dma_start3A_243 = arith.constant 0 : i32
      %dma_start3A_244 = tpu.memref_slice %arg22[%dma_start3A_242, %dma_start3A_243] : memref<10016x128xf32, #tpu.memory_space<vmem_shared>> -> memref<10016x128xf32, #tpu.memory_space<vmem_shared>>
      tpu.enqueue_indirect_dma source(%arg16 : memref<128x128xf32, #tpu.memory_space<vmem>>) target(%dma_start3A_244 : memref<10016x128xf32, #tpu.memory_space<vmem_shared>>) offsets(%arg20 : memref<128xi32, #tpu.memory_space<vmem>>) semaphore(%arg26 : memref<!tpu.dma_semaphore, #tpu.memory_space<semaphore_mem>>) {add = true}
    }
    %scan3A_82 = arith.constant 81 : i32
    %dma_wait3A = arith.constant 0 : i32
    %dma_wait3A_83 = arith.constant 0 : i32
    %dma_wait3A_84 = arith.constant 0 : i32
    %dma_wait3A_85 = tpu.memref_slice %arg11[%dma_wait3A, %dma_wait3A_83, %dma_wait3A_84] : memref<2x10016x128xf32, #tpu.memory_space<hbm>> -> memref<1x128x128xf32, #tpu.memory_space<hbm>>
    %dma_wait3A_86 = tpu.memref_squeeze %dma_wait3A_85 : memref<1x128x128xf32, #tpu.memory_space<hbm>> -> memref<128x128xf32, #tpu.memory_space<hbm>>
    %dma_wait3A_87 = arith.constant 0 : i32
    %dma_wait3A_88 = arith.constant 0 : i32
    %dma_wait3A_89 = tpu.memref_slice %arg11[%dma_wait3A, %dma_wait3A_87, %dma_wait3A_88] : memref<2x10016x128xf32, #tpu.memory_space<hbm>> -> memref<1x128x128xf32, #tpu.memory_space<hbm>>
    %dma_wait3A_90 = tpu.memref_squeeze %dma_wait3A_89 : memref<1x128x128xf32, #tpu.memory_space<hbm>> -> memref<128x128xf32, #tpu.memory_space<hbm>>
    tpu.wait_dma2 semaphore(%arg26 : memref<!tpu.dma_semaphore, #tpu.memory_space<semaphore_mem>>) src(%dma_wait3A_90 : memref<128x128xf32, #tpu.memory_space<hbm>>) dst(%arg16 : memref<128x128xf32, #tpu.memory_space<vmem>>)
    %dma_wait3A_91 = arith.constant 0 : i32
    %dma_wait3A_92 = arith.constant 0 : i32
    %dma_wait3A_93 = tpu.memref_slice %arg2[%dma_wait3A_91, %dma_wait3A_92] : memref<331776x64xf32, #tpu.memory_space<hbm>> -> memref<128x64xf32, #tpu.memory_space<hbm>>
    %dma_wait3A_94 = arith.constant 0 : i32
    %dma_wait3A_95 = arith.constant 0 : i32
    %dma_wait3A_96 = tpu.memref_slice %arg2[%dma_wait3A_94, %dma_wait3A_95] : memref<331776x64xf32, #tpu.memory_space<hbm>> -> memref<128x64xf32, #tpu.memory_space<hbm>>
    tpu.wait_dma2 semaphore(%arg24 : memref<!tpu.dma_semaphore, #tpu.memory_space<semaphore_mem>>) src(%dma_wait3A_96 : memref<128x64xf32, #tpu.memory_space<hbm>>) dst(%arg14 : memref<128x64xf32, #tpu.memory_space<vmem>>)
    %barrier3A_97 = arith.constant 0 : index
    tpu.barrier barrier_id(%barrier3A_97)
    "tpu.region"() ({
      %run_scoped3A = tpu.sem_alloc : memref<!tpu.dma_semaphore, #tpu.memory_space<semaphore_mem>>
      %dma_start3A_98 = arith.constant 0 : i32
      %dma_start3A_99 = tpu.memref_slice %arg11[%arg0, %mul3A_5, %dma_start3A_98] : memref<2x10016x128xf32, #tpu.memory_space<hbm>> -> memref<1x626x128xf32, #tpu.memory_space<hbm>>
      %dma_start3A_100 = tpu.memref_squeeze %dma_start3A_99 : memref<1x626x128xf32, #tpu.memory_space<hbm>> -> memref<626x128xf32, #tpu.memory_space<hbm>>
      %dma_start3A_101 = arith.constant 0 : i32
      %dma_start3A_102 = tpu.memref_slice %arg22[%mul3A_5, %dma_start3A_101] : memref<10016x128xf32, #tpu.memory_space<vmem_shared>> -> memref<626x128xf32, #tpu.memory_space<vmem_shared>>
      tpu.enqueue_dma source(%dma_start3A_102 : memref<626x128xf32, #tpu.memory_space<vmem_shared>>) target(%dma_start3A_100 : memref<626x128xf32, #tpu.memory_space<hbm>>) target_semaphore(%run_scoped3A : memref<!tpu.dma_semaphore, #tpu.memory_space<semaphore_mem>>)
      %dma_wait3A_103 = arith.constant 0 : i32
      %dma_wait3A_104 = tpu.memref_slice %arg11[%arg0, %mul3A_5, %dma_wait3A_103] : memref<2x10016x128xf32, #tpu.memory_space<hbm>> -> memref<1x626x128xf32, #tpu.memory_space<hbm>>
      %dma_wait3A_105 = tpu.memref_squeeze %dma_wait3A_104 : memref<1x626x128xf32, #tpu.memory_space<hbm>> -> memref<626x128xf32, #tpu.memory_space<hbm>>
      %dma_wait3A_106 = arith.constant 0 : i32
      %dma_wait3A_107 = tpu.memref_slice %arg22[%mul3A_5, %dma_wait3A_106] : memref<10016x128xf32, #tpu.memory_space<vmem_shared>> -> memref<626x128xf32, #tpu.memory_space<vmem_shared>>
      tpu.wait_dma2 semaphore(%run_scoped3A : memref<!tpu.dma_semaphore, #tpu.memory_space<semaphore_mem>>) src(%dma_wait3A_107 : memref<626x128xf32, #tpu.memory_space<vmem_shared>>) dst(%dma_wait3A_105 : memref<626x128xf32, #tpu.memory_space<hbm>>)
      tpu.yield
    }) : () -> ()
    return
  }
}

#map = affine_map<(d0, d1) -> (0)>
#map1 = affine_map<(d0, d1) -> (0, 0)>
#map2 = affine_map<(d0, d1) -> (0, 0, 0)>
module attributes {stable_mosaic.version = 14 : i64} {
  func.func @_s1_body(%arg0: i32, %arg1: i32, %arg2: memref<331776xi32, #tpu.memory_space<hbm>>, %arg3: memref<331776xi32, #tpu.memory_space<hbm>>, %arg4: memref<331776xf32, #tpu.memory_space<hbm>>, %arg5: memref<10000xf32, #tpu.memory_space<hbm>>, %arg6: memref<10000xf32, #tpu.memory_space<hbm>>, %arg7: memref<10000xf32, #tpu.memory_space<hbm>>, %arg8: memref<10000x128xf32, #tpu.memory_space<hbm>>, %arg9: memref<10000x128xf32, #tpu.memory_space<hbm>>, %arg10: memref<331776x64xf32, #tpu.memory_space<hbm>>, %arg11: memref<331776x64xf32, #tpu.memory_space<hbm>>, %arg12: memref<331776xf32, #tpu.memory_space<hbm>>, %arg13: memref<331776xf32, #tpu.memory_space<hbm>>, %arg14: memref<331776xf32, #tpu.memory_space<hbm>>, %arg15: memref<32x16x16xf32, #tpu.memory_space<hbm>>, %arg16: memref<10000xf32, #tpu.memory_space<vmem>>, %arg17: memref<10000xf32, #tpu.memory_space<vmem>>, %arg18: memref<10000xf32, #tpu.memory_space<vmem>>, %arg19: memref<128xi32, #tpu.memory_space<vmem>>, %arg20: memref<128xi32, #tpu.memory_space<vmem>>, %arg21: memref<128xf32, #tpu.memory_space<vmem>>, %arg22: memref<128x128xf32, #tpu.memory_space<vmem>>, %arg23: memref<128x128xf32, #tpu.memory_space<vmem>>, %arg24: memref<128x64xf32, #tpu.memory_space<vmem>>, %arg25: memref<128x64xf32, #tpu.memory_space<vmem>>, %arg26: memref<128xf32, #tpu.memory_space<vmem>>, %arg27: memref<128xf32, #tpu.memory_space<vmem>>, %arg28: memref<128xf32, #tpu.memory_space<vmem>>, %arg29: memref<16x16xf32, #tpu.memory_space<vmem>>, %arg30: memref<!tpu.dma_semaphore, #tpu.memory_space<semaphore_mem>>) attributes {dimension_semantics = [#tpu.dimension_semantics<core_parallel>, #tpu.dimension_semantics<subcore_parallel>], iteration_bounds = array<i64: 2, 16>, scalar_prefetch = 0 : i64, scratch_operands = 15 : i64, tpu.core_type = #tpu.core_type<sc_vector_subcore>, window_params = [{transform_indices = #map}, {transform_indices = #map}, {transform_indices = #map}, {transform_indices = #map}, {transform_indices = #map}, {transform_indices = #map}, {transform_indices = #map1}, {transform_indices = #map1}, {transform_indices = #map1}, {transform_indices = #map1}, {transform_indices = #map}, {transform_indices = #map}, {transform_indices = #map}, {transform_indices = #map2}]} {
    %mul3A = arith.constant 2 : i32
    %mul3A_0 = arith.muli %arg1, %mul3A : i32
    %add3A = arith.addi %mul3A_0, %arg0 : i32
    %mul3A_1 = arith.constant 10368 : i32
    %mul3A_2 = arith.muli %add3A, %mul3A_1 : i32
    "tpu.region"() ({
      %run_scoped3A = tpu.sem_alloc : memref<!tpu.dma_semaphore, #tpu.memory_space<semaphore_mem>>
      tpu.enqueue_dma source(%arg5 : memref<10000xf32, #tpu.memory_space<hbm>>) target(%arg16 : memref<10000xf32, #tpu.memory_space<vmem>>) target_semaphore(%run_scoped3A : memref<!tpu.dma_semaphore, #tpu.memory_space<semaphore_mem>>)
      tpu.wait_dma2 semaphore(%run_scoped3A : memref<!tpu.dma_semaphore, #tpu.memory_space<semaphore_mem>>) src(%arg5 : memref<10000xf32, #tpu.memory_space<hbm>>) dst(%arg16 : memref<10000xf32, #tpu.memory_space<vmem>>)
      tpu.yield
    }) : () -> ()
    "tpu.region"() ({
      %run_scoped3A = tpu.sem_alloc : memref<!tpu.dma_semaphore, #tpu.memory_space<semaphore_mem>>
      tpu.enqueue_dma source(%arg6 : memref<10000xf32, #tpu.memory_space<hbm>>) target(%arg17 : memref<10000xf32, #tpu.memory_space<vmem>>) target_semaphore(%run_scoped3A : memref<!tpu.dma_semaphore, #tpu.memory_space<semaphore_mem>>)
      tpu.wait_dma2 semaphore(%run_scoped3A : memref<!tpu.dma_semaphore, #tpu.memory_space<semaphore_mem>>) src(%arg6 : memref<10000xf32, #tpu.memory_space<hbm>>) dst(%arg17 : memref<10000xf32, #tpu.memory_space<vmem>>)
      tpu.yield
    }) : () -> ()
    "tpu.region"() ({
      %run_scoped3A = tpu.sem_alloc : memref<!tpu.dma_semaphore, #tpu.memory_space<semaphore_mem>>
      tpu.enqueue_dma source(%arg7 : memref<10000xf32, #tpu.memory_space<hbm>>) target(%arg18 : memref<10000xf32, #tpu.memory_space<vmem>>) target_semaphore(%run_scoped3A : memref<!tpu.dma_semaphore, #tpu.memory_space<semaphore_mem>>)
      tpu.wait_dma2 semaphore(%run_scoped3A : memref<!tpu.dma_semaphore, #tpu.memory_space<semaphore_mem>>) src(%arg7 : memref<10000xf32, #tpu.memory_space<hbm>>) dst(%arg18 : memref<10000xf32, #tpu.memory_space<vmem>>)
      tpu.yield
    }) : () -> ()
    %broadcast_in_dim3A = arith.constant 0.000000e+00 : f32
    %broadcast_in_dim3A_3 = vector.broadcast %broadcast_in_dim3A : f32 to vector<16xf32>
    %scan3A = arith.constant 0 : i32
    %scan3A_4 = arith.constant 81 : i32
    %scan3A_5 = arith.addi %scan3A, %scan3A_4 : i32
    %scan3A_6 = arith.constant 1 : i32
    %scan3A_7:10 = scf.for %scan3A_72 = %scan3A to %scan3A_5 step %scan3A_6 iter_args(%scan3A_73 = %broadcast_in_dim3A_3, %scan3A_74 = %broadcast_in_dim3A_3, %scan3A_75 = %broadcast_in_dim3A_3, %scan3A_76 = %broadcast_in_dim3A_3, %scan3A_77 = %broadcast_in_dim3A_3, %scan3A_78 = %broadcast_in_dim3A_3, %scan3A_79 = %broadcast_in_dim3A_3, %scan3A_80 = %broadcast_in_dim3A_3, %scan3A_81 = %broadcast_in_dim3A_3, %scan3A_82 = %broadcast_in_dim3A_3) -> (vector<16xf32>, vector<16xf32>, vector<16xf32>, vector<16xf32>, vector<16xf32>, vector<16xf32>, vector<16xf32>, vector<16xf32>, vector<16xf32>, vector<16xf32>)  : i32 {
      %mul3A_83 = arith.constant 128 : i32
      %mul3A_84 = arith.muli %scan3A_72, %mul3A_83 : i32
      %add3A_85 = arith.addi %mul3A_2, %mul3A_84 : i32
      %dma_start3A = tpu.memref_slice %arg2[%add3A_85] : memref<331776xi32, #tpu.memory_space<hbm>> -> memref<128xi32, #tpu.memory_space<hbm>>
      %dma_start3A_86 = tpu.memref_slice %arg2[%add3A_85] : memref<331776xi32, #tpu.memory_space<hbm>> -> memref<128xi32, #tpu.memory_space<hbm>>
      tpu.enqueue_dma source(%dma_start3A_86 : memref<128xi32, #tpu.memory_space<hbm>>) target(%arg19 : memref<128xi32, #tpu.memory_space<vmem>>) target_semaphore(%arg30 : memref<!tpu.dma_semaphore, #tpu.memory_space<semaphore_mem>>)
      %dma_start3A_87 = tpu.memref_slice %arg3[%add3A_85] : memref<331776xi32, #tpu.memory_space<hbm>> -> memref<128xi32, #tpu.memory_space<hbm>>
      %dma_start3A_88 = tpu.memref_slice %arg3[%add3A_85] : memref<331776xi32, #tpu.memory_space<hbm>> -> memref<128xi32, #tpu.memory_space<hbm>>
      tpu.enqueue_dma source(%dma_start3A_88 : memref<128xi32, #tpu.memory_space<hbm>>) target(%arg20 : memref<128xi32, #tpu.memory_space<vmem>>) target_semaphore(%arg30 : memref<!tpu.dma_semaphore, #tpu.memory_space<semaphore_mem>>)
      %dma_start3A_89 = tpu.memref_slice %arg4[%add3A_85] : memref<331776xf32, #tpu.memory_space<hbm>> -> memref<128xf32, #tpu.memory_space<hbm>>
      %dma_start3A_90 = tpu.memref_slice %arg4[%add3A_85] : memref<331776xf32, #tpu.memory_space<hbm>> -> memref<128xf32, #tpu.memory_space<hbm>>
      tpu.enqueue_dma source(%dma_start3A_90 : memref<128xf32, #tpu.memory_space<hbm>>) target(%arg21 : memref<128xf32, #tpu.memory_space<vmem>>) target_semaphore(%arg30 : memref<!tpu.dma_semaphore, #tpu.memory_space<semaphore_mem>>)
      %dma_wait3A = tpu.memref_slice %arg2[%add3A_85] : memref<331776xi32, #tpu.memory_space<hbm>> -> memref<128xi32, #tpu.memory_space<hbm>>
      %dma_wait3A_91 = tpu.memref_slice %arg2[%add3A_85] : memref<331776xi32, #tpu.memory_space<hbm>> -> memref<128xi32, #tpu.memory_space<hbm>>
      tpu.wait_dma2 semaphore(%arg30 : memref<!tpu.dma_semaphore, #tpu.memory_space<semaphore_mem>>) src(%dma_wait3A_91 : memref<128xi32, #tpu.memory_space<hbm>>) dst(%arg19 : memref<128xi32, #tpu.memory_space<vmem>>)
      %dma_wait3A_92 = tpu.memref_slice %arg3[%add3A_85] : memref<331776xi32, #tpu.memory_space<hbm>> -> memref<128xi32, #tpu.memory_space<hbm>>
      %dma_wait3A_93 = tpu.memref_slice %arg3[%add3A_85] : memref<331776xi32, #tpu.memory_space<hbm>> -> memref<128xi32, #tpu.memory_space<hbm>>
      tpu.wait_dma2 semaphore(%arg30 : memref<!tpu.dma_semaphore, #tpu.memory_space<semaphore_mem>>) src(%dma_wait3A_93 : memref<128xi32, #tpu.memory_space<hbm>>) dst(%arg20 : memref<128xi32, #tpu.memory_space<vmem>>)
      %dma_wait3A_94 = tpu.memref_slice %arg4[%add3A_85] : memref<331776xf32, #tpu.memory_space<hbm>> -> memref<128xf32, #tpu.memory_space<hbm>>
      %dma_wait3A_95 = tpu.memref_slice %arg4[%add3A_85] : memref<331776xf32, #tpu.memory_space<hbm>> -> memref<128xf32, #tpu.memory_space<hbm>>
      tpu.wait_dma2 semaphore(%arg30 : memref<!tpu.dma_semaphore, #tpu.memory_space<semaphore_mem>>) src(%dma_wait3A_95 : memref<128xf32, #tpu.memory_space<hbm>>) dst(%arg21 : memref<128xf32, #tpu.memory_space<vmem>>)
      %dma_start3A_96 = arith.constant 0 : i32
      %dma_start3A_97 = arith.constant 0 : i32
      %dma_start3A_98 = tpu.memref_slice %arg8[%dma_start3A_96, %dma_start3A_97] : memref<10000x128xf32, #tpu.memory_space<hbm>> -> memref<10000x128xf32, #tpu.memory_space<hbm>>
      tpu.enqueue_indirect_dma source(%dma_start3A_98 : memref<10000x128xf32, #tpu.memory_space<hbm>>) target(%arg22 : memref<128x128xf32, #tpu.memory_space<vmem>>) offsets(%arg20 : memref<128xi32, #tpu.memory_space<vmem>>) semaphore(%arg30 : memref<!tpu.dma_semaphore, #tpu.memory_space<semaphore_mem>>)
      %dma_start3A_99 = arith.constant 0 : i32
      %dma_start3A_100 = arith.constant 0 : i32
      %dma_start3A_101 = tpu.memref_slice %arg9[%dma_start3A_99, %dma_start3A_100] : memref<10000x128xf32, #tpu.memory_space<hbm>> -> memref<10000x128xf32, #tpu.memory_space<hbm>>
      tpu.enqueue_indirect_dma source(%dma_start3A_101 : memref<10000x128xf32, #tpu.memory_space<hbm>>) target(%arg23 : memref<128x128xf32, #tpu.memory_space<vmem>>) offsets(%arg19 : memref<128xi32, #tpu.memory_space<vmem>>) semaphore(%arg30 : memref<!tpu.dma_semaphore, #tpu.memory_space<semaphore_mem>>)
      %dma_wait3A_102 = arith.constant 0 : i32
      %dma_wait3A_103 = arith.constant 0 : i32
      %dma_wait3A_104 = tpu.memref_slice %arg8[%dma_wait3A_102, %dma_wait3A_103] : memref<10000x128xf32, #tpu.memory_space<hbm>> -> memref<10000x128xf32, #tpu.memory_space<hbm>>
      tpu.wait_indirect_dma semaphore(%arg30 : memref<!tpu.dma_semaphore, #tpu.memory_space<semaphore_mem>>) src(%dma_wait3A_104 : memref<10000x128xf32, #tpu.memory_space<hbm>>) dst(%arg22 : memref<128x128xf32, #tpu.memory_space<vmem>>)
      %dma_wait3A_105 = arith.constant 0 : i32
      %dma_wait3A_106 = arith.constant 0 : i32
      %dma_wait3A_107 = tpu.memref_slice %arg9[%dma_wait3A_105, %dma_wait3A_106] : memref<10000x128xf32, #tpu.memory_space<hbm>> -> memref<10000x128xf32, #tpu.memory_space<hbm>>
      tpu.wait_indirect_dma semaphore(%arg30 : memref<!tpu.dma_semaphore, #tpu.memory_space<semaphore_mem>>) src(%dma_wait3A_107 : memref<10000x128xf32, #tpu.memory_space<hbm>>) dst(%arg23 : memref<128x128xf32, #tpu.memory_space<vmem>>)
      %scan3A_108 = arith.constant 0 : i32
      %scan3A_109 = arith.constant 0 : i32
      %scan3A_110 = arith.constant 128 : i32
      %scan3A_111 = arith.addi %scan3A_109, %scan3A_110 : i32
      %scan3A_112 = arith.constant 1 : i32
      scf.for %scan3A_148 = %scan3A_109 to %scan3A_111 step %scan3A_112  : i32 {
        %get3A = arith.index_cast %scan3A_148 : i32 to index
        %get3A_149 = arith.constant 0 : index
        %get3A_150 = tpu.vector_load %arg22[%get3A, %get3A_149] {strides = array<i32>} : memref<128x128xf32, #tpu.memory_space<vmem>>, vector<16xf32>,
        %get3A_151 = arith.index_cast %scan3A_148 : i32 to index
        %get3A_152 = arith.constant 0 : index
        %get3A_153 = tpu.vector_load %arg23[%get3A_151, %get3A_152] {strides = array<i32>} : memref<128x128xf32, #tpu.memory_space<vmem>>, vector<16xf32>,
        %sub3A = arith.subf %get3A_150, %get3A_153 : vector<16xf32>
        %swap3A_154 = arith.index_cast %scan3A_148 : i32 to index
        %swap3A_155 = arith.constant 0 : index
        %swap3A_156 = tpu.vector_load %arg24[%swap3A_154, %swap3A_155] {strides = array<i32>} : memref<128x64xf32, #tpu.memory_space<vmem>>, vector<16xf32>,
        tpu.vector_store %arg24[%swap3A_154, %swap3A_155], %sub3A {strides = array<i32>} : memref<128x64xf32, #tpu.memory_space<vmem>>, vector<16xf32>,
        %get3A_157 = arith.index_cast %scan3A_148 : i32 to index
        %get3A_158 = arith.constant 16 : index
        %get3A_159 = tpu.vector_load %arg22[%get3A_157, %get3A_158] {strides = array<i32>} : memref<128x128xf32, #tpu.memory_space<vmem>>, vector<16xf32>,
        %get3A_160 = arith.index_cast %scan3A_148 : i32 to index
        %get3A_161 = arith.constant 16 : index
        %get3A_162 = tpu.vector_load %arg23[%get3A_160, %get3A_161] {strides = array<i32>} : memref<128x128xf32, #tpu.memory_space<vmem>>, vector<16xf32>,
        %sub3A_163 = arith.subf %get3A_159, %get3A_162 : vector<16xf32>
        %swap3A_164 = arith.index_cast %scan3A_148 : i32 to index
        %swap3A_165 = arith.constant 16 : index
        %swap3A_166 = tpu.vector_load %arg24[%swap3A_164, %swap3A_165] {strides = array<i32>} : memref<128x64xf32, #tpu.memory_space<vmem>>, vector<16xf32>,
        tpu.vector_store %arg24[%swap3A_164, %swap3A_165], %sub3A_163 {strides = array<i32>} : memref<128x64xf32, #tpu.memory_space<vmem>>, vector<16xf32>,
        %get3A_167 = arith.index_cast %scan3A_148 : i32 to index
        %get3A_168 = arith.constant 32 : index
        %get3A_169 = tpu.vector_load %arg22[%get3A_167, %get3A_168] {strides = array<i32>} : memref<128x128xf32, #tpu.memory_space<vmem>>, vector<16xf32>,
        %get3A_170 = arith.index_cast %scan3A_148 : i32 to index
        %get3A_171 = arith.constant 32 : index
        %get3A_172 = tpu.vector_load %arg23[%get3A_170, %get3A_171] {strides = array<i32>} : memref<128x128xf32, #tpu.memory_space<vmem>>, vector<16xf32>,
        %sub3A_173 = arith.subf %get3A_169, %get3A_172 : vector<16xf32>
        %swap3A_174 = arith.index_cast %scan3A_148 : i32 to index
        %swap3A_175 = arith.constant 32 : index
        %swap3A_176 = tpu.vector_load %arg24[%swap3A_174, %swap3A_175] {strides = array<i32>} : memref<128x64xf32, #tpu.memory_space<vmem>>, vector<16xf32>,
        tpu.vector_store %arg24[%swap3A_174, %swap3A_175], %sub3A_173 {strides = array<i32>} : memref<128x64xf32, #tpu.memory_space<vmem>>, vector<16xf32>,
        %get3A_177 = arith.index_cast %scan3A_148 : i32 to index
        %get3A_178 = arith.constant 48 : index
        %get3A_179 = tpu.vector_load %arg22[%get3A_177, %get3A_178] {strides = array<i32>} : memref<128x128xf32, #tpu.memory_space<vmem>>, vector<16xf32>,
        %get3A_180 = arith.index_cast %scan3A_148 : i32 to index
        %get3A_181 = arith.constant 48 : index
        %get3A_182 = tpu.vector_load %arg23[%get3A_180, %get3A_181] {strides = array<i32>} : memref<128x128xf32, #tpu.memory_space<vmem>>, vector<16xf32>,
        %sub3A_183 = arith.subf %get3A_179, %get3A_182 : vector<16xf32>
        %swap3A_184 = arith.index_cast %scan3A_148 : i32 to index
        %swap3A_185 = arith.constant 48 : index
        %swap3A_186 = tpu.vector_load %arg24[%swap3A_184, %swap3A_185] {strides = array<i32>} : memref<128x64xf32, #tpu.memory_space<vmem>>, vector<16xf32>,
        tpu.vector_store %arg24[%swap3A_184, %swap3A_185], %sub3A_183 {strides = array<i32>} : memref<128x64xf32, #tpu.memory_space<vmem>>, vector<16xf32>,
        %get3A_187 = arith.index_cast %scan3A_148 : i32 to index
        %get3A_188 = arith.constant 64 : index
        %get3A_189 = tpu.vector_load %arg22[%get3A_187, %get3A_188] {strides = array<i32>} : memref<128x128xf32, #tpu.memory_space<vmem>>, vector<16xf32>,
        %get3A_190 = arith.index_cast %scan3A_148 : i32 to index
        %get3A_191 = arith.constant 64 : index
        %get3A_192 = tpu.vector_load %arg23[%get3A_190, %get3A_191] {strides = array<i32>} : memref<128x128xf32, #tpu.memory_space<vmem>>, vector<16xf32>,
        %sub3A_193 = arith.subf %get3A_189, %get3A_192 : vector<16xf32>
        %swap3A_194 = arith.index_cast %scan3A_148 : i32 to index
        %swap3A_195 = arith.constant 0 : index
        %swap3A_196 = tpu.vector_load %arg25[%swap3A_194, %swap3A_195] {strides = array<i32>} : memref<128x64xf32, #tpu.memory_space<vmem>>, vector<16xf32>,
        tpu.vector_store %arg25[%swap3A_194, %swap3A_195], %sub3A_193 {strides = array<i32>} : memref<128x64xf32, #tpu.memory_space<vmem>>, vector<16xf32>,
        %get3A_197 = arith.index_cast %scan3A_148 : i32 to index
        %get3A_198 = arith.constant 80 : index
        %get3A_199 = tpu.vector_load %arg22[%get3A_197, %get3A_198] {strides = array<i32>} : memref<128x128xf32, #tpu.memory_space<vmem>>, vector<16xf32>,
        %get3A_200 = arith.index_cast %scan3A_148 : i32 to index
        %get3A_201 = arith.constant 80 : index
        %get3A_202 = tpu.vector_load %arg23[%get3A_200, %get3A_201] {strides = array<i32>} : memref<128x128xf32, #tpu.memory_space<vmem>>, vector<16xf32>,
        %sub3A_203 = arith.subf %get3A_199, %get3A_202 : vector<16xf32>
        %swap3A_204 = arith.index_cast %scan3A_148 : i32 to index
        %swap3A_205 = arith.constant 16 : index
        %swap3A_206 = tpu.vector_load %arg25[%swap3A_204, %swap3A_205] {strides = array<i32>} : memref<128x64xf32, #tpu.memory_space<vmem>>, vector<16xf32>,
        tpu.vector_store %arg25[%swap3A_204, %swap3A_205], %sub3A_203 {strides = array<i32>} : memref<128x64xf32, #tpu.memory_space<vmem>>, vector<16xf32>,
        %get3A_207 = arith.index_cast %scan3A_148 : i32 to index
        %get3A_208 = arith.constant 96 : index
        %get3A_209 = tpu.vector_load %arg22[%get3A_207, %get3A_208] {strides = array<i32>} : memref<128x128xf32, #tpu.memory_space<vmem>>, vector<16xf32>,
        %get3A_210 = arith.index_cast %scan3A_148 : i32 to index
        %get3A_211 = arith.constant 96 : index
        %get3A_212 = tpu.vector_load %arg23[%get3A_210, %get3A_211] {strides = array<i32>} : memref<128x128xf32, #tpu.memory_space<vmem>>, vector<16xf32>,
        %sub3A_213 = arith.subf %get3A_209, %get3A_212 : vector<16xf32>
        %swap3A_214 = arith.index_cast %scan3A_148 : i32 to index
        %swap3A_215 = arith.constant 32 : index
        %swap3A_216 = tpu.vector_load %arg25[%swap3A_214, %swap3A_215] {strides = array<i32>} : memref<128x64xf32, #tpu.memory_space<vmem>>, vector<16xf32>,
        tpu.vector_store %arg25[%swap3A_214, %swap3A_215], %sub3A_213 {strides = array<i32>} : memref<128x64xf32, #tpu.memory_space<vmem>>, vector<16xf32>,
        %get3A_217 = arith.index_cast %scan3A_148 : i32 to index
        %get3A_218 = arith.constant 112 : index
        %get3A_219 = tpu.vector_load %arg22[%get3A_217, %get3A_218] {strides = array<i32>} : memref<128x128xf32, #tpu.memory_space<vmem>>, vector<16xf32>,
        %get3A_220 = arith.index_cast %scan3A_148 : i32 to index
        %get3A_221 = arith.constant 112 : index
        %get3A_222 = tpu.vector_load %arg23[%get3A_220, %get3A_221] {strides = array<i32>} : memref<128x128xf32, #tpu.memory_space<vmem>>, vector<16xf32>,
        %sub3A_223 = arith.subf %get3A_219, %get3A_222 : vector<16xf32>
        %swap3A_224 = arith.index_cast %scan3A_148 : i32 to index
        %swap3A_225 = arith.constant 48 : index
        %swap3A_226 = tpu.vector_load %arg25[%swap3A_224, %swap3A_225] {strides = array<i32>} : memref<128x64xf32, #tpu.memory_space<vmem>>, vector<16xf32>,
        tpu.vector_store %arg25[%swap3A_224, %swap3A_225], %sub3A_223 {strides = array<i32>} : memref<128x64xf32, #tpu.memory_space<vmem>>, vector<16xf32>,
      }
      %scan3A_113 = arith.constant 128 : i32
      %dma_start3A_114 = arith.constant 0 : i32
      %dma_start3A_115 = tpu.memref_slice %arg10[%add3A_85, %dma_start3A_114] : memref<331776x64xf32, #tpu.memory_space<hbm>> -> memref<128x64xf32, #tpu.memory_space<hbm>>
      %dma_start3A_116 = arith.constant 0 : i32
      %dma_start3A_117 = tpu.memref_slice %arg10[%add3A_85, %dma_start3A_116] : memref<331776x64xf32, #tpu.memory_space<hbm>> -> memref<128x64xf32, #tpu.memory_space<hbm>>
      tpu.enqueue_dma source(%arg24 : memref<128x64xf32, #tpu.memory_space<vmem>>) target(%dma_start3A_117 : memref<128x64xf32, #tpu.memory_space<hbm>>) target_semaphore(%arg30 : memref<!tpu.dma_semaphore, #tpu.memory_space<semaphore_mem>>)
      %dma_start3A_118 = arith.constant 0 : i32
      %dma_start3A_119 = tpu.memref_slice %arg11[%add3A_85, %dma_start3A_118] : memref<331776x64xf32, #tpu.memory_space<hbm>> -> memref<128x64xf32, #tpu.memory_space<hbm>>
      %dma_start3A_120 = arith.constant 0 : i32
      %dma_start3A_121 = tpu.memref_slice %arg11[%add3A_85, %dma_start3A_120] : memref<331776x64xf32, #tpu.memory_space<hbm>> -> memref<128x64xf32, #tpu.memory_space<hbm>>
      tpu.enqueue_dma source(%arg25 : memref<128x64xf32, #tpu.memory_space<vmem>>) target(%dma_start3A_121 : memref<128x64xf32, #tpu.memory_space<hbm>>) target_semaphore(%arg30 : memref<!tpu.dma_semaphore, #tpu.memory_space<semaphore_mem>>)
      %scan3A_122 = arith.constant 0 : i32
      %scan3A_123 = arith.constant 8 : i32
      %scan3A_124 = arith.addi %scan3A_122, %scan3A_123 : i32
      %scan3A_125 = arith.constant 1 : i32
      %scan3A_126:10 = scf.for %scan3A_148 = %scan3A_122 to %scan3A_124 step %scan3A_125 iter_args(%scan3A_149 = %scan3A_73, %scan3A_150 = %scan3A_74, %scan3A_151 = %scan3A_75, %scan3A_152 = %scan3A_76, %scan3A_153 = %scan3A_77, %scan3A_154 = %scan3A_78, %scan3A_155 = %scan3A_79, %scan3A_156 = %scan3A_80, %scan3A_157 = %scan3A_81, %scan3A_158 = %scan3A_82) -> (vector<16xf32>, vector<16xf32>, vector<16xf32>, vector<16xf32>, vector<16xf32>, vector<16xf32>, vector<16xf32>, vector<16xf32>, vector<16xf32>, vector<16xf32>)  : i32 {
        %mul3A_159 = arith.constant 16 : i32
        %mul3A_160 = arith.muli %scan3A_148, %mul3A_159 : i32
        %get3A = arith.index_cast %mul3A_160 : i32 to index
        %get3A_161 = tpu.vector_load %arg19[%get3A] {strides = array<i32>} : memref<128xi32, #tpu.memory_space<vmem>>, vector<16xi32>,
        %get3A_162 = arith.index_cast %mul3A_160 : i32 to index
        %get3A_163 = tpu.vector_load %arg20[%get3A_162] {strides = array<i32>} : memref<128xi32, #tpu.memory_space<vmem>>, vector<16xi32>,
        %get3A_164 = arith.index_cast %mul3A_160 : i32 to index
        %get3A_165 = tpu.vector_load %arg21[%get3A_164] {strides = array<i32>} : memref<128xf32, #tpu.memory_space<vmem>>, vector<16xf32>,
        %gather3A = tpu.vector_load_idx %arg16[%get3A_163] : memref<10000xf32, #tpu.memory_space<vmem>>[vector<16xi32>], vector<16xf32>,
        %gather3A_166 = tpu.vector_load_idx %arg16[%get3A_161] : memref<10000xf32, #tpu.memory_space<vmem>>[vector<16xi32>], vector<16xf32>,
        %sub3A = arith.subf %gather3A, %gather3A_166 : vector<16xf32>
        %gather3A_167 = tpu.vector_load_idx %arg17[%get3A_163] : memref<10000xf32, #tpu.memory_space<vmem>>[vector<16xi32>], vector<16xf32>,
        %gather3A_168 = tpu.vector_load_idx %arg17[%get3A_161] : memref<10000xf32, #tpu.memory_space<vmem>>[vector<16xi32>], vector<16xf32>,
        %sub3A_169 = arith.subf %gather3A_167, %gather3A_168 : vector<16xf32>
        %gather3A_170 = tpu.vector_load_idx %arg18[%get3A_163] : memref<10000xf32, #tpu.memory_space<vmem>>[vector<16xi32>], vector<16xf32>,
        %gather3A_171 = tpu.vector_load_idx %arg18[%get3A_161] : memref<10000xf32, #tpu.memory_space<vmem>>[vector<16xi32>], vector<16xf32>,
        %sub3A_172 = arith.subf %gather3A_170, %gather3A_171 : vector<16xf32>
        %swap3A_173 = arith.index_cast %mul3A_160 : i32 to index
        %swap3A_174 = tpu.vector_load %arg26[%swap3A_173] {strides = array<i32>} : memref<128xf32, #tpu.memory_space<vmem>>, vector<16xf32>,
        tpu.vector_store %arg26[%swap3A_173], %sub3A {strides = array<i32>} : memref<128xf32, #tpu.memory_space<vmem>>, vector<16xf32>,
        %swap3A_175 = arith.index_cast %mul3A_160 : i32 to index
        %swap3A_176 = tpu.vector_load %arg27[%swap3A_175] {strides = array<i32>} : memref<128xf32, #tpu.memory_space<vmem>>, vector<16xf32>,
        tpu.vector_store %arg27[%swap3A_175], %sub3A_169 {strides = array<i32>} : memref<128xf32, #tpu.memory_space<vmem>>, vector<16xf32>,
        %swap3A_177 = arith.index_cast %mul3A_160 : i32 to index
        %swap3A_178 = tpu.vector_load %arg28[%swap3A_177] {strides = array<i32>} : memref<128xf32, #tpu.memory_space<vmem>>, vector<16xf32>,
        tpu.vector_store %arg28[%swap3A_177], %sub3A_172 {strides = array<i32>} : memref<128xf32, #tpu.memory_space<vmem>>, vector<16xf32>,
        %mul3A_179 = arith.mulf %get3A_165, %sub3A : vector<16xf32>
        %mul3A_180 = arith.mulf %get3A_165, %sub3A_169 : vector<16xf32>
        %mul3A_181 = arith.mulf %get3A_165, %sub3A_172 : vector<16xf32>
        %add3A_182 = arith.addf %scan3A_149, %mul3A_179 : vector<16xf32>
        %add3A_183 = arith.addf %scan3A_150, %mul3A_180 : vector<16xf32>
        %add3A_184 = arith.addf %scan3A_151, %mul3A_181 : vector<16xf32>
        %mul3A_185 = arith.mulf %mul3A_179, %sub3A : vector<16xf32>
        %add3A_186 = arith.addf %scan3A_152, %mul3A_185 : vector<16xf32>
        %mul3A_187 = arith.mulf %mul3A_180, %sub3A_169 : vector<16xf32>
        %add3A_188 = arith.addf %scan3A_153, %mul3A_187 : vector<16xf32>
        %mul3A_189 = arith.mulf %mul3A_181, %sub3A_172 : vector<16xf32>
        %add3A_190 = arith.addf %scan3A_154, %mul3A_189 : vector<16xf32>
        %mul3A_191 = arith.mulf %mul3A_179, %sub3A_169 : vector<16xf32>
        %add3A_192 = arith.addf %scan3A_155, %mul3A_191 : vector<16xf32>
        %mul3A_193 = arith.mulf %mul3A_179, %sub3A_172 : vector<16xf32>
        %add3A_194 = arith.addf %scan3A_156, %mul3A_193 : vector<16xf32>
        %mul3A_195 = arith.mulf %mul3A_180, %sub3A_172 : vector<16xf32>
        %add3A_196 = arith.addf %scan3A_157, %mul3A_195 : vector<16xf32>
        %add3A_197 = arith.addf %scan3A_158, %get3A_165 : vector<16xf32>
        scf.yield %add3A_182, %add3A_183, %add3A_184, %add3A_186, %add3A_188, %add3A_190, %add3A_192, %add3A_194, %add3A_196, %add3A_197 : vector<16xf32>, vector<16xf32>, vector<16xf32>, vector<16xf32>, vector<16xf32>, vector<16xf32>, vector<16xf32>, vector<16xf32>, vector<16xf32>, vector<16xf32>
      }
      %scan3A_127 = arith.constant 8 : i32
      %dma_start3A_128 = tpu.memref_slice %arg12[%add3A_85] : memref<331776xf32, #tpu.memory_space<hbm>> -> memref<128xf32, #tpu.memory_space<hbm>>
      %dma_start3A_129 = tpu.memref_slice %arg12[%add3A_85] : memref<331776xf32, #tpu.memory_space<hbm>> -> memref<128xf32, #tpu.memory_space<hbm>>
      tpu.enqueue_dma source(%arg26 : memref<128xf32, #tpu.memory_space<vmem>>) target(%dma_start3A_129 : memref<128xf32, #tpu.memory_space<hbm>>) target_semaphore(%arg30 : memref<!tpu.dma_semaphore, #tpu.memory_space<semaphore_mem>>)
      %dma_start3A_130 = tpu.memref_slice %arg13[%add3A_85] : memref<331776xf32, #tpu.memory_space<hbm>> -> memref<128xf32, #tpu.memory_space<hbm>>
      %dma_start3A_131 = tpu.memref_slice %arg13[%add3A_85] : memref<331776xf32, #tpu.memory_space<hbm>> -> memref<128xf32, #tpu.memory_space<hbm>>
      tpu.enqueue_dma source(%arg27 : memref<128xf32, #tpu.memory_space<vmem>>) target(%dma_start3A_131 : memref<128xf32, #tpu.memory_space<hbm>>) target_semaphore(%arg30 : memref<!tpu.dma_semaphore, #tpu.memory_space<semaphore_mem>>)
      %dma_start3A_132 = tpu.memref_slice %arg14[%add3A_85] : memref<331776xf32, #tpu.memory_space<hbm>> -> memref<128xf32, #tpu.memory_space<hbm>>
      %dma_start3A_133 = tpu.memref_slice %arg14[%add3A_85] : memref<331776xf32, #tpu.memory_space<hbm>> -> memref<128xf32, #tpu.memory_space<hbm>>
      tpu.enqueue_dma source(%arg28 : memref<128xf32, #tpu.memory_space<vmem>>) target(%dma_start3A_133 : memref<128xf32, #tpu.memory_space<hbm>>) target_semaphore(%arg30 : memref<!tpu.dma_semaphore, #tpu.memory_space<semaphore_mem>>)
      %dma_wait3A_134 = arith.constant 0 : i32
      %dma_wait3A_135 = tpu.memref_slice %arg10[%add3A_85, %dma_wait3A_134] : memref<331776x64xf32, #tpu.memory_space<hbm>> -> memref<128x64xf32, #tpu.memory_space<hbm>>
      %dma_wait3A_136 = arith.constant 0 : i32
      %dma_wait3A_137 = tpu.memref_slice %arg10[%add3A_85, %dma_wait3A_136] : memref<331776x64xf32, #tpu.memory_space<hbm>> -> memref<128x64xf32, #tpu.memory_space<hbm>>
      tpu.wait_dma2 semaphore(%arg30 : memref<!tpu.dma_semaphore, #tpu.memory_space<semaphore_mem>>) src(%arg24 : memref<128x64xf32, #tpu.memory_space<vmem>>) dst(%dma_wait3A_137 : memref<128x64xf32, #tpu.memory_space<hbm>>)
      %dma_wait3A_138 = arith.constant 0 : i32
      %dma_wait3A_139 = tpu.memref_slice %arg11[%add3A_85, %dma_wait3A_138] : memref<331776x64xf32, #tpu.memory_space<hbm>> -> memref<128x64xf32, #tpu.memory_space<hbm>>
      %dma_wait3A_140 = arith.constant 0 : i32
      %dma_wait3A_141 = tpu.memref_slice %arg11[%add3A_85, %dma_wait3A_140] : memref<331776x64xf32, #tpu.memory_space<hbm>> -> memref<128x64xf32, #tpu.memory_space<hbm>>
      tpu.wait_dma2 semaphore(%arg30 : memref<!tpu.dma_semaphore, #tpu.memory_space<semaphore_mem>>) src(%arg25 : memref<128x64xf32, #tpu.memory_space<vmem>>) dst(%dma_wait3A_141 : memref<128x64xf32, #tpu.memory_space<hbm>>)
      %dma_wait3A_142 = tpu.memref_slice %arg12[%add3A_85] : memref<331776xf32, #tpu.memory_space<hbm>> -> memref<128xf32, #tpu.memory_space<hbm>>
      %dma_wait3A_143 = tpu.memref_slice %arg12[%add3A_85] : memref<331776xf32, #tpu.memory_space<hbm>> -> memref<128xf32, #tpu.memory_space<hbm>>
      tpu.wait_dma2 semaphore(%arg30 : memref<!tpu.dma_semaphore, #tpu.memory_space<semaphore_mem>>) src(%arg26 : memref<128xf32, #tpu.memory_space<vmem>>) dst(%dma_wait3A_143 : memref<128xf32, #tpu.memory_space<hbm>>)
      %dma_wait3A_144 = tpu.memref_slice %arg13[%add3A_85] : memref<331776xf32, #tpu.memory_space<hbm>> -> memref<128xf32, #tpu.memory_space<hbm>>
      %dma_wait3A_145 = tpu.memref_slice %arg13[%add3A_85] : memref<331776xf32, #tpu.memory_space<hbm>> -> memref<128xf32, #tpu.memory_space<hbm>>
      tpu.wait_dma2 semaphore(%arg30 : memref<!tpu.dma_semaphore, #tpu.memory_space<semaphore_mem>>) src(%arg27 : memref<128xf32, #tpu.memory_space<vmem>>) dst(%dma_wait3A_145 : memref<128xf32, #tpu.memory_space<hbm>>)
      %dma_wait3A_146 = tpu.memref_slice %arg14[%add3A_85] : memref<331776xf32, #tpu.memory_space<hbm>> -> memref<128xf32, #tpu.memory_space<hbm>>
      %dma_wait3A_147 = tpu.memref_slice %arg14[%add3A_85] : memref<331776xf32, #tpu.memory_space<hbm>> -> memref<128xf32, #tpu.memory_space<hbm>>
      tpu.wait_dma2 semaphore(%arg30 : memref<!tpu.dma_semaphore, #tpu.memory_space<semaphore_mem>>) src(%arg28 : memref<128xf32, #tpu.memory_space<vmem>>) dst(%dma_wait3A_147 : memref<128xf32, #tpu.memory_space<hbm>>)
      scf.yield %scan3A_126#0, %scan3A_126#1, %scan3A_126#2, %scan3A_126#3, %scan3A_126#4, %scan3A_126#5, %scan3A_126#6, %scan3A_126#7, %scan3A_126#8, %scan3A_126#9 : vector<16xf32>, vector<16xf32>, vector<16xf32>, vector<16xf32>, vector<16xf32>, vector<16xf32>, vector<16xf32>, vector<16xf32>, vector<16xf32>, vector<16xf32>
    }
    %scan3A_8 = arith.constant 81 : i32
    %swap3A = arith.constant 0 : i32
    %swap3A_9 = arith.index_cast %swap3A : i32 to index
    %swap3A_10 = arith.constant 0 : index
    %swap3A_11 = tpu.vector_load %arg29[%swap3A_9, %swap3A_10] {strides = array<i32>} : memref<16x16xf32, #tpu.memory_space<vmem>>, vector<16xf32>,
    tpu.vector_store %arg29[%swap3A_9, %swap3A_10], %scan3A_7#0 {strides = array<i32>} : memref<16x16xf32, #tpu.memory_space<vmem>>, vector<16xf32>,
    %swap3A_12 = arith.constant 1 : i32
    %swap3A_13 = arith.index_cast %swap3A_12 : i32 to index
    %swap3A_14 = arith.constant 0 : index
    %swap3A_15 = tpu.vector_load %arg29[%swap3A_13, %swap3A_14] {strides = array<i32>} : memref<16x16xf32, #tpu.memory_space<vmem>>, vector<16xf32>,
    tpu.vector_store %arg29[%swap3A_13, %swap3A_14], %scan3A_7#1 {strides = array<i32>} : memref<16x16xf32, #tpu.memory_space<vmem>>, vector<16xf32>,
    %swap3A_16 = arith.constant 2 : i32
    %swap3A_17 = arith.index_cast %swap3A_16 : i32 to index
    %swap3A_18 = arith.constant 0 : index
    %swap3A_19 = tpu.vector_load %arg29[%swap3A_17, %swap3A_18] {strides = array<i32>} : memref<16x16xf32, #tpu.memory_space<vmem>>, vector<16xf32>,
    tpu.vector_store %arg29[%swap3A_17, %swap3A_18], %scan3A_7#2 {strides = array<i32>} : memref<16x16xf32, #tpu.memory_space<vmem>>, vector<16xf32>,
    %swap3A_20 = arith.constant 3 : i32
    %swap3A_21 = arith.index_cast %swap3A_20 : i32 to index
    %swap3A_22 = arith.constant 0 : index
    %swap3A_23 = tpu.vector_load %arg29[%swap3A_21, %swap3A_22] {strides = array<i32>} : memref<16x16xf32, #tpu.memory_space<vmem>>, vector<16xf32>,
    tpu.vector_store %arg29[%swap3A_21, %swap3A_22], %scan3A_7#3 {strides = array<i32>} : memref<16x16xf32, #tpu.memory_space<vmem>>, vector<16xf32>,
    %swap3A_24 = arith.constant 4 : i32
    %swap3A_25 = arith.index_cast %swap3A_24 : i32 to index
    %swap3A_26 = arith.constant 0 : index
    %swap3A_27 = tpu.vector_load %arg29[%swap3A_25, %swap3A_26] {strides = array<i32>} : memref<16x16xf32, #tpu.memory_space<vmem>>, vector<16xf32>,
    tpu.vector_store %arg29[%swap3A_25, %swap3A_26], %scan3A_7#4 {strides = array<i32>} : memref<16x16xf32, #tpu.memory_space<vmem>>, vector<16xf32>,
    %swap3A_28 = arith.constant 5 : i32
    %swap3A_29 = arith.index_cast %swap3A_28 : i32 to index
    %swap3A_30 = arith.constant 0 : index
    %swap3A_31 = tpu.vector_load %arg29[%swap3A_29, %swap3A_30] {strides = array<i32>} : memref<16x16xf32, #tpu.memory_space<vmem>>, vector<16xf32>,
    tpu.vector_store %arg29[%swap3A_29, %swap3A_30], %scan3A_7#5 {strides = array<i32>} : memref<16x16xf32, #tpu.memory_space<vmem>>, vector<16xf32>,
    %swap3A_32 = arith.constant 6 : i32
    %swap3A_33 = arith.index_cast %swap3A_32 : i32 to index
    %swap3A_34 = arith.constant 0 : index
    %swap3A_35 = tpu.vector_load %arg29[%swap3A_33, %swap3A_34] {strides = array<i32>} : memref<16x16xf32, #tpu.memory_space<vmem>>, vector<16xf32>,
    tpu.vector_store %arg29[%swap3A_33, %swap3A_34], %scan3A_7#6 {strides = array<i32>} : memref<16x16xf32, #tpu.memory_space<vmem>>, vector<16xf32>,
    %swap3A_36 = arith.constant 7 : i32
    %swap3A_37 = arith.index_cast %swap3A_36 : i32 to index
    %swap3A_38 = arith.constant 0 : index
    %swap3A_39 = tpu.vector_load %arg29[%swap3A_37, %swap3A_38] {strides = array<i32>} : memref<16x16xf32, #tpu.memory_space<vmem>>, vector<16xf32>,
    tpu.vector_store %arg29[%swap3A_37, %swap3A_38], %scan3A_7#7 {strides = array<i32>} : memref<16x16xf32, #tpu.memory_space<vmem>>, vector<16xf32>,
    %swap3A_40 = arith.constant 8 : i32
    %swap3A_41 = arith.index_cast %swap3A_40 : i32 to index
    %swap3A_42 = arith.constant 0 : index
    %swap3A_43 = tpu.vector_load %arg29[%swap3A_41, %swap3A_42] {strides = array<i32>} : memref<16x16xf32, #tpu.memory_space<vmem>>, vector<16xf32>,
    tpu.vector_store %arg29[%swap3A_41, %swap3A_42], %scan3A_7#8 {strides = array<i32>} : memref<16x16xf32, #tpu.memory_space<vmem>>, vector<16xf32>,
    %swap3A_44 = arith.constant 9 : i32
    %swap3A_45 = arith.index_cast %swap3A_44 : i32 to index
    %swap3A_46 = arith.constant 0 : index
    %swap3A_47 = tpu.vector_load %arg29[%swap3A_45, %swap3A_46] {strides = array<i32>} : memref<16x16xf32, #tpu.memory_space<vmem>>, vector<16xf32>,
    tpu.vector_store %arg29[%swap3A_45, %swap3A_46], %scan3A_7#9 {strides = array<i32>} : memref<16x16xf32, #tpu.memory_space<vmem>>, vector<16xf32>,
    %swap3A_48 = arith.constant 10 : i32
    %swap3A_49 = arith.index_cast %swap3A_48 : i32 to index
    %swap3A_50 = arith.constant 0 : index
    %swap3A_51 = tpu.vector_load %arg29[%swap3A_49, %swap3A_50] {strides = array<i32>} : memref<16x16xf32, #tpu.memory_space<vmem>>, vector<16xf32>,
    tpu.vector_store %arg29[%swap3A_49, %swap3A_50], %broadcast_in_dim3A_3 {strides = array<i32>} : memref<16x16xf32, #tpu.memory_space<vmem>>, vector<16xf32>,
    %swap3A_52 = arith.constant 11 : i32
    %swap3A_53 = arith.index_cast %swap3A_52 : i32 to index
    %swap3A_54 = arith.constant 0 : index
    %swap3A_55 = tpu.vector_load %arg29[%swap3A_53, %swap3A_54] {strides = array<i32>} : memref<16x16xf32, #tpu.memory_space<vmem>>, vector<16xf32>,
    tpu.vector_store %arg29[%swap3A_53, %swap3A_54], %broadcast_in_dim3A_3 {strides = array<i32>} : memref<16x16xf32, #tpu.memory_space<vmem>>, vector<16xf32>,
    %swap3A_56 = arith.constant 12 : i32
    %swap3A_57 = arith.index_cast %swap3A_56 : i32 to index
    %swap3A_58 = arith.constant 0 : index
    %swap3A_59 = tpu.vector_load %arg29[%swap3A_57, %swap3A_58] {strides = array<i32>} : memref<16x16xf32, #tpu.memory_space<vmem>>, vector<16xf32>,
    tpu.vector_store %arg29[%swap3A_57, %swap3A_58], %broadcast_in_dim3A_3 {strides = array<i32>} : memref<16x16xf32, #tpu.memory_space<vmem>>, vector<16xf32>,
    %swap3A_60 = arith.constant 13 : i32
    %swap3A_61 = arith.index_cast %swap3A_60 : i32 to index
    %swap3A_62 = arith.constant 0 : index
    %swap3A_63 = tpu.vector_load %arg29[%swap3A_61, %swap3A_62] {strides = array<i32>} : memref<16x16xf32, #tpu.memory_space<vmem>>, vector<16xf32>,
    tpu.vector_store %arg29[%swap3A_61, %swap3A_62], %broadcast_in_dim3A_3 {strides = array<i32>} : memref<16x16xf32, #tpu.memory_space<vmem>>, vector<16xf32>,
    %swap3A_64 = arith.constant 14 : i32
    %swap3A_65 = arith.index_cast %swap3A_64 : i32 to index
    %swap3A_66 = arith.constant 0 : index
    %swap3A_67 = tpu.vector_load %arg29[%swap3A_65, %swap3A_66] {strides = array<i32>} : memref<16x16xf32, #tpu.memory_space<vmem>>, vector<16xf32>,
    tpu.vector_store %arg29[%swap3A_65, %swap3A_66], %broadcast_in_dim3A_3 {strides = array<i32>} : memref<16x16xf32, #tpu.memory_space<vmem>>, vector<16xf32>,
    %swap3A_68 = arith.constant 15 : i32
    %swap3A_69 = arith.index_cast %swap3A_68 : i32 to index
    %swap3A_70 = arith.constant 0 : index
    %swap3A_71 = tpu.vector_load %arg29[%swap3A_69, %swap3A_70] {strides = array<i32>} : memref<16x16xf32, #tpu.memory_space<vmem>>, vector<16xf32>,
    tpu.vector_store %arg29[%swap3A_69, %swap3A_70], %broadcast_in_dim3A_3 {strides = array<i32>} : memref<16x16xf32, #tpu.memory_space<vmem>>, vector<16xf32>,
    "tpu.region"() ({
      %run_scoped3A = tpu.sem_alloc : memref<!tpu.dma_semaphore, #tpu.memory_space<semaphore_mem>>
      %dma_start3A = arith.constant 0 : i32
      %dma_start3A_72 = arith.constant 0 : i32
      %dma_start3A_73 = tpu.memref_slice %arg15[%add3A, %dma_start3A, %dma_start3A_72] : memref<32x16x16xf32, #tpu.memory_space<hbm>> -> memref<1x16x16xf32, #tpu.memory_space<hbm>>
      %dma_start3A_74 = tpu.memref_squeeze %dma_start3A_73 : memref<1x16x16xf32, #tpu.memory_space<hbm>> -> memref<16x16xf32, #tpu.memory_space<hbm>>
      %dma_start3A_75 = arith.constant 0 : i32
      %dma_start3A_76 = arith.constant 0 : i32
      %dma_start3A_77 = tpu.memref_slice %arg15[%add3A, %dma_start3A_75, %dma_start3A_76] : memref<32x16x16xf32, #tpu.memory_space<hbm>> -> memref<1x16x16xf32, #tpu.memory_space<hbm>>
      %dma_start3A_78 = tpu.memref_squeeze %dma_start3A_77 : memref<1x16x16xf32, #tpu.memory_space<hbm>> -> memref<16x16xf32, #tpu.memory_space<hbm>>
      tpu.enqueue_dma source(%arg29 : memref<16x16xf32, #tpu.memory_space<vmem>>) target(%dma_start3A_78 : memref<16x16xf32, #tpu.memory_space<hbm>>) target_semaphore(%run_scoped3A : memref<!tpu.dma_semaphore, #tpu.memory_space<semaphore_mem>>)
      %dma_wait3A = arith.constant 0 : i32
      %dma_wait3A_79 = arith.constant 0 : i32
      %dma_wait3A_80 = tpu.memref_slice %arg15[%add3A, %dma_wait3A, %dma_wait3A_79] : memref<32x16x16xf32, #tpu.memory_space<hbm>> -> memref<1x16x16xf32, #tpu.memory_space<hbm>>
      %dma_wait3A_81 = tpu.memref_squeeze %dma_wait3A_80 : memref<1x16x16xf32, #tpu.memory_space<hbm>> -> memref<16x16xf32, #tpu.memory_space<hbm>>
      %dma_wait3A_82 = arith.constant 0 : i32
      %dma_wait3A_83 = arith.constant 0 : i32
      %dma_wait3A_84 = tpu.memref_slice %arg15[%add3A, %dma_wait3A_82, %dma_wait3A_83] : memref<32x16x16xf32, #tpu.memory_space<hbm>> -> memref<1x16x16xf32, #tpu.memory_space<hbm>>
      %dma_wait3A_85 = tpu.memref_squeeze %dma_wait3A_84 : memref<1x16x16xf32, #tpu.memory_space<hbm>> -> memref<16x16xf32, #tpu.memory_space<hbm>>
      tpu.wait_dma2 semaphore(%run_scoped3A : memref<!tpu.dma_semaphore, #tpu.memory_space<semaphore_mem>>) src(%arg29 : memref<16x16xf32, #tpu.memory_space<vmem>>) dst(%dma_wait3A_85 : memref<16x16xf32, #tpu.memory_space<hbm>>)
      tpu.yield
    }) : () -> ()
    return
  }
}

module attributes {stable_mosaic.version = 14 : i64} {
  func.func @_t0_body(%arg0: i32, %arg1: memref<2000x128xf32, #tpu.memory_space<vmem>>, %arg2: memref<128x128xf32, #tpu.memory_space<vmem>>, %arg3: memref<1x128xf32, #tpu.memory_space<vmem>>, %arg4: memref<128x128xf32, #tpu.memory_space<vmem>>, %arg5: memref<128x128xf32, #tpu.memory_space<vmem>>, %arg6: memref<128x128xf32, #tpu.memory_space<vmem>>, %arg7: memref<128x128xf32, #tpu.memory_space<vmem>>, %arg8: memref<1x128xf32, #tpu.memory_space<vmem>>, %arg9: memref<2000x128xf32, #tpu.memory_space<vmem>>, %arg10: memref<2000x128xf32, #tpu.memory_space<vmem>>, %arg11: memref<2000x128xf32, #tpu.memory_space<vmem>>) attributes {dimension_semantics = [#tpu.dimension_semantics<arbitrary>], iteration_bounds = array<i64: 5>, scalar_prefetch = 0 : i64, scratch_operands = 0 : i64, tpu.core_type = #tpu.core_type<tc>, window_params = [{transform_indices = @transform_0, window_bounds = array<i64: 2000, 128>}, {pipeline_mode = #tpu.pipeline_mode<synchronous>, transform_indices = @transform_1, window_bounds = array<i64: 128, 128>}, {pipeline_mode = #tpu.pipeline_mode<synchronous>, transform_indices = @transform_2, window_bounds = array<i64: 1, 128>}, {pipeline_mode = #tpu.pipeline_mode<synchronous>, transform_indices = @transform_3, window_bounds = array<i64: 128, 128>}, {pipeline_mode = #tpu.pipeline_mode<synchronous>, transform_indices = @transform_4, window_bounds = array<i64: 128, 128>}, {pipeline_mode = #tpu.pipeline_mode<synchronous>, transform_indices = @transform_5, window_bounds = array<i64: 128, 128>}, {pipeline_mode = #tpu.pipeline_mode<synchronous>, transform_indices = @transform_6, window_bounds = array<i64: 128, 128>}, {pipeline_mode = #tpu.pipeline_mode<synchronous>, transform_indices = @transform_7, window_bounds = array<i64: 1, 128>}, {transform_indices = @transform_8, window_bounds = array<i64: 2000, 128>}, {transform_indices = @transform_9, window_bounds = array<i64: 2000, 128>}, {transform_indices = @transform_10, window_bounds = array<i64: 2000, 128>}]} {
    %get3A = arith.constant 0 : index
    %get3A_0 = arith.constant 0 : index
    %get3A_1 = vector.load %arg1[%get3A, %get3A_0] : memref<2000x128xf32, #tpu.memory_space<vmem>>, vector<2000x128xf32>
    %get3A_2 = arith.constant 0 : index
    %get3A_3 = arith.constant 0 : index
    %get3A_4 = vector.load %arg2[%get3A_2, %get3A_3] : memref<128x128xf32, #tpu.memory_space<vmem>>, vector<128x128xf32>
    %dot_general3A = arith.constant dense<0.000000e+00> : vector<2000x128xf32>
    %dot_general3A_5 = tpu.matmul %get3A_1, %get3A_4, %dot_general3A {dimension_numbers = #tpu.dot_dimension_numbers<[1], [0], [0], [1], [0, 0, 1, 1], [], []>, transpose_lhs_hint = false} : vector<2000x128xf32>, vector<128x128xf32>, vector<2000x128xf32> -> vector<2000x128xf32>
    %get3A_6 = arith.constant 0 : index
    %get3A_7 = arith.constant 0 : index
    %get3A_8 = vector.load %arg3[%get3A_6, %get3A_7] : memref<1x128xf32, #tpu.memory_space<vmem>>, vector<1x128xf32>
    %add3A = vector.broadcast %get3A_8 : vector<1x128xf32> to vector<2000x128xf32>
    %add3A_9 = arith.addf %dot_general3A_5, %add3A : vector<2000x128xf32>
    %max3A = arith.constant 0.000000e+00 : f32
    %max3A_10 = vector.broadcast %max3A : f32 to vector<2000x128xf32>
    %max3A_11 = arith.maximumf %add3A_9, %max3A_10 : vector<2000x128xf32>
    %get3A_12 = arith.constant 0 : index
    %get3A_13 = arith.constant 0 : index
    %get3A_14 = vector.load %arg4[%get3A_12, %get3A_13] : memref<128x128xf32, #tpu.memory_space<vmem>>, vector<128x128xf32>
    %dot_general3A_15 = arith.constant dense<0.000000e+00> : vector<2000x128xf32>
    %dot_general3A_16 = tpu.matmul %max3A_11, %get3A_14, %dot_general3A_15 {dimension_numbers = #tpu.dot_dimension_numbers<[1], [0], [0], [1], [0, 0, 1, 1], [], []>, transpose_lhs_hint = false} : vector<2000x128xf32>, vector<128x128xf32>, vector<2000x128xf32> -> vector<2000x128xf32>
    %get3A_17 = arith.constant 0 : index
    %get3A_18 = arith.constant 0 : index
    %get3A_19 = vector.load %arg5[%get3A_17, %get3A_18] : memref<128x128xf32, #tpu.memory_space<vmem>>, vector<128x128xf32>
    %dot_general3A_20 = arith.constant dense<0.000000e+00> : vector<2000x128xf32>
    %dot_general3A_21 = tpu.matmul %max3A_11, %get3A_19, %dot_general3A_20 {dimension_numbers = #tpu.dot_dimension_numbers<[1], [0], [0], [1], [0, 0, 1, 1], [], []>, transpose_lhs_hint = false} : vector<2000x128xf32>, vector<128x128xf32>, vector<2000x128xf32> -> vector<2000x128xf32>
    %get3A_22 = arith.constant 0 : index
    %get3A_23 = arith.constant 0 : index
    %get3A_24 = vector.load %arg7[%get3A_22, %get3A_23] : memref<128x128xf32, #tpu.memory_space<vmem>>, vector<128x128xf32>
    %dot_general3A_25 = arith.constant dense<0.000000e+00> : vector<2000x128xf32>
    %dot_general3A_26 = tpu.matmul %dot_general3A_21, %get3A_24, %dot_general3A_25 {dimension_numbers = #tpu.dot_dimension_numbers<[1], [0], [0], [1], [0, 0, 1, 1], [], []>, transpose_lhs_hint = false} : vector<2000x128xf32>, vector<128x128xf32>, vector<2000x128xf32> -> vector<2000x128xf32>
    %get3A_27 = arith.constant 0 : index
    %get3A_28 = arith.constant 0 : index
    %get3A_29 = vector.load %arg8[%get3A_27, %get3A_28] : memref<1x128xf32, #tpu.memory_space<vmem>>, vector<1x128xf32>
    %add3A_30 = vector.broadcast %get3A_29 : vector<1x128xf32> to vector<2000x128xf32>
    %add3A_31 = arith.addf %dot_general3A_26, %add3A_30 : vector<2000x128xf32>
    %get3A_32 = arith.constant 0 : index
    %get3A_33 = arith.constant 0 : index
    %get3A_34 = vector.load %arg6[%get3A_32, %get3A_33] : memref<128x128xf32, #tpu.memory_space<vmem>>, vector<128x128xf32>
    %dot_general3A_35 = arith.constant dense<0.000000e+00> : vector<2000x128xf32>
    %dot_general3A_36 = tpu.matmul %max3A_11, %get3A_34, %dot_general3A_35 {dimension_numbers = #tpu.dot_dimension_numbers<[1], [0], [0], [1], [0, 0, 1, 1], [], []>, transpose_lhs_hint = false} : vector<2000x128xf32>, vector<128x128xf32>, vector<2000x128xf32> -> vector<2000x128xf32>
    %get3A_37 = arith.constant 0 : index
    %get3A_38 = arith.constant 0 : index
    %get3A_39 = vector.load %arg7[%get3A_37, %get3A_38] : memref<128x128xf32, #tpu.memory_space<vmem>>, vector<128x128xf32>
    %dot_general3A_40 = arith.constant dense<0.000000e+00> : vector<2000x128xf32>
    %dot_general3A_41 = tpu.matmul %dot_general3A_36, %get3A_39, %dot_general3A_40 {dimension_numbers = #tpu.dot_dimension_numbers<[1], [0], [0], [1], [0, 0, 1, 1], [], []>, transpose_lhs_hint = false} : vector<2000x128xf32>, vector<128x128xf32>, vector<2000x128xf32> -> vector<2000x128xf32>
    %swap3A = arith.constant 0 : index
    %swap3A_42 = arith.constant 0 : index
    %swap3A_43 = vector.load %arg9[%swap3A, %swap3A_42] : memref<2000x128xf32, #tpu.memory_space<vmem>>, vector<2000x128xf32>
    tpu.vector_store %arg9[%swap3A, %swap3A_42], %dot_general3A_16 {strides = array<i32>} : memref<2000x128xf32, #tpu.memory_space<vmem>>, vector<2000x128xf32>,
    %swap3A_44 = arith.constant 0 : index
    %swap3A_45 = arith.constant 0 : index
    %swap3A_46 = vector.load %arg10[%swap3A_44, %swap3A_45] : memref<2000x128xf32, #tpu.memory_space<vmem>>, vector<2000x128xf32>
    tpu.vector_store %arg10[%swap3A_44, %swap3A_45], %add3A_31 {strides = array<i32>} : memref<2000x128xf32, #tpu.memory_space<vmem>>, vector<2000x128xf32>,
    %swap3A_47 = arith.constant 0 : index
    %swap3A_48 = arith.constant 0 : index
    %swap3A_49 = vector.load %arg11[%swap3A_47, %swap3A_48] : memref<2000x128xf32, #tpu.memory_space<vmem>>, vector<2000x128xf32>
    tpu.vector_store %arg11[%swap3A_47, %swap3A_48], %dot_general3A_41 {strides = array<i32>} : memref<2000x128xf32, #tpu.memory_space<vmem>>, vector<2000x128xf32>,
    return
  }
  func.func @transform_0(%arg0: i32) -> (i32, i32) {
    %c0_i32 = arith.constant 0 : i32
    %c0_i32_0 = arith.constant 0 : i32
    return %arg0, %c0_i32 : i32, i32
  }
  func.func @transform_1(%arg0: i32) -> (i32, i32) {
    %c0_i32 = arith.constant 0 : i32
    %c0_i32_0 = arith.constant 0 : i32
    %c0_i32_1 = arith.constant 0 : i32
    return %c0_i32, %c0_i32_0 : i32, i32
  }
  func.func @transform_2(%arg0: i32) -> (i32, i32) {
    %c0_i32 = arith.constant 0 : i32
    %c0_i32_0 = arith.constant 0 : i32
    %c0_i32_1 = arith.constant 0 : i32
    return %c0_i32, %c0_i32_0 : i32, i32
  }
  func.func @transform_3(%arg0: i32) -> (i32, i32) {
    %c0_i32 = arith.constant 0 : i32
    %c0_i32_0 = arith.constant 0 : i32
    %c0_i32_1 = arith.constant 0 : i32
    return %c0_i32, %c0_i32_0 : i32, i32
  }
  func.func @transform_4(%arg0: i32) -> (i32, i32) {
    %c0_i32 = arith.constant 0 : i32
    %c0_i32_0 = arith.constant 0 : i32
    %c0_i32_1 = arith.constant 0 : i32
    return %c0_i32, %c0_i32_0 : i32, i32
  }
  func.func @transform_5(%arg0: i32) -> (i32, i32) {
    %c0_i32 = arith.constant 0 : i32
    %c0_i32_0 = arith.constant 0 : i32
    %c0_i32_1 = arith.constant 0 : i32
    return %c0_i32, %c0_i32_0 : i32, i32
  }
  func.func @transform_6(%arg0: i32) -> (i32, i32) {
    %c0_i32 = arith.constant 0 : i32
    %c0_i32_0 = arith.constant 0 : i32
    %c0_i32_1 = arith.constant 0 : i32
    return %c0_i32, %c0_i32_0 : i32, i32
  }
  func.func @transform_7(%arg0: i32) -> (i32, i32) {
    %c0_i32 = arith.constant 0 : i32
    %c0_i32_0 = arith.constant 0 : i32
    %c0_i32_1 = arith.constant 0 : i32
    return %c0_i32, %c0_i32_0 : i32, i32
  }
  func.func @transform_8(%arg0: i32) -> (i32, i32) {
    %c0_i32 = arith.constant 0 : i32
    %c0_i32_0 = arith.constant 0 : i32
    return %arg0, %c0_i32 : i32, i32
  }
  func.func @transform_9(%arg0: i32) -> (i32, i32) {
    %c0_i32 = arith.constant 0 : i32
    %c0_i32_0 = arith.constant 0 : i32
    return %arg0, %c0_i32 : i32, i32
  }
  func.func @transform_10(%arg0: i32) -> (i32, i32) {
    %c0_i32 = arith.constant 0 : i32
    %c0_i32_0 = arith.constant 0 : i32
    return %arg0, %c0_i32 : i32, i32
  }
}

module attributes {stable_mosaic.version = 14 : i64} {
  func.func @_t1_body(%arg0: i32, %arg1: memref<4096x64xf32, #tpu.memory_space<vmem>>, %arg2: memref<4096x64xf32, #tpu.memory_space<vmem>>, %arg3: memref<4096x4xf32, #tpu.memory_space<vmem>>, %arg4: memref<3x128xf32, #tpu.memory_space<vmem>>, %arg5: memref<1x128xf32, #tpu.memory_space<vmem>>, %arg6: memref<128x128xf32, #tpu.memory_space<vmem>>, %arg7: memref<4096x64xf32, #tpu.memory_space<vmem>>, %arg8: memref<4096x64xf32, #tpu.memory_space<vmem>>, %arg9: memref<4096x64xf32, #tpu.memory_space<vmem>>, %arg10: memref<4096x64xf32, #tpu.memory_space<vmem>>, %arg11: memref<8x128xf32, #tpu.memory_space<vmem>>) attributes {dimension_semantics = [#tpu.dimension_semantics<arbitrary>], iteration_bounds = array<i64: 81>, scalar_prefetch = 0 : i64, scratch_operands = 0 : i64, tpu.core_type = #tpu.core_type<tc>, window_params = [{transform_indices = @transform_0, window_bounds = array<i64: 4096, 64>}, {transform_indices = @transform_1, window_bounds = array<i64: 4096, 64>}, {transform_indices = @transform_2, window_bounds = array<i64: 4096, 4>}, {pipeline_mode = #tpu.pipeline_mode<synchronous>, transform_indices = @transform_3, window_bounds = array<i64: 3, 128>}, {pipeline_mode = #tpu.pipeline_mode<synchronous>, transform_indices = @transform_4, window_bounds = array<i64: 1, 128>}, {pipeline_mode = #tpu.pipeline_mode<synchronous>, transform_indices = @transform_5, window_bounds = array<i64: 128, 128>}, {transform_indices = @transform_6, window_bounds = array<i64: 4096, 64>}, {transform_indices = @transform_7, window_bounds = array<i64: 4096, 64>}, {transform_indices = @transform_8, window_bounds = array<i64: 4096, 64>}, {transform_indices = @transform_9, window_bounds = array<i64: 4096, 64>}, {pipeline_mode = #tpu.pipeline_mode<synchronous>, transform_indices = @transform_10, window_bounds = array<i64: 8, 128>}]} {
    %get3A = arith.constant 0 : index
    %get3A_0 = arith.constant 0 : index
    %get3A_1 = vector.load %arg4[%get3A, %get3A_0] : memref<3x128xf32, #tpu.memory_space<vmem>>, vector<3x128xf32>
    %get3A_2 = arith.constant 0 : index
    %get3A_3 = arith.constant 0 : index
    %get3A_4 = vector.load %arg3[%get3A_2, %get3A_3] : memref<4096x4xf32, #tpu.memory_space<vmem>>, vector<4096x1xf32>
    %slice3A = vector.extract_strided_slice %get3A_1 {offsets = [0, 0], sizes = [1, 128], strides = [1, 1]} : vector<3x128xf32> to vector<1x128xf32>
    %mul3A = vector.broadcast %get3A_4 : vector<4096x1xf32> to vector<4096x128xf32>
    %mul3A_5 = vector.broadcast %slice3A : vector<1x128xf32> to vector<4096x128xf32>
    %mul3A_6 = arith.mulf %mul3A, %mul3A_5 : vector<4096x128xf32>
    %get3A_7 = arith.constant 0 : index
    %get3A_8 = arith.constant 1 : index
    %get3A_9 = vector.load %arg3[%get3A_7, %get3A_8] : memref<4096x4xf32, #tpu.memory_space<vmem>>, vector<4096x1xf32>
    %slice3A_10 = vector.extract_strided_slice %get3A_1 {offsets = [1, 0], sizes = [1, 128], strides = [1, 1]} : vector<3x128xf32> to vector<1x128xf32>
    %mul3A_11 = vector.broadcast %get3A_9 : vector<4096x1xf32> to vector<4096x128xf32>
    %mul3A_12 = vector.broadcast %slice3A_10 : vector<1x128xf32> to vector<4096x128xf32>
    %mul3A_13 = arith.mulf %mul3A_11, %mul3A_12 : vector<4096x128xf32>
    %add3A = arith.addf %mul3A_6, %mul3A_13 : vector<4096x128xf32>
    %get3A_14 = arith.constant 0 : index
    %get3A_15 = arith.constant 2 : index
    %get3A_16 = vector.load %arg3[%get3A_14, %get3A_15] : memref<4096x4xf32, #tpu.memory_space<vmem>>, vector<4096x1xf32>
    %slice3A_17 = vector.extract_strided_slice %get3A_1 {offsets = [2, 0], sizes = [1, 128], strides = [1, 1]} : vector<3x128xf32> to vector<1x128xf32>
    %mul3A_18 = vector.broadcast %get3A_16 : vector<4096x1xf32> to vector<4096x128xf32>
    %mul3A_19 = vector.broadcast %slice3A_17 : vector<1x128xf32> to vector<4096x128xf32>
    %mul3A_20 = arith.mulf %mul3A_18, %mul3A_19 : vector<4096x128xf32>
    %add3A_21 = arith.addf %add3A, %mul3A_20 : vector<4096x128xf32>
    %get3A_22 = arith.constant 0 : index
    %get3A_23 = arith.constant 0 : index
    %get3A_24 = vector.load %arg5[%get3A_22, %get3A_23] : memref<1x128xf32, #tpu.memory_space<vmem>>, vector<1x128xf32>
    %add3A_25 = vector.broadcast %get3A_24 : vector<1x128xf32> to vector<4096x128xf32>
    %add3A_26 = arith.addf %add3A_21, %add3A_25 : vector<4096x128xf32>
    %max3A = arith.constant 0.000000e+00 : f32
    %max3A_27 = vector.broadcast %max3A : f32 to vector<4096x128xf32>
    %max3A_28 = arith.maximumf %add3A_26, %max3A_27 : vector<4096x128xf32>
    %get3A_29 = arith.constant 0 : index
    %get3A_30 = arith.constant 0 : index
    %get3A_31 = vector.load %arg1[%get3A_29, %get3A_30] : memref<4096x64xf32, #tpu.memory_space<vmem>>, vector<4096x64xf32>
    %get3A_32 = arith.constant 0 : index
    %get3A_33 = arith.constant 0 : index
    %get3A_34 = vector.load %arg2[%get3A_32, %get3A_33] : memref<4096x64xf32, #tpu.memory_space<vmem>>, vector<4096x64xf32>
    %concatenate3A = tpu.concatenate %get3A_31, %get3A_34 in 1 : vector<4096x64xf32>, vector<4096x64xf32> -> vector<4096x128xf32>
    %get3A_35 = arith.constant 0 : index
    %get3A_36 = arith.constant 0 : index
    %get3A_37 = vector.load %arg6[%get3A_35, %get3A_36] : memref<128x128xf32, #tpu.memory_space<vmem>>, vector<128x128xf32>
    %dot_general3A = arith.constant dense<0.000000e+00> : vector<4096x128xf32>
    %dot_general3A_38 = tpu.matmul %max3A_28, %get3A_37, %dot_general3A {dimension_numbers = #tpu.dot_dimension_numbers<[1], [0], [0], [1], [0, 0, 1, 1], [], []>, transpose_lhs_hint = false} : vector<4096x128xf32>, vector<128x128xf32>, vector<4096x128xf32> -> vector<4096x128xf32>
    %add3A_39 = arith.addf %concatenate3A, %dot_general3A_38 : vector<4096x128xf32>
    %slice3A_40 = vector.extract_strided_slice %add3A_39 {offsets = [0, 0], sizes = [4096, 64], strides = [1, 1]} : vector<4096x128xf32> to vector<4096x64xf32>
    %swap3A = arith.constant 0 : index
    %swap3A_41 = arith.constant 0 : index
    %swap3A_42 = vector.load %arg7[%swap3A, %swap3A_41] : memref<4096x64xf32, #tpu.memory_space<vmem>>, vector<4096x64xf32>
    tpu.vector_store %arg7[%swap3A, %swap3A_41], %slice3A_40 {strides = array<i32>} : memref<4096x64xf32, #tpu.memory_space<vmem>>, vector<4096x64xf32>,
    %slice3A_43 = vector.extract_strided_slice %add3A_39 {offsets = [0, 64], sizes = [4096, 64], strides = [1, 1]} : vector<4096x128xf32> to vector<4096x64xf32>
    %swap3A_44 = arith.constant 0 : index
    %swap3A_45 = arith.constant 0 : index
    %swap3A_46 = vector.load %arg8[%swap3A_44, %swap3A_45] : memref<4096x64xf32, #tpu.memory_space<vmem>>, vector<4096x64xf32>
    tpu.vector_store %arg8[%swap3A_44, %swap3A_45], %slice3A_43 {strides = array<i32>} : memref<4096x64xf32, #tpu.memory_space<vmem>>, vector<4096x64xf32>,
    %slice3A_47 = vector.extract_strided_slice %max3A_28 {offsets = [0, 0], sizes = [4096, 64], strides = [1, 1]} : vector<4096x128xf32> to vector<4096x64xf32>
    %swap3A_48 = arith.constant 0 : index
    %swap3A_49 = arith.constant 0 : index
    %swap3A_50 = vector.load %arg9[%swap3A_48, %swap3A_49] : memref<4096x64xf32, #tpu.memory_space<vmem>>, vector<4096x64xf32>
    tpu.vector_store %arg9[%swap3A_48, %swap3A_49], %slice3A_47 {strides = array<i32>} : memref<4096x64xf32, #tpu.memory_space<vmem>>, vector<4096x64xf32>,
    %slice3A_51 = vector.extract_strided_slice %max3A_28 {offsets = [0, 64], sizes = [4096, 64], strides = [1, 1]} : vector<4096x128xf32> to vector<4096x64xf32>
    %swap3A_52 = arith.constant 0 : index
    %swap3A_53 = arith.constant 0 : index
    %swap3A_54 = vector.load %arg10[%swap3A_52, %swap3A_53] : memref<4096x64xf32, #tpu.memory_space<vmem>>, vector<4096x64xf32>
    tpu.vector_store %arg10[%swap3A_52, %swap3A_53], %slice3A_51 {strides = array<i32>} : memref<4096x64xf32, #tpu.memory_space<vmem>>, vector<4096x64xf32>,
    %get3A_55 = arith.constant 0 : index
    %get3A_56 = arith.constant 3 : index
    %get3A_57 = vector.load %arg3[%get3A_55, %get3A_56] : memref<4096x4xf32, #tpu.memory_space<vmem>>, vector<4096x1xf32>
    %mul3A_58 = vector.broadcast %get3A_57 : vector<4096x1xf32> to vector<4096x128xf32>
    %mul3A_59 = arith.mulf %mul3A_58, %add3A_39 : vector<4096x128xf32>
    %reduce_sum3A = arith.constant dense<0.000000e+00> : vector<128xf32>
    %reduce_sum3A_60 = vector.multi_reduction <add>, %mul3A_59, %reduce_sum3A [0] : vector<4096x128xf32> to vector<128xf32>
    %broadcast_in_dim3A = vector.shape_cast %reduce_sum3A_60 : vector<128xf32> to vector<1x128xf32>
    %mul3A_61 = vector.broadcast %get3A_57 : vector<4096x1xf32> to vector<4096x128xf32>
    %mul3A_62 = arith.mulf %mul3A_61, %add3A_39 : vector<4096x128xf32>
    %mul3A_63 = arith.mulf %mul3A_62, %add3A_39 : vector<4096x128xf32>
    %reduce_sum3A_64 = arith.constant dense<0.000000e+00> : vector<128xf32>
    %reduce_sum3A_65 = vector.multi_reduction <add>, %mul3A_63, %reduce_sum3A_64 [0] : vector<4096x128xf32> to vector<128xf32>
    %broadcast_in_dim3A_66 = vector.shape_cast %reduce_sum3A_65 : vector<128xf32> to vector<1x128xf32>
    %gt3A = arith.constant 0.000000e+00 : f32
    %gt3A_67 = vector.broadcast %gt3A : f32 to vector<4096x1xf32>
    %gt3A_68 = arith.cmpf ogt, %get3A_57, %gt3A_67 : vector<4096x1xf32>
    %jit3A = arith.constant -3.000000e+38 : f32
    %broadcast_in_dim3A_69 = vector.shape_cast %gt3A_68 : vector<4096x1xi1> to vector<4096x1xi1>
    %broadcast_in_dim3A_70 = vector.broadcast %broadcast_in_dim3A_69 : vector<4096x1xi1> to vector<4096x128xi1>
    %broadcast_in_dim3A_71 = vector.broadcast %jit3A : f32 to vector<4096x128xf32>
    %select_n3A = arith.select %broadcast_in_dim3A_70, %add3A_39, %broadcast_in_dim3A_71 : vector<4096x128xi1>, vector<4096x128xf32>
    %reduce_max3A = arith.constant dense<0xFF800000> : vector<128xf32>
    %reduce_max3A_72 = vector.multi_reduction <maximumf>, %select_n3A, %reduce_max3A [0] : vector<4096x128xf32> to vector<128xf32>
    %broadcast_in_dim3A_73 = vector.shape_cast %reduce_max3A_72 : vector<128xf32> to vector<1x128xf32>
    %jit3A_74 = arith.constant 3.000000e+38 : f32
    %broadcast_in_dim3A_75 = vector.shape_cast %gt3A_68 : vector<4096x1xi1> to vector<4096x1xi1>
    %broadcast_in_dim3A_76 = vector.broadcast %broadcast_in_dim3A_75 : vector<4096x1xi1> to vector<4096x128xi1>
    %broadcast_in_dim3A_77 = vector.broadcast %jit3A_74 : f32 to vector<4096x128xf32>
    %select_n3A_78 = arith.select %broadcast_in_dim3A_76, %add3A_39, %broadcast_in_dim3A_77 : vector<4096x128xi1>, vector<4096x128xf32>
    %reduce_min3A = arith.constant dense<0x7F800000> : vector<128xf32>
    %reduce_min3A_79 = vector.multi_reduction <minimumf>, %select_n3A_78, %reduce_min3A [0] : vector<4096x128xf32> to vector<128xf32>
    %broadcast_in_dim3A_80 = vector.shape_cast %reduce_min3A_79 : vector<128xf32> to vector<1x128xf32>
    %eq3A = arith.constant 0 : i32
    %eq3A_81 = arith.cmpi eq, %arg0, %eq3A : i32
    %convert_element_type3A = arith.extui %eq3A_81 : i1 to i32
    %cond3A = arith.constant 0 : i32
    %cond3A_82 = arith.cmpi ne, %convert_element_type3A, %cond3A : i32
    scf.if %cond3A_82 {
      %broadcast_in_dim3A_98 = arith.constant 0.000000e+00 : f32
      %broadcast_in_dim3A_99 = vector.broadcast %broadcast_in_dim3A_98 : f32 to vector<2x128xf32>
      %broadcast_in_dim3A_100 = arith.constant -3.000000e+38 : f32
      %broadcast_in_dim3A_101 = vector.broadcast %broadcast_in_dim3A_100 : f32 to vector<1x128xf32>
      %broadcast_in_dim3A_102 = arith.constant 3.000000e+38 : f32
      %broadcast_in_dim3A_103 = vector.broadcast %broadcast_in_dim3A_102 : f32 to vector<1x128xf32>
      %broadcast_in_dim3A_104 = arith.constant 0.000000e+00 : f32
      %broadcast_in_dim3A_105 = vector.broadcast %broadcast_in_dim3A_104 : f32 to vector<4x128xf32>
      %concatenate3A_106 = tpu.concatenate %broadcast_in_dim3A_99, %broadcast_in_dim3A_101, %broadcast_in_dim3A_103, %broadcast_in_dim3A_105 in 0 : vector<2x128xf32>, vector<1x128xf32>, vector<1x128xf32>, vector<4x128xf32> -> vector<8x128xf32>
      %swap3A_107 = arith.constant 0 : index
      %swap3A_108 = arith.constant 0 : index
      %swap3A_109 = vector.load %arg11[%swap3A_107, %swap3A_108] : memref<8x128xf32, #tpu.memory_space<vmem>>, vector<8x128xf32>
      tpu.vector_store %arg11[%swap3A_107, %swap3A_108], %concatenate3A_106 {strides = array<i32>} : memref<8x128xf32, #tpu.memory_space<vmem>>, vector<8x128xf32>,
    } else {
    }
    %get3A_83 = arith.constant 0 : index
    %get3A_84 = arith.constant 0 : index
    %get3A_85 = vector.load %arg11[%get3A_83, %get3A_84] : memref<8x128xf32, #tpu.memory_space<vmem>>, vector<8x128xf32>
    %slice3A_86 = vector.extract_strided_slice %get3A_85 {offsets = [0, 0], sizes = [1, 128], strides = [1, 1]} : vector<8x128xf32> to vector<1x128xf32>
    %add3A_87 = arith.addf %slice3A_86, %broadcast_in_dim3A : vector<1x128xf32>
    %slice3A_88 = vector.extract_strided_slice %get3A_85 {offsets = [1, 0], sizes = [1, 128], strides = [1, 1]} : vector<8x128xf32> to vector<1x128xf32>
    %add3A_89 = arith.addf %slice3A_88, %broadcast_in_dim3A_66 : vector<1x128xf32>
    %slice3A_90 = vector.extract_strided_slice %get3A_85 {offsets = [2, 0], sizes = [1, 128], strides = [1, 1]} : vector<8x128xf32> to vector<1x128xf32>
    %max3A_91 = arith.maximumf %slice3A_90, %broadcast_in_dim3A_73 : vector<1x128xf32>
    %slice3A_92 = vector.extract_strided_slice %get3A_85 {offsets = [3, 0], sizes = [1, 128], strides = [1, 1]} : vector<8x128xf32> to vector<1x128xf32>
    %min3A = arith.minimumf %slice3A_92, %broadcast_in_dim3A_80 : vector<1x128xf32>
    %slice3A_93 = vector.extract_strided_slice %get3A_85 {offsets = [4, 0], sizes = [4, 128], strides = [1, 1]} : vector<8x128xf32> to vector<4x128xf32>
    %concatenate3A_94 = tpu.concatenate %add3A_87, %add3A_89, %max3A_91, %min3A, %slice3A_93 in 0 : vector<1x128xf32>, vector<1x128xf32>, vector<1x128xf32>, vector<1x128xf32>, vector<4x128xf32> -> vector<8x128xf32>
    %swap3A_95 = arith.constant 0 : index
    %swap3A_96 = arith.constant 0 : index
    %swap3A_97 = vector.load %arg11[%swap3A_95, %swap3A_96] : memref<8x128xf32, #tpu.memory_space<vmem>>, vector<8x128xf32>
    tpu.vector_store %arg11[%swap3A_95, %swap3A_96], %concatenate3A_94 {strides = array<i32>} : memref<8x128xf32, #tpu.memory_space<vmem>>, vector<8x128xf32>,
    return
  }
  func.func @transform_0(%arg0: i32) -> (i32, i32) {
    %c0_i32 = arith.constant 0 : i32
    %c0_i32_0 = arith.constant 0 : i32
    return %arg0, %c0_i32 : i32, i32
  }
  func.func @transform_1(%arg0: i32) -> (i32, i32) {
    %c0_i32 = arith.constant 0 : i32
    %c0_i32_0 = arith.constant 0 : i32
    return %arg0, %c0_i32 : i32, i32
  }
  func.func @transform_2(%arg0: i32) -> (i32, i32) {
    %c0_i32 = arith.constant 0 : i32
    %c0_i32_0 = arith.constant 0 : i32
    return %arg0, %c0_i32 : i32, i32
  }
  func.func @transform_3(%arg0: i32) -> (i32, i32) {
    %c0_i32 = arith.constant 0 : i32
    %c0_i32_0 = arith.constant 0 : i32
    %c0_i32_1 = arith.constant 0 : i32
    return %c0_i32, %c0_i32_0 : i32, i32
  }
  func.func @transform_4(%arg0: i32) -> (i32, i32) {
    %c0_i32 = arith.constant 0 : i32
    %c0_i32_0 = arith.constant 0 : i32
    %c0_i32_1 = arith.constant 0 : i32
    return %c0_i32, %c0_i32_0 : i32, i32
  }
  func.func @transform_5(%arg0: i32) -> (i32, i32) {
    %c0_i32 = arith.constant 0 : i32
    %c0_i32_0 = arith.constant 0 : i32
    %c0_i32_1 = arith.constant 0 : i32
    return %c0_i32, %c0_i32_0 : i32, i32
  }
  func.func @transform_6(%arg0: i32) -> (i32, i32) {
    %c0_i32 = arith.constant 0 : i32
    %c0_i32_0 = arith.constant 0 : i32
    return %arg0, %c0_i32 : i32, i32
  }
  func.func @transform_7(%arg0: i32) -> (i32, i32) {
    %c0_i32 = arith.constant 0 : i32
    %c0_i32_0 = arith.constant 0 : i32
    return %arg0, %c0_i32 : i32, i32
  }
  func.func @transform_8(%arg0: i32) -> (i32, i32) {
    %c0_i32 = arith.constant 0 : i32
    %c0_i32_0 = arith.constant 0 : i32
    return %arg0, %c0_i32 : i32, i32
  }
  func.func @transform_9(%arg0: i32) -> (i32, i32) {
    %c0_i32 = arith.constant 0 : i32
    %c0_i32_0 = arith.constant 0 : i32
    return %arg0, %c0_i32 : i32, i32
  }
  func.func @transform_10(%arg0: i32) -> (i32, i32) {
    %c0_i32 = arith.constant 0 : i32
    %c0_i32_0 = arith.constant 0 : i32
    %c0_i32_1 = arith.constant 0 : i32
    return %c0_i32, %c0_i32_0 : i32, i32
  }
}

module attributes {stable_mosaic.version = 14 : i64} {
  func.func @_t2_body(%arg0: i32, %arg1: memref<2000x128xf32, #tpu.memory_space<vmem>>, %arg2: memref<2000x128xf32, #tpu.memory_space<vmem>>, %arg3: memref<128x128xf32, #tpu.memory_space<vmem>>, %arg4: memref<1x128xf32, #tpu.memory_space<vmem>>, %arg5: memref<2000x128xf32, #tpu.memory_space<vmem>>) attributes {dimension_semantics = [#tpu.dimension_semantics<arbitrary>], iteration_bounds = array<i64: 5>, scalar_prefetch = 0 : i64, scratch_operands = 0 : i64, tpu.core_type = #tpu.core_type<tc>, window_params = [{transform_indices = @transform_0, window_bounds = array<i64: 2000, 128>}, {transform_indices = @transform_1, window_bounds = array<i64: 2000, 128>}, {pipeline_mode = #tpu.pipeline_mode<synchronous>, transform_indices = @transform_2, window_bounds = array<i64: 128, 128>}, {pipeline_mode = #tpu.pipeline_mode<synchronous>, transform_indices = @transform_3, window_bounds = array<i64: 1, 128>}, {transform_indices = @transform_4, window_bounds = array<i64: 2000, 128>}]} {
    %get3A = arith.constant 0 : index
    %get3A_0 = arith.constant 0 : index
    %get3A_1 = vector.load %arg1[%get3A, %get3A_0] : memref<2000x128xf32, #tpu.memory_space<vmem>>, vector<2000x128xf32>
    %get3A_2 = arith.constant 0 : index
    %get3A_3 = arith.constant 0 : index
    %get3A_4 = vector.load %arg2[%get3A_2, %get3A_3] : memref<2000x128xf32, #tpu.memory_space<vmem>>, vector<2000x128xf32>
    %add3A = arith.constant 1.000000e-16 : f32
    %add3A_5 = vector.broadcast %add3A : f32 to vector<2000x128xf32>
    %add3A_6 = arith.addf %get3A_4, %add3A_5 : vector<2000x128xf32>
    %div3A = arith.divf %get3A_1, %add3A_6 : vector<2000x128xf32>
    %get3A_7 = arith.constant 0 : index
    %get3A_8 = arith.constant 0 : index
    %get3A_9 = vector.load %arg3[%get3A_7, %get3A_8] : memref<128x128xf32, #tpu.memory_space<vmem>>, vector<128x128xf32>
    %dot_general3A = arith.constant dense<0.000000e+00> : vector<2000x128xf32>
    %dot_general3A_10 = tpu.matmul %div3A, %get3A_9, %dot_general3A {dimension_numbers = #tpu.dot_dimension_numbers<[1], [0], [0], [1], [0, 0, 1, 1], [], []>, transpose_lhs_hint = false} : vector<2000x128xf32>, vector<128x128xf32>, vector<2000x128xf32> -> vector<2000x128xf32>
    %get3A_11 = arith.constant 0 : index
    %get3A_12 = arith.constant 0 : index
    %get3A_13 = vector.load %arg4[%get3A_11, %get3A_12] : memref<1x128xf32, #tpu.memory_space<vmem>>, vector<1x128xf32>
    %add3A_14 = vector.broadcast %get3A_13 : vector<1x128xf32> to vector<2000x128xf32>
    %add3A_15 = arith.addf %dot_general3A_10, %add3A_14 : vector<2000x128xf32>
    %max3A = arith.constant 0.000000e+00 : f32
    %max3A_16 = vector.broadcast %max3A : f32 to vector<2000x128xf32>
    %max3A_17 = arith.maximumf %add3A_15, %max3A_16 : vector<2000x128xf32>
    %swap3A = arith.constant 0 : index
    %swap3A_18 = arith.constant 0 : index
    %swap3A_19 = vector.load %arg5[%swap3A, %swap3A_18] : memref<2000x128xf32, #tpu.memory_space<vmem>>, vector<2000x128xf32>
    tpu.vector_store %arg5[%swap3A, %swap3A_18], %max3A_17 {strides = array<i32>} : memref<2000x128xf32, #tpu.memory_space<vmem>>, vector<2000x128xf32>,
    return
  }
  func.func @transform_0(%arg0: i32) -> (i32, i32) {
    %c0_i32 = arith.constant 0 : i32
    %c0_i32_0 = arith.constant 0 : i32
    return %arg0, %c0_i32 : i32, i32
  }
  func.func @transform_1(%arg0: i32) -> (i32, i32) {
    %c0_i32 = arith.constant 0 : i32
    %c0_i32_0 = arith.constant 0 : i32
    return %arg0, %c0_i32 : i32, i32
  }
  func.func @transform_2(%arg0: i32) -> (i32, i32) {
    %c0_i32 = arith.constant 0 : i32
    %c0_i32_0 = arith.constant 0 : i32
    %c0_i32_1 = arith.constant 0 : i32
    return %c0_i32, %c0_i32_0 : i32, i32
  }
  func.func @transform_3(%arg0: i32) -> (i32, i32) {
    %c0_i32 = arith.constant 0 : i32
    %c0_i32_0 = arith.constant 0 : i32
    %c0_i32_1 = arith.constant 0 : i32
    return %c0_i32, %c0_i32_0 : i32, i32
  }
  func.func @transform_4(%arg0: i32) -> (i32, i32) {
    %c0_i32 = arith.constant 0 : i32
    %c0_i32_0 = arith.constant 0 : i32
    return %arg0, %c0_i32 : i32, i32
  }
}

</mosaic_0001>

<sc_bundles>
// kernel: kernel.10.cloned.1.call-start
scs
__scs_entry_jumppad:
0x0: {  	(pc) =	sbr.rel $0x88, $3  }
0x1: {  	(tag) =	ssettag $0x0;
	lr =	simm.s32 $0x1  }
0x2: {  	[smem:$0x3F90] =	sst lr;
	_ =	strace $0xD0000000  }
0x3: {  	_ = 	snop  }
0x4: {  	_ = 	snop  }
0x5: {  	_ = 	snop  }
0x6: {  	_ = 	snop  }
0x7: {  	_ = 	snop  }
__scs_overlays_trampoline_lowered:
0x8: {  	[smem:$0x3F9F] =	sst s0  }
0x9: {  	[smem:$0x3FA0] =	sst s1  }
0xa: {  	[smem:$0x3FA1] =	sst s2  }
0xb: {  	[smem:$0x3FA2] =	sst s3  }
0xc: {  	[smem:$0x3FA3] =	sst s4  }
0xd: {  	[smem:$0x3FA4] =	sst s5  }
0xe: {  	[smem:$0x3FA5] =	sst s6  }
0xf: {  	[smem:$0x3FA6] =	sst s7  }
0x10: {  	[smem:$0x3FA7] =	sst s8  }
0x11: {  	[smem:$0x3FA8] =	sst s9;
	s0 =	simm.s32 @!p0 $0x0  }
0x12: {  	s1 =	sld [smem:$0x3F8E];
	s0 =	simm.s32 @p0 $0x1  }
0x13: {  	[smem:$0x3FA9] =	sst s0;
	s0 =	simm.s32 @!p1 $0x0  }
0x14: {  	s2 =	sld [smem:$0x3F8D];
	s0 =	simm.s32 @p1 $0x1  }
0x15: {  	[smem:$0x3FAA] =	sst s0;
	s0 =	simm.s32 @!p2 $0x0  }
0x16: {  	s3 =	sld [smem:$0x3FDB];
	s0 =	simm.s32 @p2 $0x1  }
0x17: {  	s4 =	simm.s32 $0x1BF5;
	[smem:$0x3FAC] =	sst s0  }
0x18: {  	s0 =	sld [smem:$0x3F8F];
	_ =	swait.ge [sflag:s4], $0x0  }
0x19: {  	s7 =	sld [smem:$0x3F90]  }
0x1a: {  	s8 =	sadd.s32 $0xFFFFE003, lr  }
0x1b: {  	s9 =	sadd.s32 $0xFFFFFEF7, lr;
	s5 =	simm.s32 $0xFFFFFFFF;
	p2 =	slt.u32 s8, $0xFFFFF086  }
0x1c: {  	p1 =	slt.u32 s9, $0xF7A;
	s5 =	simm.s32 @!p2 $0x0  }
0x1d: {  	s5 =	simm.s32 @p1 $0x1;
	p0 =	seq.s32 s7, s2  }
0x1e: {  	s7 =	smul.u32 @!p0 $0xF7A, s2;
	p2 =	seq.s32 @!p0 s5, $0x0  }
0x1f: {  	s9 =	smul.u32 $0xF7A, s1;
	s8 =	simm.s32 @!p0 $0x1BF5;
	p2 =	por !p2, p0  }
0x20: {  	[sflag:s8] =	ssyncset.s32 @!p0 $0xFFFFF086;
	s6 =	sadd.s32 @!p0 s3, s7;
	s7 =	simm.s32 @!p0 $0x108  }
0x21: {  	s3 =	sadd.s32 s3, s9;
	s6 =	sadd.s32 @!p0 $0x88, s6;
	s7 =	simm.s32 @p2 $0x1082  }
0x22: {  	[simem:s7], [sflag:s8] =	dma.local @!p0 [hbm:s6], $0xF7A  }
0x23: {  	s9 =	sor.u32 $0xD0000000, s2;
	s6 =	simm.s32 $0x108;
	_ =	swait.ge @!p0 [sflag:s8], $0x0  }
0x24: {  	s3 =	sadd.s32 $0x88, s3;
	s6 =	simm.s32 @!p1 $0x1082;
	[sflag:s4] =	ssyncset.s32 $0xFFFFF086  }
0x25: {  	[simem:s6], [sflag:s4] =	dma.local [hbm:s3], $0xF7A  }
0x26: {  	[smem:$0x3F90] =	sst s1;
	(tag) =	ssettag s2;
	_ =	strace s9  }
0x27: {  	s1 =	sld [smem:$0x3FA0]  }
0x28: {  	s2 =	sld [smem:$0x3FA1]  }
0x29: {  	s4 =	sld [smem:$0x3FA3]  }
0x2a: {  	p0 =	seq.s32 s5, $0x0;
	s5 =	sld [smem:$0x3FA4]  }
0x2b: {  	s6 =	sld [smem:$0x3FA5]  }
0x2c: {  	s7 =	sld [smem:$0x3FA6]  }
0x2d: {  	s3 =	simm.s32 $0x108;
	s8 =	sld [smem:$0x3FA7]  }
0x2e: {  	s3 =	simm.s32 @!p0 $0x1082;
	s9 =	sld [smem:$0x3FA8]  }
0x2f: {  	lr =	sadd.s32 s0, s3;
	s0 =	sld [smem:$0x3F9F]  }
0x30: {  	s3 =	sld [smem:$0x3FA2]  }
0x31: {  	[smem:$0x3FAB] =	sst s10  }
0x32: {  	s10 =	sld [smem:$0x3FA9];
	_ =	sdelay $0x3  }
0x33: {  	p0 =	seq.s32 s10, $0x1;
	s10 =	sld [smem:$0x3FAB];
	_ =	sdelay $0x3  }
0x34: {  	[smem:$0x3FAB] =	sst s10  }
0x35: {  	s10 =	sld [smem:$0x3FAA];
	_ =	sdelay $0x3  }
0x36: {  	p1 =	seq.s32 s10, $0x1;
	s10 =	sld [smem:$0x3FAB];
	_ =	sdelay $0x3  }
0x37: {  	[smem:$0x3FAB] =	sst s10  }
0x38: {  	s10 =	sld [smem:$0x3FAC]  }
0x39: {  	_ = 	snop;
	(pc) =	sbr.ind lr, $3  }
0x3a: {  	_ = 	snop  }
0x3b: {  	_ = 	snop  }
0x3c: {  	p2 =	seq.s32 s10, $0x1;
	s10 =	sld [smem:$0x3FAB]  }
0x3d: {  	_ =	shalt  }
0x3e: {  	_ =	shalt  }
0x3f: {  	_ =	shalt  }
0x40: {  	_ =	shalt  }
0x41: {  	_ =	shalt  }
0x42: {  	_ =	shalt  }
0x43: {  	_ =	shalt  }
0x44: {  	_ =	shalt  }
0x45: {  	_ =	shalt  }
0x46: {  	_ =	shalt  }
0x47: {  	_ =	shalt  }
0x48: {  	_ =	shalt  }
0x49: {  	_ =	shalt  }
0x4a: {  	_ =	shalt  }
0x4b: {  	_ =	shalt  }
0x4c: {  	_ =	shalt  }
0x4d: {  	_ =	shalt  }
0x4e: {  	_ =	shalt  }
0x4f: {  	_ =	shalt  }
0x50: {  	_ =	shalt  }
0x51: {  	_ =	shalt  }
0x52: {  	_ =	shalt  }
0x53: {  	_ =	shalt  }
0x54: {  	_ =	shalt  }
0x55: {  	_ =	shalt  }
0x56: {  	_ =	shalt  }
0x57: {  	_ =	shalt  }
0x58: {  	_ =	shalt  }
0x59: {  	_ =	shalt  }
0x5a: {  	_ =	shalt  }
0x5b: {  	_ =	shalt  }
0x5c: {  	_ =	shalt  }
0x5d: {  	_ =	shalt  }
0x5e: {  	_ =	shalt  }
0x5f: {  	_ =	shalt  }
0x60: {  	_ =	shalt  }
0x61: {  	_ =	shalt  }
0x62: {  	_ =	shalt  }
0x63: {  	_ =	shalt  }
0x64: {  	_ =	shalt  }
0x65: {  	_ =	shalt  }
0x66: {  	_ =	shalt  }
0x67: {  	_ =	shalt  }
0x68: {  	_ =	shalt  }
0x69: {  	_ =	shalt  }
0x6a: {  	_ =	shalt  }
0x6b: {  	_ =	shalt  }
0x6c: {  	_ =	shalt  }
0x6d: {  	_ =	shalt  }
0x6e: {  	_ =	shalt  }
0x6f: {  	_ =	shalt  }
0x70: {  	_ =	shalt  }
0x71: {  	_ =	shalt  }
0x72: {  	_ =	shalt  }
0x73: {  	_ =	shalt  }
0x74: {  	_ =	shalt  }
0x75: {  	_ =	shalt  }
0x76: {  	_ =	shalt  }
0x77: {  	_ =	shalt  }
0x78: {  	_ =	shalt  }
0x79: {  	_ =	shalt  }
0x7a: {  	_ =	shalt  }
0x7b: {  	_ =	shalt  }
0x7c: {  	_ =	shalt  }
0x7d: {  	_ =	shalt  }
0x7e: {  	_ =	shalt  }
0x7f: {  	_ =	shalt  }
0x80: {  	_ =	shalt  }
0x81: {  	_ =	shalt  }
0x82: {  	_ =	shalt  }
0x83: {  	_ =	shalt  }
0x84: {  	_ =	shalt  }
0x85: {  	_ =	shalt  }
0x86: {  	_ =	shalt  }
0x87: {  	_ =	shalt  }
.Lfunc_end0:
.L_simem_size_0:
called_computation.1_lowered:
.L_overlay_start_0:
0x88: {  	s2 =	sld [smem:$0x3FD9]  }
0x89: {  	s3 =	sld [smem:$0x3FFE];
	_ =	sdelay $0x1  }
0x8a: {  	s1 =	srdreg.scid  }
0x8b: {  	s0 =	sand.u32 $0x1, s1  }
0x8c: {  	s17 =	sshll.u32 s0, $0xA;
	s2 =	sadd.s32 s3, s2  }
0x8d: {  	s2 =	sadd.s32 s2, s17  }
0x8e: {  	[smem:$0x3FB7] =	sst s2  }
0x8f: {  	_ = 	snop  }
0x90: {  	s2 =	sld [smem:$0x3FD0];
	(tm) =	ssettm $0x1  }
0x91: {  	s18 =	sld [smem:$0x3FFB];
	_ =	sdelay $0x3  }
0x92: {  	_ =	strace s18  }
0x93: {  	s3 =	sld [smem:$0x3FFC];
	_ =	sdelay $0x3  }
0x94: {  	_ =	strace s3  }
0x95: {  	s3 =	sld [smem:$0x3FFD];
	_ =	sdelay $0x3  }
0x96: {  	_ =	strace s3  }
0x97: {  	_ =	strace $0x8FFFFFFF  }
0x98: {  	s19 =	sld [smem:$0x3FDB];
	_ =	sdelay $0x1  }
0x99: {  	s4 =	simm.s32 $_scs_section_size  }
0x9a: {  	s5 =	simm.s32 $_size__tile_overlayer_lowered;
	s6 =	simm.s32 $_tile_overlayer_lowered  }
0x9b: {  	s22 =	simm.s32 $0x1BFF;
	s21 =	sshll.u32 s6, $0x1;
	s3 =	sadd.s32 s4, s19  }
0x9c: {  	s7 =	simm.s32 $0x0;
	s20 =	sshll.u32 s5, $0x1;
	s5 =	sadd.s32 s21, s3  }
0x9d: {  	[timem:s7], [sflag:s22] =	dma.local [hbm:s5], s20  }
0x9e: {  	_ =	swait.ge [sflag:s22], s20  }
0x9f: {  	s4 =	ssub.s32 $0x0, s20;
	[sflag:s22] =	ssyncset.done $0x0  }
0xa0: {  	[sflag:s22] =	ssyncadd.s32 s4;
	_ =	sdelay $0x1  }
0xa1: {  	s23 =	simm.s32 $0x1B8B  }
0xa2: {  	_ =	swait.ge [sflag:s23], $0x1  }
0xa3: {  	[sflag:s23] =	ssyncset.done $0x0  }
0xa4: {  	s25 =	simm.s32 $0x1B8E;
	s24 =	sld [smem:$0x3FFE];
	[sflag:s23] =	ssyncadd.s32 $0xFFFFFFFF  }
0xa5: {  	s26 =	simm.s32 $execute0_lowered;
	[smem:$0x3FD2] =	sst s25  }
0xa6: {  	s5 =	sshll.u32 s26, $0x1;
	_ =	strace $0x80000049;
	[dreg:$0x1] =	wrdreg $0xFFFFFFFF  }
0xa7: {  	s28 =	simm.s32 $_size_execute0_lowered;
	s3 =	sadd.s32 s3, s5;
	[dreg:$0x0] =	wrdreg $0x0  }
0xa8: {  	s5 =	sshll.u32 s28, $0x1;
	[dreg:$0x2] =	wrdreg s3  }
0xa9: {  	[dreg:$0x3] =	wrdreg s5  }
0xaa: {  	[dreg:$0x4] =	wrdreg $0xC0  }
0xab: {  	_ =	task [dreg:s7], $0x5FFFF  }
0xac: {  	[dreg:$0x1] =	wrdreg $0xFFFFFFFF  }
0xad: {  	[dreg:$0x0] =	wrdreg $0x60  }
0xae: {  	[dreg:$0x2] =	wrdreg s24  }
0xaf: {  	[dreg:$0x3] =	wrdreg s2  }
0xb0: {  	[dreg:$0x4] =	wrdreg $0xC2C00  }
0xb1: {  	[dreg:$0x5] =	wrdreg $0x9  }
0xb2: {  	_ =	task.clear_ibuf [dreg:s7], $0x6FFFF;
	_ =	strace $0x90000049  }
0xb3: {  	s29 =	simm.s32 $0x9;
	_ =	strace $0x8000004B  }
0xb4: {  	_ =	swait.ge [sflag:s29], $0x1  }
0xb5: {  	[sflag:s29] =	ssyncadd.s32 $0xFFFFFFFF  }
0xb6: {  	_ =	strace $0x9000004B  }
0xb7: {  	_ =	sfence  }
0xb8: {  	s30 =	sld [smem:$0x0];
	_ =	sdelay $0x2  }
0xb9: {  	s31 =	sshll.u32 s1, $0xD;
	s1 =	sshrl.u32 s1, $0x2  }
0xba: {  	s3 =	sand.u32 $0x4000, s31;
	s1 =	sadd.s32 s1, s30  }
0xbb: {  	s0 =	sor.u32 s3, s0;
	s1 =	sshll.u32 s1, $0x11  }
0xbc: {  	s0 =	sor.u32 s1, s0  }
0xbd: {  	s0 =	sadd.s32 $0x8F2B, s0  }
0xbe: {  	[sflag:s0] =	ssyncadd.remote.s32 $0x1  }
0xbf: {  	_ =	sfence.sel $0xFFFF  }
0xc0: {  	[dreg:$0x0] =	wrdreg $0xFFFFFFFF;
	(pc) =	sbr.abs _section_cstart, $3  }
0xc1: {  	[dreg:$0x1] =	wrdreg $0xFFFFFFFF  }
0xc2: {  	_ =	task.clear_ibuf [dreg:s7], $0x2FFFF;
	_ =	strace $0x9FFFFFFF  }
0xc3: {  	(tm) =	ssettm $0x7FFFFFFF  }
tec
execute0_lowered:
.L_overlay_start_1:
0x0: {  	(tag) =	ssettag $0x1  }
0x1: {  	s0 =	rddreg [dreg:$0x0]  }
0x2: {  	s3 =	rddreg [dreg:$0x1]  }
0x3: {  	s1 =	rddreg [dreg:$0x2];
	s2 =	simm.s32 $0x0  }
0x4: {  	s4 =	srdreg.scid;
	s17 =	stileid.u32;
	s23 =	simm.s32 $0xC000  }
0x5: {  	s28 =	simm.s32 $0xC100;
	s29 =	simm.s32 $0x2000;
	s30 =	simm.s32 $0xC080  }
0x6: {  	[smem:$0x7FF] =	sst s2;
	s11 =	sadd.s32 $0x2A9C00, s0;
	s12 =	smul.u32 $0x13900, s17  }
0x7: {  	s10 =	sand.u32 $0x1, s4;
	s13 =	sadd.s32 $0x5AA800, s0;
	s5 =	sadd.s32 $0x832800, s0  }
0x8: {  	s4 =	sadd.s32 $0x21C00, s0;
	s15 =	sadd.s32 $0x596E00, s0;
	s14 =	smul.u32 $0x4E400, s17  }
0x9: {  	s8 =	sadd.s32 $0x3600, s0;
	_ =	strace $0x8000004A;
	s6 =	smul.u32 $0x139000, s10  }
0xa: {  	s16 =	ssub.s32 $0x2, s10;
	s31 =	smul.u32 $0x18, s10;
	p0 =	seq.s32 s10, $0x0  }
0xb: {  	s14 =	sshrl.u32 s14, $0x2;
	s26 =	sshrl.u32 s16, $0x1;
	s22 =	sadd.s32 s12, s1  }
0xc: {  	s4 =	smov.u32 @p0 s11;
	s5 =	smov.u32 @p0 s13;
	s11 =	simm.s32 $0xC180  }
0xd: {  	s13 =	simm.s32 $0x0;
	s7 =	sadd.s32 s12, s6;
	s6 =	sadd.s32 $0x583400, s0  }
0xe: {  	s18 =	sadd.s32 s14, s1;
	s16 =	ssub.s32 s16, s26;
	s3 =	sadd.s32 s3, s31  }
0xf: {  	s12 =	simm.s32 $0x3;
	s9 =	sshrl.u32 s7, $0x3;
	[dreg:$0x6] =	wrdreg s3  }
0x10: {  	s7 =	sadd.s32 $0x17A00, s0;
	s19 =	sadd.s32 $0x10000, s18;
	[dreg:$0x4] =	wrdreg s18  }
0x11: {  	s24 =	smax.u32 s16, $0x1;
	s25 =	sadd.s32 $0x4000, s18;
	[dreg:$0x5] =	wrdreg s19  }
0x12: {  	s26 =	sadd.s32 $0x8000, s18;
	s31 =	sadd.s32 $0xC000, s18;
	[dreg:$0x9] =	wrdreg s24  }
0x13: {  	s6 =	smov.u32 @p0 s15;
	s3 =	simm.s32 $0x2;
	[dreg:$0xa] =	wrdreg s25  }
0x14: {  	s0 =	sadd.s32 s9, s0;
	s9 =	smul.u32 $0x5100, s17;
	[dreg:$0xb] =	wrdreg s26  }
0x15: {  	[dreg:$0xc] =	wrdreg s31;
	s24 =	simm.s32 $0x80;
	s26 =	simm.s32 $0x4000  }
0x16: {  	v0 =	vlaneseq.u32;
	s0 =	sadd.s32 $0x531C00, s0;
	s20 =	sshrl.u32 s9, $0x3;
	s14 =	sadd.s32 $0x100, s9  }
0x17: {  	v1 =	vimm.f32 $0.0e+00;
	v2 =	vor.u32 $0x10, v0;
	[dreg:$0x8] =	wrdreg s0;
	s0 =	sshrl.u32 s22, $0x3;
	s22 =	simm.s32 $0x4  }
0x18: {  	v3 =	vor.u32 $0x20, v0;
	v4 =	vor.u32 $0x30, v0;
	v5 =	vor.u32 $0x40, v0;
	s21 =	sadd.s32 s7, s20;
	s20 =	simm.s32 $0x8000;
	[dreg:$0xd] =	wrdreg s0  }
0x19: {  	v6 =	vor.u32 $0x50, v0;
	v7 =	vor.u32 $0x60, v0;
	v8 =	vor.u32 $0x70, v0;
	s0 =	simm.s32 $0x1;
	[dreg:$0x7] =	wrdreg s21;
	s21 =	simm.s32 $0x5  }
.LBB2_1:
0x1a: {  	[dreg:$0xe] =	wrdreg s13;
	s10 =	simm.s32 $0x0;
	s13 =	simm.s32 $0x200  }
.LBB2_2:
0x1b: {  	p0 =	sne.s32 s13, $0xFE00;
	[tilespmem:s10+$0x8070] =	vst v1  }
0x1c: {  	[tilespmem:s10+$0x8000] =	vst v1  }
0x1d: {  	[tilespmem:s10+$0x8010] =	vst v1  }
.Ltmp0:
0x1e: {  	[tilespmem:s10+$0x8020] =	vst v1;
	(pc) =	sbr.rel @p0 .LBB2_2-.Ltmp0, $4  }
0x1f: {  	[tilespmem:s10+$0x8030] =	vst v1  }
0x20: {  	[tilespmem:s10+$0x8040] =	vst v1  }
0x21: {  	[tilespmem:s10+$0x8050] =	vst v1  }
0x22: {  	[tilespmem:s10+$0x8060] =	vst v1;
	s10 =	sshra.s32 s13, $0x2;
	s13 =	sadd.s32 $0x200, s13  }
0x23: {  	[tilespmem:s10+$0x8070] =	vst v1  }
0x24: {  	[tilespmem:s10+$0x8000] =	vst v1  }
0x25: {  	[tilespmem:s10+$0x8010] =	vst v1  }
0x26: {  	[tilespmem:s10+$0x8020] =	vst v1  }
0x27: {  	[tilespmem:s10+$0x8030] =	vst v1  }
0x28: {  	[tilespmem:s10+$0x8040] =	vst v1  }
0x29: {  	[tilespmem:s10+$0x8050] =	vst v1  }
0x2a: {  	[tilespmem:s10+$0x8060] =	vst v1;
	s15 =	rddreg [dreg:$0x4]  }
0x2b: {  	[spmem:s15] =	stream.linear.scatter [tilespmem:s20], [sflag:$0x5], $0x4000, $0x38;
	[tilespmem:$0x1FBC0] =	vst v63  }
0x2c: {  	_ =	swait.ge [sflag:s21], $0x4000  }
0x2d: {  	[sflag:s21] =	ssyncset.done $0x0  }
0x2e: {  	s16 =	rddreg [dreg:$0xa];
	[sflag:s21] =	ssyncadd.s32 $0xFFFFC000  }
0x2f: {  	[spmem:s16] =	stream.linear.scatter [tilespmem:s20], [sflag:$0x5], $0x4000, $0x38;
	[tilespmem:$0x1FBC0] =	vst v63  }
0x30: {  	_ =	swait.ge [sflag:s21], $0x4000  }
0x31: {  	[sflag:s21] =	ssyncset.done $0x0  }
0x32: {  	s17 =	rddreg [dreg:$0xb];
	[sflag:s21] =	ssyncadd.s32 $0xFFFFC000  }
0x33: {  	[spmem:s17] =	stream.linear.scatter [tilespmem:s20], [sflag:$0x5], $0x4000, $0x38;
	[tilespmem:$0x1FBC0] =	vst v63  }
0x34: {  	_ =	swait.ge [sflag:s21], $0x4000  }
0x35: {  	[sflag:s21] =	ssyncset.done $0x0  }
0x36: {  	s18 =	rddreg [dreg:$0xc];
	[sflag:s21] =	ssyncadd.s32 $0xFFFFC000  }
0x37: {  	[spmem:s18] =	stream.linear.scatter [tilespmem:s20], [sflag:$0x5], $0x4000, $0x38;
	[tilespmem:$0x1FBC0] =	vst v63  }
0x38: {  	_ =	swait.ge [sflag:s21], $0x4000  }
0x39: {  	[sflag:s21] =	ssyncset.done $0x0  }
0x3a: {  	s19 =	rddreg [dreg:$0x5];
	[sflag:s21] =	ssyncadd.s32 $0xFFFFC000  }
0x3b: {  	[spmem:s19] =	stream.linear.scatter [tilespmem:s20], [sflag:$0x5], $0x3900, $0x38;
	[tilespmem:$0x1FBC0] =	vst v63  }
0x3c: {  	_ =	swait.ge [sflag:s21], $0x3900  }
0x3d: {  	s13 =	simm.s32 $0xC200;
	[sflag:s21] =	ssyncset.done $0x0  }
0x3e: {  	s15 =	simm.s32 $0x0;
	s25 =	rddreg [dreg:$0x6];
	[sflag:s21] =	ssyncadd.s32 $0xFFFFC700  }
0x3f: {  	[tilespmem:s13], [sflag:$0x5] =	stream.linear.gather [hbm4b:s25+s15], $0xC0, $0x38;
	[tilespmem:$0x1FBC0] =	vst v63  }
0x40: {  	_ =	swait.ge [sflag:s21], $0xC0  }
0x41: {  	[sflag:s21] =	ssyncset.done $0x0  }
0x42: {  	[sflag:s21] =	ssyncadd.s32 $0xFFFFFF40  }
0x43: {  	[bflag:$0x0] =	sbarrier.arrive $0xFFFF  }
0x44: {  	v9 =	vld [tilespmem:$0xC200]  }
0x45: {  	v10 =	vld [tilespmem:$0xC210]  }
0x46: {  	v11 =	vld [tilespmem:$0xC220]  }
0x47: {  	v12 =	vld [tilespmem:$0xC230]  }
0x48: {  	v13 =	vld [tilespmem:$0xC240]  }
0x49: {  	v14 =	vld [tilespmem:$0xC250]  }
0x4a: {  	v15 =	vld [tilespmem:$0xC260]  }
0x4b: {  	v16 =	vld [tilespmem:$0xC270]  }
0x4c: {  	v17 =	vld [tilespmem:$0xC280]  }
0x4d: {  	v18 =	vld [tilespmem:$0xC290]  }
0x4e: {  	v19 =	vld [tilespmem:$0xC2A0];
	s31 =	rddreg [dreg:$0x7]  }
0x4f: {  	v20 =	vld [tilespmem:$0xC2B0];
	[tilespmem:s23], [sflag:$0x5] =	stream.linear.gather [hbm4b:s31+s15], $0x80, $0x38  }
0x50: {  	_ =	swait.ge [sflag:s21], $0x80  }
0x51: {  	[sflag:s21] =	ssyncset.done $0x0  }
0x52: {  	[sflag:s21] =	ssyncadd.s32 $0xFFFFFF80  }
0x53: {  	[tilespmem:s26], [sflag:$0x2] =	stream.indirect.gather [hbm4b:s6+s24], $0x40, s23, s24, $0xb8;
	[tilespmem:$0x1FBC0] =	vst v63  }
0x54: {  	[tilespmem:$0xC100] =	vst v0  }
0x55: {  	[tilespmem:$0xC110] =	vst v2  }
0x56: {  	[tilespmem:$0xC120] =	vst v3  }
0x57: {  	[tilespmem:$0xC130] =	vst v4  }
0x58: {  	[tilespmem:$0xC140] =	vst v5  }
0x59: {  	[tilespmem:$0xC150] =	vst v6  }
0x5a: {  	[tilespmem:$0xC160] =	vst v7  }
0x5b: {  	[tilespmem:$0xC170] =	vst v8  }
0x5c: {  	[spmem:s1] =	stream.indirect.scatter.add.f32 [tilespmem:s20], [sflag:$0x4], $0x80, s28, s24, $0xb8;
	[tilespmem:$0x1FBC0] =	vst v63  }
.LBB2_4:
0x5d: {  	s16 =	sshll.u32 s15, $0x8  }
0x5e: {  	s10 =	sadd.s32 s9, s16  }
0x5f: {  	s13 =	sshrl.u32 s10, $0x3  }
0x60: {  	s18 =	sshll.u32 s10, $0x3;
	s13 =	sadd.s32 s8, s13  }
0x61: {  	[tilespmem:s28], [sflag:$0x1] =	stream.linear.gather [hbm4b:s13+s2], $0x80, $0x38;
	[tilespmem:$0x1FBC0] =	vst v63  }
0x62: {  	s17 =	sadd.s32 s4, s18  }
0x63: {  	[tilespmem:s2], [sflag:$0x1] =	stream.linear.gather [hbm4b:s17+s2], $0x2000, $0x38;
	[tilespmem:$0x1FBC0] =	vst v63  }
0x64: {  	s17 =	sadd.s32 $0x80, s10  }
0x65: {  	s13 =	sadd.s32 s5, s18;
	s18 =	sshrl.u32 s17, $0x3  }
0x66: {  	[tilespmem:s29], [sflag:$0x1] =	stream.linear.gather [hbm4b:s13+s2], $0x2000, $0x38;
	[tilespmem:$0x1FBC0] =	vst v63  }
0x67: {  	s19 =	sadd.s32 s7, s18  }
0x68: {  	[tilespmem:s30], [sflag:$0x5] =	stream.linear.gather [hbm4b:s19+s2], $0x80, $0x38;
	[tilespmem:$0x1FBC0] =	vst v63  }
0x69: {  	_ =	swait.ge [sflag:s21], $0x80  }
0x6a: {  	[sflag:s21] =	ssyncset.done $0x0  }
0x6b: {  	s25 =	simm.s32 $0x6000;
	[sflag:s21] =	ssyncadd.s32 $0xFFFFFF80  }
0x6c: {  	[tilespmem:s25], [sflag:$0x3] =	stream.indirect.gather [hbm4b:s6+s24], $0x40, s30, s24, $0xb8;
	[tilespmem:$0x1FBC0] =	vst v63  }
0x6d: {  	_ =	swait.ge [sflag:s0], $0x80  }
0x6e: {  	[sflag:s0] =	ssyncset.done $0x0  }
0x6f: {  	[sflag:s0] =	ssyncadd.s32 $0xFFFFFF80  }
0x70: {  	_ =	swait.ge [sflag:s0], $0x2000  }
0x71: {  	[sflag:s0] =	ssyncset.done $0x0  }
0x72: {  	[sflag:s0] =	ssyncadd.s32 $0xFFFFE000  }
0x73: {  	_ =	swait.ge [sflag:s0], $0x2000  }
0x74: {  	[sflag:s0] =	ssyncset.done $0x0  }
0x75: {  	[sflag:s0] =	ssyncadd.s32 $0xFFFFE000  }
0x76: {  	_ =	swait.ge [sflag:s22], $0x4000  }
0x77: {  	[sflag:s22] =	ssyncset.done $0x0  }
0x78: {  	[sflag:s22] =	ssyncadd.s32 $0xFFFFC000  }
0x79: {  	s31 =	simm.s32 $0x8080;
	_ =	swait.ge [sflag:s3], $0x2000  }
0x7a: {  	s10 =	simm.s32 $0x4040;
	s13 =	simm.s32 $0x40;
	[sflag:s3] =	ssyncset.done $0x0  }
0x7b: {  	s19 =	simm.s32 $0xFFFFFFFE;
	s25 =	simm.s32 $0x2040;
	[sflag:s3] =	ssyncadd.s32 $0xFFFFE000  }
.LBB2_5:
0x7c: {  	v21 =	vld [tilespmem:s13+$0xFFFFFFC0];
	_ =	sdelay $0x4  }
0x7d: {  	v21 =	vmul.f32 v21, v9;
	_ =	sdelay $0x1  }
0x7e: {  	v21 =	vadd.f32 v21, v13;
	_ =	sdelay $0x1  }
0x7f: {  	v21 =	vmax.f32 v21, $0.0e+00  }
0x80: {  	v21 =	vsub.f32 v21, v17;
	_ =	sdelay $0x1  }
0x81: {  	v21 =	vmul.f32 $1.442695020e+00, v21;
	_ =	sdelay $0x1  }
0x82: {  	(erf) = vpow2.f32 v21;
	_ =	sdelay $0x8  }
0x83: {  	v21 =	vpop (erf)  }
0x84: {  	[tilespmem:s31+$0xFFFFFFC0] =	vst v21  }
0x85: {  	v22 =	vld [tilespmem:s10+$0xFFFFFFC0]  }
0x86: {  	v23 =	vld [tilespmem:s25+$0xFFFFFFC0];
	_ =	sdelay $0x4  }
0x87: {  	v22 =	vadd.f32 v23, v22;
	_ =	sdelay $0x1  }
0x88: {  	v21 =	vmul.f32 v21, v22;
	_ =	sdelay $0x1  }
0x89: {  	[tilespmem:s31+$0xFFFFFF80] =	vst v21  }
0x8a: {  	v21 =	vld [tilespmem:s13+$0xFFFFFFD0];
	_ =	sdelay $0x4  }
0x8b: {  	v21 =	vmul.f32 v21, v10;
	_ =	sdelay $0x1  }
0x8c: {  	v21 =	vadd.f32 v21, v14;
	_ =	sdelay $0x1  }
0x8d: {  	v21 =	vmax.f32 v21, $0.0e+00  }
0x8e: {  	v21 =	vsub.f32 v21, v18;
	_ =	sdelay $0x1  }
0x8f: {  	v21 =	vmul.f32 $1.442695020e+00, v21;
	_ =	sdelay $0x1  }
0x90: {  	(erf) = vpow2.f32 v21;
	_ =	sdelay $0x8  }
0x91: {  	v21 =	vpop (erf)  }
0x92: {  	[tilespmem:s31+$0xFFFFFFD0] =	vst v21  }
0x93: {  	v22 =	vld [tilespmem:s10+$0xFFFFFFD0]  }
0x94: {  	v23 =	vld [tilespmem:s25+$0xFFFFFFD0];
	_ =	sdelay $0x4  }
0x95: {  	v22 =	vadd.f32 v23, v22;
	_ =	sdelay $0x1  }
0x96: {  	v21 =	vmul.f32 v21, v22;
	_ =	sdelay $0x1  }
0x97: {  	[tilespmem:s31+$0xFFFFFF90] =	vst v21  }
0x98: {  	v21 =	vld [tilespmem:s13+$0xFFFFFFE0];
	_ =	sdelay $0x4  }
0x99: {  	v21 =	vmul.f32 v21, v11;
	_ =	sdelay $0x1  }
0x9a: {  	v21 =	vadd.f32 v21, v15;
	_ =	sdelay $0x1  }
0x9b: {  	v21 =	vmax.f32 v21, $0.0e+00  }
0x9c: {  	v21 =	vsub.f32 v21, v19;
	_ =	sdelay $0x1  }
0x9d: {  	v21 =	vmul.f32 $1.442695020e+00, v21;
	_ =	sdelay $0x1  }
0x9e: {  	(erf) = vpow2.f32 v21;
	_ =	sdelay $0x8  }
0x9f: {  	v21 =	vpop (erf)  }
0xa0: {  	[tilespmem:s31+$0xFFFFFFE0] =	vst v21  }
0xa1: {  	v22 =	vld [tilespmem:s10+$0xFFFFFFE0]  }
0xa2: {  	v23 =	vld [tilespmem:s25+$0xFFFFFFE0];
	_ =	sdelay $0x4  }
0xa3: {  	v22 =	vadd.f32 v23, v22;
	_ =	sdelay $0x1  }
0xa4: {  	v21 =	vmul.f32 v21, v22;
	_ =	sdelay $0x1  }
0xa5: {  	[tilespmem:s31+$0xFFFFFFA0] =	vst v21  }
0xa6: {  	v21 =	vld [tilespmem:s13+$0xFFFFFFF0];
	_ =	sdelay $0x4  }
0xa7: {  	v21 =	vmul.f32 v21, v12;
	_ =	sdelay $0x1  }
0xa8: {  	v21 =	vadd.f32 v21, v16;
	_ =	sdelay $0x1  }
0xa9: {  	v21 =	vmax.f32 v21, $0.0e+00  }
0xaa: {  	v21 =	vsub.f32 v21, v20;
	_ =	sdelay $0x1  }
0xab: {  	v21 =	vmul.f32 $1.442695020e+00, v21;
	_ =	sdelay $0x1  }
0xac: {  	(erf) = vpow2.f32 v21;
	_ =	sdelay $0x8  }
0xad: {  	v21 =	vpop (erf)  }
0xae: {  	[tilespmem:s31+$0xFFFFFFF0] =	vst v21  }
0xaf: {  	v22 =	vld [tilespmem:s10+$0xFFFFFFF0]  }
0xb0: {  	v23 =	vld [tilespmem:s25+$0xFFFFFFF0];
	_ =	sdelay $0x4  }
0xb1: {  	v22 =	vadd.f32 v23, v22;
	_ =	sdelay $0x1  }
0xb2: {  	v21 =	vmul.f32 v21, v22;
	_ =	sdelay $0x1  }
0xb3: {  	[tilespmem:s31+$0xFFFFFFB0] =	vst v21  }
0xb4: {  	v21 =	vld [tilespmem:s13+$0x0];
	_ =	sdelay $0x4  }
0xb5: {  	v21 =	vmul.f32 v21, v9;
	_ =	sdelay $0x1  }
0xb6: {  	v21 =	vadd.f32 v21, v13;
	_ =	sdelay $0x1  }
0xb7: {  	v21 =	vmax.f32 v21, $0.0e+00  }
0xb8: {  	v21 =	vsub.f32 v21, v17;
	_ =	sdelay $0x1  }
0xb9: {  	v21 =	vmul.f32 $1.442695020e+00, v21;
	_ =	sdelay $0x1  }
0xba: {  	(erf) = vpow2.f32 v21;
	_ =	sdelay $0x8  }
0xbb: {  	v21 =	vpop (erf)  }
0xbc: {  	[tilespmem:s31+$0x40] =	vst v21  }
0xbd: {  	v22 =	vld [tilespmem:s10+$0x0]  }
0xbe: {  	v23 =	vld [tilespmem:s25+$0x0];
	_ =	sdelay $0x4  }
0xbf: {  	v22 =	vadd.f32 v23, v22;
	_ =	sdelay $0x1  }
0xc0: {  	v21 =	vmul.f32 v21, v22;
	_ =	sdelay $0x1  }
0xc1: {  	[tilespmem:s31+$0x0] =	vst v21  }
0xc2: {  	v21 =	vld [tilespmem:s13+$0x10];
	_ =	sdelay $0x4  }
0xc3: {  	v21 =	vmul.f32 v21, v10;
	_ =	sdelay $0x1  }
0xc4: {  	v21 =	vadd.f32 v21, v14;
	_ =	sdelay $0x1  }
0xc5: {  	v21 =	vmax.f32 v21, $0.0e+00  }
0xc6: {  	v21 =	vsub.f32 v21, v18;
	_ =	sdelay $0x1  }
0xc7: {  	v21 =	vmul.f32 $1.442695020e+00, v21;
	_ =	sdelay $0x1  }
0xc8: {  	(erf) = vpow2.f32 v21;
	_ =	sdelay $0x8  }
0xc9: {  	v21 =	vpop (erf)  }
0xca: {  	[tilespmem:s31+$0x50] =	vst v21  }
0xcb: {  	v22 =	vld [tilespmem:s10+$0x10]  }
0xcc: {  	v23 =	vld [tilespmem:s25+$0x10];
	_ =	sdelay $0x4  }
0xcd: {  	v22 =	vadd.f32 v23, v22;
	_ =	sdelay $0x1  }
0xce: {  	v21 =	vmul.f32 v21, v22;
	_ =	sdelay $0x1  }
0xcf: {  	[tilespmem:s31+$0x10] =	vst v21  }
0xd0: {  	v21 =	vld [tilespmem:s13+$0x20];
	_ =	sdelay $0x4  }
0xd1: {  	v21 =	vmul.f32 v21, v11;
	_ =	sdelay $0x1  }
0xd2: {  	v21 =	vadd.f32 v21, v15;
	_ =	sdelay $0x1  }
0xd3: {  	v21 =	vmax.f32 v21, $0.0e+00  }
0xd4: {  	v21 =	vsub.f32 v21, v19;
	_ =	sdelay $0x1  }
0xd5: {  	v21 =	vmul.f32 $1.442695020e+00, v21;
	_ =	sdelay $0x1  }
0xd6: {  	(erf) = vpow2.f32 v21;
	_ =	sdelay $0x8  }
0xd7: {  	v21 =	vpop (erf)  }
0xd8: {  	[tilespmem:s31+$0x60] =	vst v21  }
0xd9: {  	v22 =	vld [tilespmem:s10+$0x20]  }
0xda: {  	v23 =	vld [tilespmem:s25+$0x20];
	_ =	sdelay $0x4  }
0xdb: {  	v22 =	vadd.f32 v23, v22;
	_ =	sdelay $0x1  }
0xdc: {  	v21 =	vmul.f32 v21, v22;
	_ =	sdelay $0x1  }
0xdd: {  	[tilespmem:s31+$0x20] =	vst v21  }
0xde: {  	v21 =	vld [tilespmem:s13+$0x30];
	_ =	sdelay $0x4  }
0xdf: {  	v21 =	vmul.f32 v21, v12;
	_ =	sdelay $0x1  }
0xe0: {  	v21 =	vadd.f32 v21, v16;
	_ =	sdelay $0x1  }
0xe1: {  	v21 =	vmax.f32 v21, $0.0e+00  }
0xe2: {  	v21 =	vsub.f32 v21, v20;
	_ =	sdelay $0x1  }
0xe3: {  	v21 =	vmul.f32 $1.442695020e+00, v21;
	_ =	sdelay $0x1  }
0xe4: {  	(erf) = vpow2.f32 v21;
	_ =	sdelay $0x8  }
0xe5: {  	v21 =	vpop (erf)  }
0xe6: {  	[tilespmem:s31+$0x70] =	vst v21  }
0xe7: {  	v22 =	vld [tilespmem:s10+$0x30]  }
0xe8: {  	v23 =	vld [tilespmem:s25+$0x30];
	_ =	sdelay $0x2  }
0xe9: {  	s19 =	sadd.s32 $0x2, s19  }
0xea: {  	p0 =	slt.u32 s19, $0x7E  }
.Ltmp1:
0xeb: {  	v22 =	vadd.f32 v23, v22;
	(pc) =	sbr.rel @p0 .LBB2_5-.Ltmp1, $4  }
0xec: {  	_ = 	snop  }
0xed: {  	v21 =	vmul.f32 v21, v22  }
0xee: {  	s13 =	sadd.s32 $0x80, s13  }
0xef: {  	s25 =	sadd.s32 $0x80, s25;
	s10 =	sadd.s32 $0x80, s10;
	[tilespmem:s31+$0x30] =	vst v21;
	s31 =	sadd.s32 $0x100, s31  }
0xf0: {  	[spmem:s1] =	stream.indirect.scatter.add.f32 [tilespmem:s20], [sflag:$0x4], $0x80, s28, s24, $0xb8;
	[tilespmem:$0x1FBC0] =	vst v63  }
0xf1: {  	s10 =	sadd.s32 s8, s18;
	s25 =	sshll.u32 s17, $0x3  }
0xf2: {  	[tilespmem:s11], [sflag:$0x1] =	stream.linear.gather [hbm4b:s10+s2], $0x80, $0x38;
	[tilespmem:$0x1FBC0] =	vst v63  }
0xf3: {  	s13 =	sadd.s32 s4, s25  }
0xf4: {  	[tilespmem:s2], [sflag:$0x1] =	stream.linear.gather [hbm4b:s13+s2], $0x2000, $0x38;
	[tilespmem:$0x1FBC0] =	vst v63  }
0xf5: {  	s31 =	smin.u32 s16, $0x4F80;
	s10 =	sadd.s32 s5, s25  }
0xf6: {  	[tilespmem:s29], [sflag:$0x1] =	stream.linear.gather [hbm4b:s10+s2], $0x2000, $0x38;
	[tilespmem:$0x1FBC0] =	vst v63  }
0xf7: {  	s10 =	sadd.s32 s31, s14  }
0xf8: {  	s10 =	sshrl.u32 s10, $0x3  }
0xf9: {  	s10 =	sadd.s32 s7, s10  }
0xfa: {  	[tilespmem:s23], [sflag:$0x5] =	stream.linear.gather [hbm4b:s10+s2], $0x80, $0x38;
	[tilespmem:$0x1FBC0] =	vst v63  }
0xfb: {  	_ =	swait.ge [sflag:s21], $0x80  }
0xfc: {  	[sflag:s21] =	ssyncset.done $0x0  }
0xfd: {  	[sflag:s21] =	ssyncadd.s32 $0xFFFFFF80  }
0xfe: {  	[tilespmem:s26], [sflag:$0x2] =	stream.indirect.gather [hbm4b:s6+s24], $0x40, s23, s24, $0xb8;
	[tilespmem:$0x1FBC0] =	vst v63  }
0xff: {  	_ =	swait.ge [sflag:s0], $0x80  }
0x100: {  	[sflag:s0] =	ssyncset.done $0x0  }
0x101: {  	[sflag:s0] =	ssyncadd.s32 $0xFFFFFF80  }
0x102: {  	_ =	swait.ge [sflag:s0], $0x2000  }
0x103: {  	[sflag:s0] =	ssyncset.done $0x0  }
0x104: {  	[sflag:s0] =	ssyncadd.s32 $0xFFFFE000  }
0x105: {  	_ =	swait.ge [sflag:s0], $0x2000  }
0x106: {  	[sflag:s0] =	ssyncset.done $0x0  }
0x107: {  	[sflag:s0] =	ssyncadd.s32 $0xFFFFE000  }
0x108: {  	_ =	swait.ge [sflag:s22], $0x4000  }
0x109: {  	[sflag:s22] =	ssyncset.done $0x0  }
0x10a: {  	[sflag:s22] =	ssyncadd.s32 $0xFFFFC000  }
0x10b: {  	s16 =	simm.s32 $0xFFFFFFFE;
	_ =	swait.ge [sflag:s12], $0x2000  }
0x10c: {  	s17 =	simm.s32 $0x2040;
	s18 =	simm.s32 $0x8080;
	[sflag:s12] =	ssyncset.done $0x0  }
0x10d: {  	s13 =	simm.s32 $0x40;
	s10 =	simm.s32 $0x6040;
	[sflag:s12] =	ssyncadd.s32 $0xFFFFE000  }
.LBB2_7:
0x10e: {  	v21 =	vld [tilespmem:s13+$0xFFFFFFC0];
	_ =	sdelay $0x4  }
0x10f: {  	v21 =	vmul.f32 v21, v9;
	_ =	sdelay $0x1  }
0x110: {  	v21 =	vadd.f32 v21, v13;
	_ =	sdelay $0x1  }
0x111: {  	v21 =	vmax.f32 v21, $0.0e+00  }
0x112: {  	v21 =	vsub.f32 v21, v17;
	_ =	sdelay $0x1  }
0x113: {  	v21 =	vmul.f32 $1.442695020e+00, v21;
	_ =	sdelay $0x1  }
0x114: {  	(erf) = vpow2.f32 v21;
	_ =	sdelay $0x8  }
0x115: {  	v21 =	vpop (erf)  }
0x116: {  	[tilespmem:s18+$0xFFFFFFC0] =	vst v21  }
0x117: {  	v22 =	vld [tilespmem:s10+$0xFFFFFFC0]  }
0x118: {  	v23 =	vld [tilespmem:s17+$0xFFFFFFC0];
	_ =	sdelay $0x4  }
0x119: {  	v22 =	vadd.f32 v23, v22;
	_ =	sdelay $0x1  }
0x11a: {  	v21 =	vmul.f32 v21, v22;
	_ =	sdelay $0x1  }
0x11b: {  	[tilespmem:s18+$0xFFFFFF80] =	vst v21  }
0x11c: {  	v21 =	vld [tilespmem:s13+$0xFFFFFFD0];
	_ =	sdelay $0x4  }
0x11d: {  	v21 =	vmul.f32 v21, v10;
	_ =	sdelay $0x1  }
0x11e: {  	v21 =	vadd.f32 v21, v14;
	_ =	sdelay $0x1  }
0x11f: {  	v21 =	vmax.f32 v21, $0.0e+00  }
0x120: {  	v21 =	vsub.f32 v21, v18;
	_ =	sdelay $0x1  }
0x121: {  	v21 =	vmul.f32 $1.442695020e+00, v21;
	_ =	sdelay $0x1  }
0x122: {  	(erf) = vpow2.f32 v21;
	_ =	sdelay $0x8  }
0x123: {  	v21 =	vpop (erf)  }
0x124: {  	[tilespmem:s18+$0xFFFFFFD0] =	vst v21  }
0x125: {  	v22 =	vld [tilespmem:s10+$0xFFFFFFD0]  }
0x126: {  	v23 =	vld [tilespmem:s17+$0xFFFFFFD0];
	_ =	sdelay $0x4  }
0x127: {  	v22 =	vadd.f32 v23, v22;
	_ =	sdelay $0x1  }
0x128: {  	v21 =	vmul.f32 v21, v22;
	_ =	sdelay $0x1  }
0x129: {  	[tilespmem:s18+$0xFFFFFF90] =	vst v21  }
0x12a: {  	v21 =	vld [tilespmem:s13+$0xFFFFFFE0];
	_ =	sdelay $0x4  }
0x12b: {  	v21 =	vmul.f32 v21, v11;
	_ =	sdelay $0x1  }
0x12c: {  	v21 =	vadd.f32 v21, v15;
	_ =	sdelay $0x1  }
0x12d: {  	v21 =	vmax.f32 v21, $0.0e+00  }
0x12e: {  	v21 =	vsub.f32 v21, v19;
	_ =	sdelay $0x1  }
0x12f: {  	v21 =	vmul.f32 $1.442695020e+00, v21;
	_ =	sdelay $0x1  }
0x130: {  	(erf) = vpow2.f32 v21;
	_ =	sdelay $0x8  }
0x131: {  	v21 =	vpop (erf)  }
0x132: {  	[tilespmem:s18+$0xFFFFFFE0] =	vst v21  }
0x133: {  	v22 =	vld [tilespmem:s10+$0xFFFFFFE0]  }
0x134: {  	v23 =	vld [tilespmem:s17+$0xFFFFFFE0];
	_ =	sdelay $0x4  }
0x135: {  	v22 =	vadd.f32 v23, v22;
	_ =	sdelay $0x1  }
0x136: {  	v21 =	vmul.f32 v21, v22;
	_ =	sdelay $0x1  }
0x137: {  	[tilespmem:s18+$0xFFFFFFA0] =	vst v21  }
0x138: {  	v21 =	vld [tilespmem:s13+$0xFFFFFFF0];
	_ =	sdelay $0x4  }
0x139: {  	v21 =	vmul.f32 v21, v12;
	_ =	sdelay $0x1  }
0x13a: {  	v21 =	vadd.f32 v21, v16;
	_ =	sdelay $0x1  }
0x13b: {  	v21 =	vmax.f32 v21, $0.0e+00  }
0x13c: {  	v21 =	vsub.f32 v21, v20;
	_ =	sdelay $0x1  }
0x13d: {  	v21 =	vmul.f32 $1.442695020e+00, v21;
	_ =	sdelay $0x1  }
0x13e: {  	(erf) = vpow2.f32 v21;
	_ =	sdelay $0x8  }
0x13f: {  	v21 =	vpop (erf)  }
0x140: {  	[tilespmem:s18+$0xFFFFFFF0] =	vst v21  }
0x141: {  	v22 =	vld [tilespmem:s10+$0xFFFFFFF0]  }
0x142: {  	v23 =	vld [tilespmem:s17+$0xFFFFFFF0];
	_ =	sdelay $0x4  }
0x143: {  	v22 =	vadd.f32 v23, v22;
	_ =	sdelay $0x1  }
0x144: {  	v21 =	vmul.f32 v21, v22;
	_ =	sdelay $0x1  }
0x145: {  	[tilespmem:s18+$0xFFFFFFB0] =	vst v21  }
0x146: {  	v21 =	vld [tilespmem:s13+$0x0];
	_ =	sdelay $0x4  }
0x147: {  	v21 =	vmul.f32 v21, v9;
	_ =	sdelay $0x1  }
0x148: {  	v21 =	vadd.f32 v21, v13;
	_ =	sdelay $0x1  }
0x149: {  	v21 =	vmax.f32 v21, $0.0e+00  }
0x14a: {  	v21 =	vsub.f32 v21, v17;
	_ =	sdelay $0x1  }
0x14b: {  	v21 =	vmul.f32 $1.442695020e+00, v21;
	_ =	sdelay $0x1  }
0x14c: {  	(erf) = vpow2.f32 v21;
	_ =	sdelay $0x8  }
0x14d: {  	v21 =	vpop (erf)  }
0x14e: {  	[tilespmem:s18+$0x40] =	vst v21  }
0x14f: {  	v22 =	vld [tilespmem:s10+$0x0]  }
0x150: {  	v23 =	vld [tilespmem:s17+$0x0];
	_ =	sdelay $0x4  }
0x151: {  	v22 =	vadd.f32 v23, v22;
	_ =	sdelay $0x1  }
0x152: {  	v21 =	vmul.f32 v21, v22;
	_ =	sdelay $0x1  }
0x153: {  	[tilespmem:s18+$0x0] =	vst v21  }
0x154: {  	v21 =	vld [tilespmem:s13+$0x10];
	_ =	sdelay $0x4  }
0x155: {  	v21 =	vmul.f32 v21, v10;
	_ =	sdelay $0x1  }
0x156: {  	v21 =	vadd.f32 v21, v14;
	_ =	sdelay $0x1  }
0x157: {  	v21 =	vmax.f32 v21, $0.0e+00  }
0x158: {  	v21 =	vsub.f32 v21, v18;
	_ =	sdelay $0x1  }
0x159: {  	v21 =	vmul.f32 $1.442695020e+00, v21;
	_ =	sdelay $0x1  }
0x15a: {  	(erf) = vpow2.f32 v21;
	_ =	sdelay $0x8  }
0x15b: {  	v21 =	vpop (erf)  }
0x15c: {  	[tilespmem:s18+$0x50] =	vst v21  }
0x15d: {  	v22 =	vld [tilespmem:s10+$0x10]  }
0x15e: {  	v23 =	vld [tilespmem:s17+$0x10];
	_ =	sdelay $0x4  }
0x15f: {  	v22 =	vadd.f32 v23, v22;
	_ =	sdelay $0x1  }
0x160: {  	v21 =	vmul.f32 v21, v22;
	_ =	sdelay $0x1  }
0x161: {  	[tilespmem:s18+$0x10] =	vst v21  }
0x162: {  	v21 =	vld [tilespmem:s13+$0x20];
	_ =	sdelay $0x4  }
0x163: {  	v21 =	vmul.f32 v21, v11;
	_ =	sdelay $0x1  }
0x164: {  	v21 =	vadd.f32 v21, v15;
	_ =	sdelay $0x1  }
0x165: {  	v21 =	vmax.f32 v21, $0.0e+00  }
0x166: {  	v21 =	vsub.f32 v21, v19;
	_ =	sdelay $0x1  }
0x167: {  	v21 =	vmul.f32 $1.442695020e+00, v21;
	_ =	sdelay $0x1  }
0x168: {  	(erf) = vpow2.f32 v21;
	_ =	sdelay $0x8  }
0x169: {  	v21 =	vpop (erf)  }
0x16a: {  	[tilespmem:s18+$0x60] =	vst v21  }
0x16b: {  	v22 =	vld [tilespmem:s10+$0x20]  }
0x16c: {  	v23 =	vld [tilespmem:s17+$0x20];
	_ =	sdelay $0x4  }
0x16d: {  	v22 =	vadd.f32 v23, v22;
	_ =	sdelay $0x1  }
0x16e: {  	v21 =	vmul.f32 v21, v22;
	_ =	sdelay $0x1  }
0x16f: {  	[tilespmem:s18+$0x20] =	vst v21  }
0x170: {  	v21 =	vld [tilespmem:s13+$0x30];
	_ =	sdelay $0x4  }
0x171: {  	v21 =	vmul.f32 v21, v12;
	_ =	sdelay $0x1  }
0x172: {  	v21 =	vadd.f32 v21, v16;
	_ =	sdelay $0x1  }
0x173: {  	v21 =	vmax.f32 v21, $0.0e+00  }
0x174: {  	v21 =	vsub.f32 v21, v20;
	_ =	sdelay $0x1  }
0x175: {  	v21 =	vmul.f32 $1.442695020e+00, v21;
	_ =	sdelay $0x1  }
0x176: {  	(erf) = vpow2.f32 v21;
	_ =	sdelay $0x8  }
0x177: {  	v21 =	vpop (erf)  }
0x178: {  	[tilespmem:s18+$0x70] =	vst v21  }
0x179: {  	v22 =	vld [tilespmem:s10+$0x30]  }
0x17a: {  	v23 =	vld [tilespmem:s17+$0x30];
	_ =	sdelay $0x2  }
0x17b: {  	s16 =	sadd.s32 $0x2, s16  }
0x17c: {  	p0 =	slt.u32 s16, $0x7E  }
.Ltmp2:
0x17d: {  	v22 =	vadd.f32 v23, v22;
	(pc) =	sbr.rel @p0 .LBB2_7-.Ltmp2, $4  }
0x17e: {  	_ = 	snop  }
0x17f: {  	v21 =	vmul.f32 v21, v22  }
0x180: {  	s13 =	sadd.s32 $0x80, s13  }
0x181: {  	s17 =	sadd.s32 $0x80, s17;
	s10 =	sadd.s32 $0x80, s10;
	[tilespmem:s18+$0x30] =	vst v21;
	s18 =	sadd.s32 $0x100, s18  }
0x182: {  	s15 =	sadd.s32 $0x1, s15  }
0x183: {  	p0 =	sne.s32 s15, $0x51  }
.Ltmp3:
0x184: {  	_ = 	snop;
	(pc) =	sbr.rel @p0 .LBB2_4-.Ltmp3, $2  }
0x185: {  	_ =	sdelay $0x2  }
0x186: {  	[spmem:s1] =	stream.indirect.scatter.add.f32 [tilespmem:s20], [sflag:$0x4], $0x80, s11, s24, $0xb8;
	[tilespmem:$0x1FBC0] =	vst v63  }
0x187: {  	_ =	swait.ge [sflag:s22], $0x4000  }
0x188: {  	[sflag:s22] =	ssyncset.done $0x0  }
0x189: {  	[sflag:s22] =	ssyncadd.s32 $0xFFFFC000  }
0x18a: {  	_ =	swait.ge [sflag:s3], $0x2000  }
0x18b: {  	[sflag:s3] =	ssyncset.done $0x0  }
0x18c: {  	[sflag:s3] =	ssyncadd.s32 $0xFFFFE000  }
0x18d: {  	s10 =	stileid.u32;
	[bflag:$0x0] =	sbarrier.arrive $0xFFFF  }
0x18e: {  	s10 =	sshll.u32 s10, $0x6;
	s13 =	rddreg [dreg:$0x8]  }
0x18f: {  	s10 =	sor.u32 $0x1C05, s10;
	s15 =	rddreg [dreg:$0xd]  }
0x190: {  	[hbm:s13], [sflag:s10] =	dma.local [spmem:s15], $0x2720  }
0x191: {  	_ =	swait.ge [sflag:s21], $0x2720  }
0x192: {  	s25 =	rddreg [dreg:$0xe]  }
0x193: {  	s31 =	rddreg [dreg:$0x9];
	s13 =	sadd.s32 $0x1, s25  }
0x194: {  	p0 =	sne.s32 s13, s31  }
.Ltmp4:
0x195: {  	_ = 	snop;
	(pc) =	sbr.rel @p0 .LBB2_1-.Ltmp4, $3  }
0x196: {  	_ =	sdelay $0x1  }
0x197: {  	[sflag:s21] =	ssyncset.done $0x0  }
0x198: {  	[sflag:s21] =	ssyncadd.s32 $0xFFFFD8E0  }
0x199: {  	_ =	sfence.sel $0x180000  }
0x19a: {  	[bflag:$0x0] =	sbarrier.arrive $0xFFFF  }
0x19b: {  	_ =	strace $0x9000004A  }
0x19c: {  	s0 =	stileid.u32;
	[bflag:$0x2] =	sbarrier.arrive $0xFFFF  }
0x19d: {  	p0 =	sne.s32 s0, $0x0;
	s0 =	rddreg [dreg:$0x3]  }
0x19e: {  	s0 =	sadd.s32 @!p0 $0x100000, s0  }
0x19f: {  	[sflag:s0] =	ssyncadd.tile.s32 @!p0 $0x1;
	_ =	shalt  }
.Lfunc_end2:
_tile_overlayer_lowered:
.L_overlay_start_2:
0x1a0: {  	(tag) =	ssettag $0x2  }
0x1a1: {  	s0 =	rddreg [dreg:$0x0];
	s2 =	stileid.u32  }
0x1a2: {  	s1 =	rddreg [dreg:$0x1];
	p0 =	sne.s32 s2, $0x0  }
0x1a3: {  	s3 =	rddreg [dreg:$0x2];
	[bflag:$0x3] =	sbarrier.arrive $0xFFFF;
	s2 =	simm.s32 @!p0 $0x1C05  }
0x1a4: {  	[timem:s3], [sflag:s2] =	dma.local @!p0 [hbm:s0], s1  }
0x1a5: {  	s0 =	simm.s32 @!p0 $0x5  }
0x1a6: {  	_ =	swait.ge @!p0 [sflag:s0], s1  }
0x1a7: {  	s1 =	ssub.s32 @!p0 $0x0, s1;
	[sflag:s0] =	ssyncset.done @!p0 $0x0  }
0x1a8: {  	[sflag:s0] =	ssyncadd.s32 @!p0 s1  }
0x1a9: {  	[bflag:$0x3] =	sbarrier.arrive $0xFFFF  }
0x1aa: {  	_ =	shalt  }

// kernel: kernel.7.cloned.1.call-start
scs
__scs_entry_jumppad:
0x0: {  	(pc) =	sbr.rel $0x88, $3  }
0x1: {  	(tag) =	ssettag $0x0;
	lr =	simm.s32 $0x1  }
0x2: {  	[smem:$0x3F90] =	sst lr;
	_ =	strace $0xD0000000  }
0x3: {  	_ = 	snop  }
0x4: {  	_ = 	snop  }
0x5: {  	_ = 	snop  }
0x6: {  	_ = 	snop  }
0x7: {  	_ = 	snop  }
__scs_overlays_trampoline_lowered:
0x8: {  	[smem:$0x3F9F] =	sst s0  }
0x9: {  	[smem:$0x3FA0] =	sst s1  }
0xa: {  	[smem:$0x3FA1] =	sst s2  }
0xb: {  	[smem:$0x3FA2] =	sst s3  }
0xc: {  	[smem:$0x3FA3] =	sst s4  }
0xd: {  	[smem:$0x3FA4] =	sst s5  }
0xe: {  	[smem:$0x3FA5] =	sst s6  }
0xf: {  	[smem:$0x3FA6] =	sst s7  }
0x10: {  	[smem:$0x3FA7] =	sst s8  }
0x11: {  	[smem:$0x3FA8] =	sst s9;
	s0 =	simm.s32 @!p0 $0x0  }
0x12: {  	s1 =	sld [smem:$0x3F8E];
	s0 =	simm.s32 @p0 $0x1  }
0x13: {  	[smem:$0x3FA9] =	sst s0;
	s0 =	simm.s32 @!p1 $0x0  }
0x14: {  	s2 =	sld [smem:$0x3F8D];
	s0 =	simm.s32 @p1 $0x1  }
0x15: {  	[smem:$0x3FAA] =	sst s0;
	s0 =	simm.s32 @!p2 $0x0  }
0x16: {  	s3 =	sld [smem:$0x3FDB];
	s0 =	simm.s32 @p2 $0x1  }
0x17: {  	s4 =	simm.s32 $0x1BF5;
	[smem:$0x3FAC] =	sst s0  }
0x18: {  	s0 =	sld [smem:$0x3F8F];
	_ =	swait.ge [sflag:s4], $0x0  }
0x19: {  	s7 =	sld [smem:$0x3F90]  }
0x1a: {  	s8 =	sadd.s32 $0xFFFFE003, lr  }
0x1b: {  	s9 =	sadd.s32 $0xFFFFFEF7, lr;
	s5 =	simm.s32 $0xFFFFFFFF;
	p2 =	slt.u32 s8, $0xFFFFF086  }
0x1c: {  	p1 =	slt.u32 s9, $0xF7A;
	s5 =	simm.s32 @!p2 $0x0  }
0x1d: {  	s5 =	simm.s32 @p1 $0x1;
	p0 =	seq.s32 s7, s2  }
0x1e: {  	s7 =	smul.u32 @!p0 $0xF7A, s2;
	p2 =	seq.s32 @!p0 s5, $0x0  }
0x1f: {  	s9 =	smul.u32 $0xF7A, s1;
	s8 =	simm.s32 @!p0 $0x1BF5;
	p2 =	por !p2, p0  }
0x20: {  	[sflag:s8] =	ssyncset.s32 @!p0 $0xFFFFF086;
	s6 =	sadd.s32 @!p0 s3, s7;
	s7 =	simm.s32 @!p0 $0x108  }
0x21: {  	s3 =	sadd.s32 s3, s9;
	s6 =	sadd.s32 @!p0 $0x88, s6;
	s7 =	simm.s32 @p2 $0x1082  }
0x22: {  	[simem:s7], [sflag:s8] =	dma.local @!p0 [hbm:s6], $0xF7A  }
0x23: {  	s9 =	sor.u32 $0xD0000000, s2;
	s6 =	simm.s32 $0x108;
	_ =	swait.ge @!p0 [sflag:s8], $0x0  }
0x24: {  	s3 =	sadd.s32 $0x88, s3;
	s6 =	simm.s32 @!p1 $0x1082;
	[sflag:s4] =	ssyncset.s32 $0xFFFFF086  }
0x25: {  	[simem:s6], [sflag:s4] =	dma.local [hbm:s3], $0xF7A  }
0x26: {  	[smem:$0x3F90] =	sst s1;
	(tag) =	ssettag s2;
	_ =	strace s9  }
0x27: {  	s1 =	sld [smem:$0x3FA0]  }
0x28: {  	s2 =	sld [smem:$0x3FA1]  }
0x29: {  	s4 =	sld [smem:$0x3FA3]  }
0x2a: {  	p0 =	seq.s32 s5, $0x0;
	s5 =	sld [smem:$0x3FA4]  }
0x2b: {  	s6 =	sld [smem:$0x3FA5]  }
0x2c: {  	s7 =	sld [smem:$0x3FA6]  }
0x2d: {  	s3 =	simm.s32 $0x108;
	s8 =	sld [smem:$0x3FA7]  }
0x2e: {  	s3 =	simm.s32 @!p0 $0x1082;
	s9 =	sld [smem:$0x3FA8]  }
0x2f: {  	lr =	sadd.s32 s0, s3;
	s0 =	sld [smem:$0x3F9F]  }
0x30: {  	s3 =	sld [smem:$0x3FA2]  }
0x31: {  	[smem:$0x3FAB] =	sst s10  }
0x32: {  	s10 =	sld [smem:$0x3FA9];
	_ =	sdelay $0x3  }
0x33: {  	p0 =	seq.s32 s10, $0x1;
	s10 =	sld [smem:$0x3FAB];
	_ =	sdelay $0x3  }
0x34: {  	[smem:$0x3FAB] =	sst s10  }
0x35: {  	s10 =	sld [smem:$0x3FAA];
	_ =	sdelay $0x3  }
0x36: {  	p1 =	seq.s32 s10, $0x1;
	s10 =	sld [smem:$0x3FAB];
	_ =	sdelay $0x3  }
0x37: {  	[smem:$0x3FAB] =	sst s10  }
0x38: {  	s10 =	sld [smem:$0x3FAC]  }
0x39: {  	_ = 	snop;
	(pc) =	sbr.ind lr, $3  }
0x3a: {  	_ = 	snop  }
0x3b: {  	_ = 	snop  }
0x3c: {  	p2 =	seq.s32 s10, $0x1;
	s10 =	sld [smem:$0x3FAB]  }
0x3d: {  	_ =	shalt  }
0x3e: {  	_ =	shalt  }
0x3f: {  	_ =	shalt  }
0x40: {  	_ =	shalt  }
0x41: {  	_ =	shalt  }
0x42: {  	_ =	shalt  }
0x43: {  	_ =	shalt  }
0x44: {  	_ =	shalt  }
0x45: {  	_ =	shalt  }
0x46: {  	_ =	shalt  }
0x47: {  	_ =	shalt  }
0x48: {  	_ =	shalt  }
0x49: {  	_ =	shalt  }
0x4a: {  	_ =	shalt  }
0x4b: {  	_ =	shalt  }
0x4c: {  	_ =	shalt  }
0x4d: {  	_ =	shalt  }
0x4e: {  	_ =	shalt  }
0x4f: {  	_ =	shalt  }
0x50: {  	_ =	shalt  }
0x51: {  	_ =	shalt  }
0x52: {  	_ =	shalt  }
0x53: {  	_ =	shalt  }
0x54: {  	_ =	shalt  }
0x55: {  	_ =	shalt  }
0x56: {  	_ =	shalt  }
0x57: {  	_ =	shalt  }
0x58: {  	_ =	shalt  }
0x59: {  	_ =	shalt  }
0x5a: {  	_ =	shalt  }
0x5b: {  	_ =	shalt  }
0x5c: {  	_ =	shalt  }
0x5d: {  	_ =	shalt  }
0x5e: {  	_ =	shalt  }
0x5f: {  	_ =	shalt  }
0x60: {  	_ =	shalt  }
0x61: {  	_ =	shalt  }
0x62: {  	_ =	shalt  }
0x63: {  	_ =	shalt  }
0x64: {  	_ =	shalt  }
0x65: {  	_ =	shalt  }
0x66: {  	_ =	shalt  }
0x67: {  	_ =	shalt  }
0x68: {  	_ =	shalt  }
0x69: {  	_ =	shalt  }
0x6a: {  	_ =	shalt  }
0x6b: {  	_ =	shalt  }
0x6c: {  	_ =	shalt  }
0x6d: {  	_ =	shalt  }
0x6e: {  	_ =	shalt  }
0x6f: {  	_ =	shalt  }
0x70: {  	_ =	shalt  }
0x71: {  	_ =	shalt  }
0x72: {  	_ =	shalt  }
0x73: {  	_ =	shalt  }
0x74: {  	_ =	shalt  }
0x75: {  	_ =	shalt  }
0x76: {  	_ =	shalt  }
0x77: {  	_ =	shalt  }
0x78: {  	_ =	shalt  }
0x79: {  	_ =	shalt  }
0x7a: {  	_ =	shalt  }
0x7b: {  	_ =	shalt  }
0x7c: {  	_ =	shalt  }
0x7d: {  	_ =	shalt  }
0x7e: {  	_ =	shalt  }
0x7f: {  	_ =	shalt  }
0x80: {  	_ =	shalt  }
0x81: {  	_ =	shalt  }
0x82: {  	_ =	shalt  }
0x83: {  	_ =	shalt  }
0x84: {  	_ =	shalt  }
0x85: {  	_ =	shalt  }
0x86: {  	_ =	shalt  }
0x87: {  	_ =	shalt  }
.Lfunc_end0:
.L_simem_size_0:
called_computation_lowered:
.L_overlay_start_0:
0x88: {  	s2 =	sld [smem:$0x3FD9]  }
0x89: {  	s3 =	sld [smem:$0x3FFE];
	_ =	sdelay $0x1  }
0x8a: {  	s1 =	srdreg.scid  }
0x8b: {  	s0 =	sand.u32 $0x1, s1  }
0x8c: {  	s17 =	sshll.u32 s0, $0xA;
	s2 =	sadd.s32 s3, s2  }
0x8d: {  	s2 =	sadd.s32 s2, s17  }
0x8e: {  	[smem:$0x3FB7] =	sst s2  }
0x8f: {  	_ = 	snop  }
0x90: {  	s2 =	sld [smem:$0x3FD0];
	(tm) =	ssettm $0x1  }
0x91: {  	s18 =	sld [smem:$0x3FFB];
	_ =	sdelay $0x3  }
0x92: {  	_ =	strace s18  }
0x93: {  	s3 =	sld [smem:$0x3FFC];
	_ =	sdelay $0x3  }
0x94: {  	_ =	strace s3  }
0x95: {  	s3 =	sld [smem:$0x3FFD];
	_ =	sdelay $0x3  }
0x96: {  	_ =	strace s3  }
0x97: {  	_ =	strace $0x8FFFFFFF  }
0x98: {  	s19 =	sld [smem:$0x3FDB];
	_ =	sdelay $0x1  }
0x99: {  	s4 =	simm.s32 $_scs_section_size  }
0x9a: {  	s5 =	simm.s32 $_size__tile_overlayer_lowered;
	s6 =	simm.s32 $_tile_overlayer_lowered  }
0x9b: {  	s22 =	simm.s32 $0x1BFF;
	s21 =	sshll.u32 s6, $0x1;
	s3 =	sadd.s32 s4, s19  }
0x9c: {  	s7 =	simm.s32 $0x0;
	s20 =	sshll.u32 s5, $0x1;
	s5 =	sadd.s32 s21, s3  }
0x9d: {  	[timem:s7], [sflag:s22] =	dma.local [hbm:s5], s20  }
0x9e: {  	_ =	swait.ge [sflag:s22], s20  }
0x9f: {  	s4 =	ssub.s32 $0x0, s20;
	[sflag:s22] =	ssyncset.done $0x0  }
0xa0: {  	[sflag:s22] =	ssyncadd.s32 s4;
	_ =	sdelay $0x1  }
0xa1: {  	s23 =	simm.s32 $0x1B8B  }
0xa2: {  	_ =	swait.ge [sflag:s23], $0x1  }
0xa3: {  	[sflag:s23] =	ssyncset.done $0x0  }
0xa4: {  	s25 =	simm.s32 $0x1B8E;
	s24 =	sld [smem:$0x3FFE];
	[sflag:s23] =	ssyncadd.s32 $0xFFFFFFFF  }
0xa5: {  	s26 =	simm.s32 $execute0_lowered;
	[smem:$0x3FD2] =	sst s25  }
0xa6: {  	s5 =	sshll.u32 s26, $0x1;
	_ =	strace $0x80000046;
	[dreg:$0x1] =	wrdreg $0xFFFFFFFF  }
0xa7: {  	s28 =	simm.s32 $_size_execute0_lowered;
	s3 =	sadd.s32 s3, s5;
	[dreg:$0x0] =	wrdreg $0x0  }
0xa8: {  	s5 =	sshll.u32 s28, $0x1;
	[dreg:$0x2] =	wrdreg s3  }
0xa9: {  	[dreg:$0x3] =	wrdreg s5  }
0xaa: {  	[dreg:$0x4] =	wrdreg $0xC0  }
0xab: {  	_ =	task [dreg:s7], $0x5FFFF  }
0xac: {  	[dreg:$0x1] =	wrdreg $0xFFFFFFFF  }
0xad: {  	[dreg:$0x0] =	wrdreg $0x60  }
0xae: {  	[dreg:$0x2] =	wrdreg s24  }
0xaf: {  	[dreg:$0x3] =	wrdreg s2  }
0xb0: {  	[dreg:$0x4] =	wrdreg $0x9  }
0xb1: {  	_ =	task.clear_ibuf [dreg:s7], $0x5FFFF;
	_ =	strace $0x90000046  }
0xb2: {  	s29 =	simm.s32 $0x9;
	_ =	strace $0x80000048  }
0xb3: {  	_ =	swait.ge [sflag:s29], $0x1  }
0xb4: {  	[sflag:s29] =	ssyncadd.s32 $0xFFFFFFFF  }
0xb5: {  	_ =	strace $0x90000048  }
0xb6: {  	_ =	sfence  }
0xb7: {  	s30 =	sld [smem:$0x0];
	_ =	sdelay $0x2  }
0xb8: {  	s31 =	sshll.u32 s1, $0xD;
	s1 =	sshrl.u32 s1, $0x2  }
0xb9: {  	s3 =	sand.u32 $0x4000, s31;
	s1 =	sadd.s32 s1, s30  }
0xba: {  	s0 =	sor.u32 s3, s0;
	s1 =	sshll.u32 s1, $0x11  }
0xbb: {  	s0 =	sor.u32 s1, s0  }
0xbc: {  	s0 =	sadd.s32 $0x8F2B, s0  }
0xbd: {  	[sflag:s0] =	ssyncadd.remote.s32 $0x1  }
0xbe: {  	_ =	sfence.sel $0xFFFF  }
0xbf: {  	[dreg:$0x0] =	wrdreg $0xFFFFFFFF;
	(pc) =	sbr.abs _section_cstart, $3  }
0xc0: {  	[dreg:$0x1] =	wrdreg $0xFFFFFFFF  }
0xc1: {  	_ =	task.clear_ibuf [dreg:s7], $0x2FFFF;
	_ =	strace $0x9FFFFFFF  }
0xc2: {  	(tm) =	ssettm $0x7FFFFFFF  }
0xc3: {  	_ =	shalt  }
tec
execute0_lowered:
.L_overlay_start_1:
0x0: {  	(tag) =	ssettag $0x1  }
0x1: {  	s0 =	rddreg [dreg:$0x0];
	s2 =	simm.s32 $0x0;
	s25 =	srdreg.scid  }
0x2: {  	s6 =	stileid.u32;
	s8 =	simm.s32 $0x2;
	s20 =	simm.s32 $0x2710  }
0x3: {  	s21 =	simm.s32 $0x4E20;
	s22 =	simm.s32 $0x7530;
	s29 =	simm.s32 $0xB6B0  }
0x4: {  	s30 =	simm.s32 $0xF6B0;
	s31 =	simm.s32 $0x116B0;
	s9 =	simm.s32 $0x0  }
0x5: {  	[smem:$0x7FF] =	sst s2;
	s3 =	sadd.s32 $0x17A00, s0;
	s4 =	sadd.s32 $0xD800, s0  }
0x6: {  	s5 =	sadd.s32 $0x23600, s0;
	s1 =	sadd.s32 $0x23000, s0;
	s23 =	sadd.s32 $0x22A00, s0  }
0x7: {  	s24 =	sadd.s32 $0x22400, s0;
	s10 =	sadd.s32 $0x2D800, s0;
	s11 =	sadd.s32 $0x2FB400, s0  }
0x8: {  	s6 =	sshll.u32 s6, $0x1;
	s12 =	sadd.s32 $0x73400, s0;
	s13 =	sadd.s32 $0x54E00, s0  }
0x9: {  	s14 =	sadd.s32 $0x5F000, s0;
	_ =	strace $0x80000047;
	[dreg:$0x3] =	wrdreg s1  }
0xa: {  	s15 =	sadd.s32 $0x69200, s0;
	[dreg:$0x4] =	wrdreg s23;
	s1 =	sand.u32 $0x1, s25  }
0xb: {  	[dreg:$0x5] =	wrdreg s24;
	s23 =	simm.s32 $0x75B0;
	s6 =	sor.u32 s1, s6  }
0xc: {  	s25 =	simm.s32 $0x1;
	s1 =	ssub.s32 $0x2, s1;
	s7 =	sshll.u32 s6, $0x5  }
0xd: {  	s26 =	sshrl.u32 s1, $0x1;
	s16 =	smul.u32 $0x2880, s6;
	s0 =	sadd.s32 s7, s0  }
0xe: {  	s6 =	simm.s32 $0x137B0;
	s1 =	ssub.s32 s1, s26;
	s0 =	sadd.s32 $0x54A00, s0  }
0xf: {  	s26 =	simm.s32 $0x80;
	s28 =	smax.u32 s1, $0x1;
	[dreg:$0x6] =	wrdreg s0  }
0x10: {  	v0 =	vimm.f32 $0.0e+00;
	s7 =	simm.s32 $0x13730;
	[dreg:$0x7] =	wrdreg s28;
	s0 =	simm.s32 $0x136B0  }
.LBB2_1:
0x11: {  	[dreg:$0x8] =	wrdreg s9  }
0x12: {  	s1 =	rddreg [dreg:$0x3]  }
0x13: {  	[tilespmem:s2], [sflag:$0x2] =	stream.linear.gather [hbm4b:s1+s2], $0x2710, $0x38;
	[tilespmem:$0x13930] =	vst v63  }
0x14: {  	_ =	swait.ge [sflag:s8], $0x2710  }
0x15: {  	[sflag:s8] =	ssyncset.done $0x0  }
0x16: {  	s24 =	rddreg [dreg:$0x4];
	[sflag:s8] =	ssyncadd.s32 $0xFFFFD8F0  }
0x17: {  	[tilespmem:s20], [sflag:$0x2] =	stream.linear.gather [hbm4b:s24+s2], $0x2710, $0x38;
	[tilespmem:$0x13930] =	vst v63  }
0x18: {  	_ =	swait.ge [sflag:s8], $0x2710  }
0x19: {  	[sflag:s8] =	ssyncset.done $0x0  }
0x1a: {  	s28 =	rddreg [dreg:$0x5];
	[sflag:s8] =	ssyncadd.s32 $0xFFFFD8F0  }
0x1b: {  	v10 =	vimm.f32 $0.0e+00;
	[tilespmem:s21], [sflag:$0x2] =	stream.linear.gather [hbm4b:s28+s2], $0x2710, $0x38;
	[tilespmem:$0x13930] =	vst v63  }
0x1c: {  	v2 =	vimm.f32 $0.0e+00;
	v1 =	vimm.f32 $0.0e+00;
	v3 =	vimm.f32 $0.0e+00;
	_ =	swait.ge [sflag:s8], $0x2710  }
0x1d: {  	v5 =	vimm.f32 $0.0e+00;
	v4 =	vimm.f32 $0.0e+00;
	v6 =	vimm.f32 $0.0e+00;
	[sflag:s8] =	ssyncset.done $0x0  }
0x1e: {  	v7 =	vimm.f32 $0.0e+00;
	v8 =	vimm.f32 $0.0e+00;
	v9 =	vimm.f32 $0.0e+00;
	s9 =	simm.s32 $0x0;
	[sflag:s8] =	ssyncadd.s32 $0xFFFFD8F0  }
.LBB2_2:
0x1f: {  	s1 =	sshll.u32 s9, $0x7  }
0x20: {  	s18 =	sadd.s32 s16, s1  }
0x21: {  	s17 =	sshrl.u32 s18, $0x3  }
0x22: {  	s8 =	simm.s32 $0x0;
	s19 =	sadd.s32 s3, s17  }
0x23: {  	[tilespmem:s22], [sflag:$0x1] =	stream.linear.gather [hbm4b:s19+s8], $0x80, $0x38;
	[tilespmem:$0x13930] =	vst v63  }
0x24: {  	s24 =	sadd.s32 s4, s17  }
0x25: {  	[tilespmem:s23], [sflag:$0x1] =	stream.linear.gather [hbm4b:s24+s8], $0x80, $0x38;
	[tilespmem:$0x13930] =	vst v63  }
0x26: {  	s28 =	sadd.s32 s5, s17;
	s19 =	simm.s32 $0x7630  }
0x27: {  	[tilespmem:s19], [sflag:$0x1] =	stream.linear.gather [hbm4b:s28+s8], $0x80, $0x38;
	[tilespmem:$0x13930] =	vst v63  }
0x28: {  	_ =	swait.ge [sflag:s25], $0x80  }
0x29: {  	[sflag:s25] =	ssyncset.done $0x0  }
0x2a: {  	[sflag:s25] =	ssyncadd.s32 $0xFFFFFF80  }
0x2b: {  	_ =	swait.ge [sflag:s25], $0x80  }
0x2c: {  	[sflag:s25] =	ssyncset.done $0x0  }
0x2d: {  	[sflag:s25] =	ssyncadd.s32 $0xFFFFFF80  }
0x2e: {  	_ =	swait.ge [sflag:s25], $0x80  }
0x2f: {  	[sflag:s25] =	ssyncset.done $0x0  }
0x30: {  	[sflag:s25] =	ssyncadd.s32 $0xFFFFFF80  }
0x31: {  	s28 =	simm.s32 $0x76B0;
	s24 =	rddreg [dreg:$0x1]  }
0x32: {  	[tilespmem:s28], [sflag:$0x1] =	stream.indirect.gather [hbm4b:s24+s26], $0x80, s23, s26, $0xb8;
	[tilespmem:$0x13930] =	vst v63  }
0x33: {  	_ = 	snop  }
0x34: {  	[tilespmem:s29], [sflag:$0x1] =	stream.indirect.gather [hbm4b:s10+s26], $0x80, s22, s26, $0xb8;
	[tilespmem:$0x13930] =	vst v63  }
0x35: {  	_ =	swait.ge [sflag:s25], $0x4000  }
0x36: {  	[sflag:s25] =	ssyncset.done $0x0  }
0x37: {  	[sflag:s25] =	ssyncadd.s32 $0xFFFFC000  }
0x38: {  	_ =	swait.ge [sflag:s25], $0x4000  }
0x39: {  	[sflag:s25] =	ssyncset.done $0x0  }
0x3a: {  	s8 =	simm.s32 $0x76F0;
	[sflag:s25] =	ssyncadd.s32 $0xFFFFC000  }
0x3b: {  	s19 =	simm.s32 $0xB6F0;
	v11 =	vld [tilespmem:s8+$0xFFFFFFC0]  }
0x3c: {  	v12 =	vld [tilespmem:s19+$0xFFFFFFC0];
	_ =	sdelay $0x4  }
0x3d: {  	v11 =	vsub.f32 v11, v12  }
0x3e: {  	s1 =	simm.s32 $0x0  }
0x3f: {  	[tilespmem:s1+$0xF6B0] =	vst v11  }
0x40: {  	v11 =	vld [tilespmem:s8+$0xFFFFFFD0]  }
0x41: {  	v58 =	vld [tilespmem:s19+$0xFFFFFFD0];
	_ =	sdelay $0x4  }
0x42: {  	v11 =	vsub.f32 v11, v58;
	_ =	sdelay $0x1  }
0x43: {  	[tilespmem:s1+$0xF6C0] =	vst v11  }
0x44: {  	v11 =	vld [tilespmem:s8+$0xFFFFFFE0]  }
0x45: {  	v59 =	vld [tilespmem:s19+$0xFFFFFFE0];
	_ =	sdelay $0x4  }
0x46: {  	v11 =	vsub.f32 v11, v59;
	_ =	sdelay $0x1  }
0x47: {  	[tilespmem:s1+$0xF6D0] =	vst v11  }
0x48: {  	v11 =	vld [tilespmem:s8+$0xFFFFFFF0]  }
0x49: {  	v60 =	vld [tilespmem:s19+$0xFFFFFFF0];
	_ =	sdelay $0x4  }
0x4a: {  	v11 =	vsub.f32 v11, v60;
	_ =	sdelay $0x1  }
0x4b: {  	[tilespmem:s1+$0xF6E0] =	vst v11  }
0x4c: {  	v11 =	vld [tilespmem:s8+$0x0]  }
0x4d: {  	v61 =	vld [tilespmem:s19+$0x0];
	_ =	sdelay $0x4  }
0x4e: {  	v11 =	vsub.f32 v11, v61;
	_ =	sdelay $0x1  }
0x4f: {  	[tilespmem:s1+$0x116B0] =	vst v11  }
0x50: {  	v11 =	vld [tilespmem:s8+$0x10]  }
0x51: {  	v62 =	vld [tilespmem:s19+$0x10];
	_ =	sdelay $0x4  }
0x52: {  	v11 =	vsub.f32 v11, v62;
	_ =	sdelay $0x1  }
0x53: {  	[tilespmem:s1+$0x116C0] =	vst v11  }
0x54: {  	v11 =	vld [tilespmem:s8+$0x20]  }
0x55: {  	v63 =	vld [tilespmem:s19+$0x20];
	_ =	sdelay $0x4  }
0x56: {  	v11 =	vsub.f32 v11, v63;
	_ =	sdelay $0x1  }
0x57: {  	[tilespmem:s1+$0x116D0] =	vst v11  }
0x58: {  	s24 =	simm.s32 $0x100;
	v11 =	vld [tilespmem:s8+$0x30]  }
.LBB2_3:
0x59: {  	p0 =	sne.s32 s24, $0x7F00;
	v12 =	vld [tilespmem:s19+$0x30];
	s19 =	sadd.s32 $0x80, s19;
	s8 =	sadd.s32 $0x80, s8  }
0x5a: {  	s28 =	smov.u32 s24;
	s24 =	sadd.s32 $0x100, s24;
	_ =	sdelay $0x3  }
0x5b: {  	v11 =	vsub.f32 v11, v12;
	_ =	sdelay $0x1  }
0x5c: {  	[tilespmem:s1+$0x116E0] =	vst v11  }
0x5d: {  	v11 =	vld [tilespmem:s8+$0xFFFFFFC0]  }
0x5e: {  	v12 =	vld [tilespmem:s19+$0xFFFFFFC0];
	_ =	sdelay $0x4  }
0x5f: {  	v11 =	vsub.f32 v11, v12  }
0x60: {  	s1 =	sshra.s32 s28, $0x2  }
0x61: {  	[tilespmem:s1+$0xF6B0] =	vst v11  }
0x62: {  	v11 =	vld [tilespmem:s8+$0xFFFFFFD0]  }
0x63: {  	v12 =	vld [tilespmem:s19+$0xFFFFFFD0];
	_ =	sdelay $0x4  }
0x64: {  	v11 =	vsub.f32 v11, v12;
	_ =	sdelay $0x1  }
0x65: {  	[tilespmem:s1+$0xF6C0] =	vst v11  }
0x66: {  	v11 =	vld [tilespmem:s8+$0xFFFFFFE0]  }
0x67: {  	v12 =	vld [tilespmem:s19+$0xFFFFFFE0];
	_ =	sdelay $0x4  }
0x68: {  	v11 =	vsub.f32 v11, v12;
	_ =	sdelay $0x1  }
0x69: {  	[tilespmem:s1+$0xF6D0] =	vst v11  }
0x6a: {  	v11 =	vld [tilespmem:s8+$0xFFFFFFF0]  }
0x6b: {  	v12 =	vld [tilespmem:s19+$0xFFFFFFF0];
	_ =	sdelay $0x4  }
0x6c: {  	v11 =	vsub.f32 v11, v12;
	_ =	sdelay $0x1  }
0x6d: {  	[tilespmem:s1+$0xF6E0] =	vst v11  }
0x6e: {  	v11 =	vld [tilespmem:s8+$0x0]  }
0x6f: {  	v12 =	vld [tilespmem:s19+$0x0];
	_ =	sdelay $0x4  }
0x70: {  	v11 =	vsub.f32 v11, v12;
	_ =	sdelay $0x1  }
0x71: {  	[tilespmem:s1+$0x116B0] =	vst v11  }
0x72: {  	v11 =	vld [tilespmem:s8+$0x10]  }
0x73: {  	v12 =	vld [tilespmem:s19+$0x10];
	_ =	sdelay $0x4  }
0x74: {  	v11 =	vsub.f32 v11, v12;
	_ =	sdelay $0x1  }
0x75: {  	[tilespmem:s1+$0x116C0] =	vst v11  }
0x76: {  	v11 =	vld [tilespmem:s8+$0x20]  }
0x77: {  	v12 =	vld [tilespmem:s19+$0x20];
	_ =	sdelay $0x3  }
.Ltmp0:
0x78: {  	(pc) =	sbr.rel @p0 .LBB2_3-.Ltmp0, $3  }
0x79: {  	v11 =	vsub.f32 v11, v12;
	_ =	sdelay $0x1  }
0x7a: {  	[tilespmem:s1+$0x116D0] =	vst v11  }
0x7b: {  	v11 =	vld [tilespmem:s8+$0x30]  }
0x7c: {  	v12 =	vld [tilespmem:s19+$0x30];
	_ =	sdelay $0x4  }
0x7d: {  	v11 =	vsub.f32 v11, v12  }
0x7e: {  	s8 =	sshll.u32 s18, $0x3  }
0x7f: {  	s24 =	simm.s32 $0x0;
	s19 =	sadd.s32 s11, s8;
	[tilespmem:s1+$0x116E0] =	vst v11  }
0x80: {  	[hbm4b:s19+s24] =	stream.linear.scatter [tilespmem:s30], [sflag:$0x1], $0x2000, $0x38;
	[tilespmem:$0x13930] =	vst v63  }
0x81: {  	s28 =	sadd.s32 s12, s8;
	s1 =	simm.s32 $0x0  }
0x82: {  	[hbm4b:s28+s24] =	stream.linear.scatter [tilespmem:s31], [sflag:$0x1], $0x2000, $0x38;
	[tilespmem:$0x13930] =	vst v63  }
0x83: {  	v12 =	vld [tilespmem:s1+$0x7530];
	_ =	sdelay $0x2  }
0x84: {  	v13 =	vld [tilespmem:s1+$0x75B0];
	_ =	sdelay $0x2  }
0x85: {  	s18 =	simm.s32 $0x10;
	v11 =	vld [tilespmem:s1+$0x7630]  }
0x86: {  	v17 =	vld [tilespmem:s18+$0x7530]  }
0x87: {  	v14 =	vld.idx.msk [tilespmem:v12+s2+$0x0], $0xffff  }
0x88: {  	v15 =	vld.idx.msk [tilespmem:v12+s20+$0x0], $0xffff  }
0x89: {  	v12 =	vld.idx.msk [tilespmem:v12+s21+$0x0], $0xffff  }
0x8a: {  	v16 =	vld.idx.msk [tilespmem:v13+s2+$0x0], $0xffff  }
0x8b: {  	v18 =	vld.idx.msk [tilespmem:v13+s21+$0x0], $0xffff  }
0x8c: {  	v13 =	vld.idx.msk [tilespmem:v13+s20+$0x0], $0xffff;
	_ =	sdelay $0x2  }
0x8d: {  	v16 =	vsub.f32 v16, v14;
	v14 =	vld [tilespmem:s18+$0x75B0]  }
0x8e: {  	v12 =	vsub.f32 v18, v12  }
0x8f: {  	s8 =	simm.s32 $0x80;
	v10 =	vadd.f32 v11, v10;
	v15 =	vsub.f32 v13, v15;
	[tilespmem:s1+$0x136B0] =	vst v16;
	v13 =	vmul.f32 v16, v11  }
.LBB2_5:
0x90: {  	p0 =	sne.s32 s8, $0x1C0;
	[tilespmem:s1+$0x137B0] =	vst v12;
	s19 =	smov.u32 s8;
	s8 =	sadd.s32 $0x40, s8  }
0x91: {  	v19 =	vmul.f32 v12, v11;
	[tilespmem:s1+$0x13730] =	vst v15;
	v18 =	vmul.f32 v15, v11;
	v11 =	vld [tilespmem:s18+$0x7630];
	v9 =	vadd.f32 v13, v9;
	s1 =	smov.u32 s18  }
0x92: {  	v16 =	vmul.f32 v13, v16;
	v21 =	vmul.f32 v15, v13;
	v20 =	vld.idx.msk [tilespmem:v17+s2+$0x0], $0xffff  }
0x93: {  	v7 =	vadd.f32 v19, v7;
	v22 =	vld.idx.msk [tilespmem:v17+s20+$0x0], $0xffff;
	v15 =	vmul.f32 v18, v15;
	v23 =	vmul.f32 v12, v18  }
0x94: {  	v6 =	vadd.f32 v16, v6;
	v16 =	vmul.f32 v19, v12;
	v3 =	vadd.f32 v21, v3;
	v24 =	vld.idx.msk [tilespmem:v17+s21+$0x0], $0xffff  }
0x95: {  	v12 =	vmul.f32 v12, v13;
	v19 =	vld.idx.msk [tilespmem:v14+s2+$0x0], $0xffff;
	v4 =	vadd.f32 v15, v4;
	v2 =	vadd.f32 v23, v2  }
0x96: {  	v8 =	vadd.f32 v18, v8;
	v5 =	vadd.f32 v16, v5;
	v13 =	vld.idx.msk [tilespmem:v14+s21+$0x0], $0xffff  }
0x97: {  	s18 =	sshra.s32 s19, $0x2;
	v1 =	vadd.f32 v12, v1;
	v10 =	vadd.f32 v11, v10;
	v15 =	vld.idx.msk [tilespmem:v14+s20+$0x0], $0xffff  }
0x98: {  	v17 =	vld [tilespmem:s18+$0x7530]  }
.Ltmp1:
0x99: {  	v14 =	vld [tilespmem:s18+$0x75B0];
	(pc) =	sbr.rel @p0 .LBB2_5-.Ltmp1, $4  }
0x9a: {  	_ = 	snop  }
0x9b: {  	v16 =	vsub.f32 v19, v20  }
0x9c: {  	v12 =	vsub.f32 v13, v24  }
0x9d: {  	v15 =	vsub.f32 v15, v22;
	v13 =	vmul.f32 v16, v11;
	[tilespmem:s1+$0x136B0] =	vst v16  }
0x9e: {  	_ =	sdelay $0x1  }
0x9f: {  	[tilespmem:s1+$0x137B0] =	vst v12  }
0xa0: {  	v18 =	vld [tilespmem:s18+$0x7630];
	[tilespmem:s1+$0x13730] =	vst v15  }
0xa1: {  	v19 =	vld.idx.msk [tilespmem:v17+s2+$0x0], $0xffff  }
0xa2: {  	v20 =	vld.idx.msk [tilespmem:v17+s20+$0x0], $0xffff  }
0xa3: {  	v51 =	vld.idx.msk [tilespmem:v17+s21+$0x0], $0xffff  }
0xa4: {  	v21 =	vld.idx.msk [tilespmem:v14+s2+$0x0], $0xffff  }
0xa5: {  	v22 =	vld.idx.msk [tilespmem:v14+s21+$0x0], $0xffff  }
0xa6: {  	v52 =	vld.idx.msk [tilespmem:v14+s20+$0x0], $0xffff;
	_ =	sdelay $0x2  }
0xa7: {  	v19 =	vsub.f32 v21, v19  }
0xa8: {  	v17 =	vsub.f32 v22, v51  }
0xa9: {  	v14 =	vsub.f32 v52, v20;
	[tilespmem:s18+$0x136B0] =	vst v19  }
0xaa: {  	[tilespmem:s18+$0x137B0] =	vst v17  }
0xab: {  	s19 =	sadd.s32 s13, s17;
	[tilespmem:s18+$0x13730] =	vst v14  }
0xac: {  	[hbm4b:s19+s2] =	stream.linear.scatter [tilespmem:s0], [sflag:$0x1], $0x80, $0x38;
	[tilespmem:$0x13930] =	vst v63  }
0xad: {  	s24 =	sadd.s32 s14, s17  }
0xae: {  	[hbm4b:s24+s2] =	stream.linear.scatter [tilespmem:s7], [sflag:$0x1], $0x80, $0x38;
	[tilespmem:$0x13930] =	vst v63  }
0xaf: {  	s28 =	sadd.s32 s15, s17  }
0xb0: {  	[hbm4b:s28+s2] =	stream.linear.scatter [tilespmem:s6], [sflag:$0x1], $0x80, $0x38;
	[tilespmem:$0x13930] =	vst v63  }
0xb1: {  	_ =	swait.ge [sflag:s25], $0x2000  }
0xb2: {  	[sflag:s25] =	ssyncset.done $0x0  }
0xb3: {  	v53 =	vmul.f32 v15, v11;
	v11 =	vmul.f32 v12, v11;
	[sflag:s25] =	ssyncadd.s32 $0xFFFFE000  }
0xb4: {  	v9 =	vadd.f32 v13, v9;
	v16 =	vmul.f32 v13, v16;
	v54 =	vmul.f32 v15, v13;
	_ =	swait.ge [sflag:s25], $0x2000  }
0xb5: {  	v57 =	vmul.f32 v12, v13;
	v7 =	vadd.f32 v11, v7;
	v55 =	vmul.f32 v53, v15;
	[sflag:s25] =	ssyncset.done $0x0  }
0xb6: {  	v6 =	vadd.f32 v16, v6;
	v11 =	vmul.f32 v11, v12;
	v3 =	vadd.f32 v54, v3;
	[sflag:s25] =	ssyncadd.s32 $0xFFFFE000  }
0xb7: {  	v56 =	vmul.f32 v12, v53;
	v8 =	vadd.f32 v53, v8;
	v1 =	vadd.f32 v57, v1;
	_ =	swait.ge [sflag:s25], $0x80  }
0xb8: {  	v4 =	vadd.f32 v55, v4;
	v5 =	vadd.f32 v11, v5;
	v11 =	vmul.f32 v19, v18;
	[sflag:s25] =	ssyncset.done $0x0  }
0xb9: {  	s9 =	sadd.s32 $0x1, s9;
	v2 =	vadd.f32 v56, v2;
	v58 =	vmul.f32 v14, v18;
	v59 =	vmul.f32 v17, v18;
	[sflag:s25] =	ssyncadd.s32 $0xFFFFFF80  }
0xba: {  	p0 =	sne.s32 s9, $0x51;
	v10 =	vadd.f32 v18, v10;
	v9 =	vadd.f32 v11, v9;
	v60 =	vmul.f32 v11, v19;
	_ =	swait.ge [sflag:s25], $0x80  }
.Ltmp2:
0xbb: {  	v61 =	vmul.f32 v14, v11;
	v7 =	vadd.f32 v59, v7;
	v14 =	vmul.f32 v58, v14;
	[sflag:s25] =	ssyncset.done $0x0;
	(pc) =	sbr.rel @p0 .LBB2_2-.Ltmp2, $4  }
0xbc: {  	v62 =	vmul.f32 v17, v58;
	v63 =	vmul.f32 v59, v17;
	v8 =	vadd.f32 v58, v8;
	[sflag:s25] =	ssyncadd.s32 $0xFFFFFF80  }
0xbd: {  	v11 =	vmul.f32 v17, v11;
	v6 =	vadd.f32 v60, v6;
	v3 =	vadd.f32 v61, v3;
	_ =	swait.ge [sflag:s25], $0x80  }
0xbe: {  	v4 =	vadd.f32 v14, v4;
	v2 =	vadd.f32 v62, v2;
	[sflag:s25] =	ssyncset.done $0x0  }
0xbf: {  	v5 =	vadd.f32 v63, v5;
	v1 =	vadd.f32 v11, v1;
	[sflag:s25] =	ssyncadd.s32 $0xFFFFFF80  }
0xc0: {  	[tilespmem:$0x13830] =	vst v9  }
0xc1: {  	[tilespmem:$0x13840] =	vst v8  }
0xc2: {  	[tilespmem:$0x13850] =	vst v7  }
0xc3: {  	[tilespmem:$0x13860] =	vst v6  }
0xc4: {  	[tilespmem:$0x13870] =	vst v4  }
0xc5: {  	[tilespmem:$0x13890] =	vst v3  }
0xc6: {  	[tilespmem:$0x138B0] =	vst v2  }
0xc7: {  	[tilespmem:$0x138C0] =	vst v10  }
0xc8: {  	[tilespmem:$0x138D0] =	vst v0  }
0xc9: {  	[tilespmem:$0x138E0] =	vst v0  }
0xca: {  	[tilespmem:$0x138F0] =	vst v0  }
0xcb: {  	[tilespmem:$0x13900] =	vst v0  }
0xcc: {  	[tilespmem:$0x13910] =	vst v0  }
0xcd: {  	[tilespmem:$0x13920] =	vst v0  }
0xce: {  	[tilespmem:$0x13880] =	vst v5  }
0xcf: {  	s1 =	rddreg [dreg:$0x6];
	s8 =	simm.s32 $0x13830;
	[tilespmem:$0x138A0] =	vst v1  }
0xd0: {  	[hbm4b:s1+s2] =	stream.linear.scatter [tilespmem:s8], [sflag:$0x2], $0x100, $0x38;
	[tilespmem:$0x13930] =	vst v63  }
0xd1: {  	s8 =	simm.s32 $0x2  }
0xd2: {  	_ =	swait.ge [sflag:s8], $0x100  }
0xd3: {  	s9 =	rddreg [dreg:$0x8]  }
0xd4: {  	s28 =	rddreg [dreg:$0x7];
	s9 =	sadd.s32 $0x1, s9  }
0xd5: {  	p0 =	sne.s32 s9, s28  }
.Ltmp3:
0xd6: {  	_ = 	snop;
	(pc) =	sbr.rel @p0 .LBB2_1-.Ltmp3, $3  }
0xd7: {  	_ =	sdelay $0x1  }
0xd8: {  	[sflag:s8] =	ssyncset.done $0x0  }
0xd9: {  	[sflag:s8] =	ssyncadd.s32 $0xFFFFFF00  }
0xda: {  	_ =	sfence.sel $0x180000  }
0xdb: {  	[bflag:$0x0] =	sbarrier.arrive $0xFFFF  }
0xdc: {  	_ =	strace $0x90000047  }
0xdd: {  	s0 =	stileid.u32;
	[bflag:$0x2] =	sbarrier.arrive $0xFFFF  }
0xde: {  	p0 =	sne.s32 s0, $0x0;
	s0 =	rddreg [dreg:$0x2]  }
0xdf: {  	s0 =	sadd.s32 @!p0 $0x100000, s0  }
0xe0: {  	[sflag:s0] =	ssyncadd.tile.s32 @!p0 $0x1;
	_ =	shalt  }
.Lfunc_end2:
_tile_overlayer_lowered:
.L_overlay_start_2:
0xe1: {  	(tag) =	ssettag $0x2  }
0xe2: {  	s0 =	rddreg [dreg:$0x0];
	s2 =	stileid.u32  }
0xe3: {  	s1 =	rddreg [dreg:$0x1];
	p0 =	sne.s32 s2, $0x0  }
0xe4: {  	s3 =	rddreg [dreg:$0x2];
	[bflag:$0x3] =	sbarrier.arrive $0xFFFF;
	s2 =	simm.s32 @!p0 $0x1C02  }
0xe5: {  	[timem:s3], [sflag:s2] =	dma.local @!p0 [hbm:s0], s1  }
0xe6: {  	s0 =	simm.s32 @!p0 $0x2  }
0xe7: {  	_ =	swait.ge @!p0 [sflag:s0], s1  }
0xe8: {  	s1 =	ssub.s32 @!p0 $0x0, s1;
	[sflag:s0] =	ssyncset.done @!p0 $0x0  }
0xe9: {  	[sflag:s0] =	ssyncadd.s32 @!p0 s1  }
0xea: {  	[bflag:$0x3] =	sbarrier.arrive $0xFFFF  }
0xeb: {  	_ =	shalt  }

</sc_bundles>
